<compile_context>
chip_gen: v7x
topology: tpu7x:2x2x1
jax: 0.10.2.dev20260603
libtpu: 0.0.44.dev20260713+nightly
codegen_flags: <defaults>
</compile_context>

<pallas_src>
import functools

import jax
import jax.numpy as jnp
from jax import lax
from jax.experimental import pallas as pl
from jax.experimental.pallas import tpu as pltpu
from jax.experimental.pallas import tpu_sc as plsc

_N = 10000
_E = 320000
_D = 128
_H = 64
_G = 64

_NW = 32
_K = 128
_ROWS = _E // _K
_CB = _ROWS // _NW
_CX = _ROWS - _CB * _NW
_NP = 10112
_RPT = _NP // 16
_DW = 8

_mesh = plsc.VectorSubcoreMesh(core_axis_name="c", subcore_axis_name="s")


@functools.partial(
    pl.kernel,
    mesh=_mesh,
    compiler_params=pltpu.CompilerParams(use_tc_tiling_on_sc=False),
    out_type=jax.ShapeDtypeStruct((2, _NP, _DW), jnp.float32),
    scratch_types=[
        pltpu.VMEM((_CB + 1, _K), jnp.int32),
        pltpu.VMEM((_K, _DW), jnp.float32),
        pltpu.VMEM_SHARED((_NP, _DW), jnp.float32),
    ],
)
def _deg_pass(dst_hbm, ones_hbm, zrow_hbm, out_hbm, didx_v, ones_v, deg_sh):
    c = lax.axis_index("c")
    s = lax.axis_index("s")
    w = c * 16 + s
    start = w * _CB + jnp.minimum(w, _CX)
    extra = w < _CX
    pltpu.sync_copy(zrow_hbm, deg_sh.at[pl.ds(s * _RPT, _RPT)])
    pltpu.sync_copy(ones_hbm, ones_v)
    pltpu.sync_copy(dst_hbm.at[pl.ds(start, _CB)], didx_v.at[pl.ds(0, _CB)])

    @pl.when(extra)
    def _():
        pltpu.sync_copy(dst_hbm.at[pl.ds(start + _CB, 1)],
                        didx_v.at[pl.ds(_CB, 1)])

    plsc.subcore_barrier()

    def body(i, carry):
        pltpu.sync_copy(ones_v, deg_sh.at[didx_v.at[i]], add=True)
        return carry

    lax.fori_loop(0, _CB + extra.astype(jnp.int32), body, 0)
    plsc.subcore_barrier()
    pltpu.sync_copy(deg_sh.at[pl.ds(s * _RPT, _RPT)],
                    out_hbm.at[c, pl.ds(s * _RPT, _RPT)])


@functools.partial(
    pl.kernel,
    mesh=_mesh,
    compiler_params=pltpu.CompilerParams(use_tc_tiling_on_sc=False),
    out_type=jax.ShapeDtypeStruct((_NP, 2 * _H), jnp.float32),
    scratch_types=[
        pltpu.VMEM((_CB + 1, _K), jnp.int32),
        pltpu.VMEM((_CB + 1, _K), jnp.int32),
        pltpu.VMEM((_K, _H), jnp.float32),
        pltpu.VMEM((_K, _H), jnp.float32),
        pltpu.VMEM_SHARED((_NP, _H), jnp.float32),
        pltpu.VMEM_SHARED((_NP, _H), jnp.float32),
        pltpu.SemaphoreType.DMA,
        pltpu.SemaphoreType.DMA,
    ],
)
def _seg_pass(a_hbm, src_hbm, dst_hbm, zrow_hbm, out_hbm,
              sidx_v, didx_v, buf0, buf1, agg_sh, feat_sh, sem0, sem1):
    c = lax.axis_index("c")
    s = lax.axis_index("s")
    w = c * 16 + s
    start = w * _CB + jnp.minimum(w, _CX)
    extra = w < _CX
    pltpu.sync_copy(zrow_hbm, agg_sh.at[pl.ds(s * _RPT, _RPT)])
    pltpu.sync_copy(a_hbm.at[pl.ds(s * _RPT, _RPT), pl.ds(0, _H)],
                    feat_sh.at[pl.ds(s * _RPT, _RPT)])
    pltpu.sync_copy(src_hbm.at[pl.ds(start, _CB)], sidx_v.at[pl.ds(0, _CB)])
    pltpu.sync_copy(dst_hbm.at[pl.ds(start, _CB)], didx_v.at[pl.ds(0, _CB)])

    @pl.when(extra)
    def _():
        pltpu.sync_copy(src_hbm.at[pl.ds(start + _CB, 1)],
                        sidx_v.at[pl.ds(_CB, 1)])
        pltpu.sync_copy(dst_hbm.at[pl.ds(start + _CB, 1)],
                        didx_v.at[pl.ds(_CB, 1)])

    plsc.subcore_barrier()
    g0 = pltpu.async_copy(feat_sh.at[sidx_v.at[0]], buf0, sem0)

    def body(j, carry):
        i0 = 2 * j
        g1 = pltpu.async_copy(feat_sh.at[sidx_v.at[i0 + 1]], buf1, sem1)
        pltpu.make_async_copy(feat_sh.at[pl.ds(0, _K)], buf0, sem0).wait()
        pltpu.sync_copy(buf0, agg_sh.at[didx_v.at[i0]], add=True)

        @pl.when(j < _CB // 2 - 1)
        def _():
            pltpu.async_copy(feat_sh.at[sidx_v.at[i0 + 2]], buf0, sem0)

        g1.wait()
        pltpu.sync_copy(buf1, agg_sh.at[didx_v.at[i0 + 1]], add=True)
        return carry

    lax.fori_loop(0, _CB // 2, body, 0)

    @pl.when(extra)
    def _():
        pltpu.sync_copy(feat_sh.at[sidx_v.at[_CB]], buf0)
        pltpu.sync_copy(buf0, agg_sh.at[didx_v.at[_CB]], add=True)

    plsc.subcore_barrier()
    pltpu.sync_copy(agg_sh.at[pl.ds(s * _RPT, _RPT)],
                    out_hbm.at[pl.ds(s * _RPT, _RPT), pl.ds(c * _H, _H)])


_RB = 2528
_NBLK = _NP // _RB


def _xw_body(x_ref, w_ref, xw_ref):
    xw_ref[...] = jnp.dot(x_ref[...], w_ref[...],
                          preferred_element_type=jnp.float32,
                          precision=lax.Precision.HIGHEST)


def _scale_body(xw_ref, dp_ref, dinv_ref, a_ref):
    deg = dp_ref[0, :, 0:1] + dp_ref[1, :, 0:1] + 1.0
    dinv = lax.rsqrt(deg)
    dinv_ref[...] = dinv
    a = dinv * xw_ref[...]
    a_ref[...] = jnp.concatenate([a, jnp.zeros_like(a)], axis=1)


def _conv_body(p_ref, a_ref, dinv_ref, b_ref, conv_ref, m_ref, v_ref):
    i = pl.program_id(0)
    c = (dinv_ref[...] * (p_ref[:, :_H] + p_ref[:, _H:] + a_ref[:, :_H])
         + b_ref[...])
    conv_ref[...] = c
    rows = lax.broadcasted_iota(jnp.int32, (_RB, 1), 0) + i * _RB
    cm = jnp.where(rows < _N, c, 0.0)

    @pl.when(i == 0)
    def _():
        m_ref[...] = jnp.zeros_like(m_ref)
        v_ref[...] = jnp.zeros_like(v_ref)

    m_ref[...] += jnp.sum(cm, axis=0, keepdims=True)
    v_ref[...] += jnp.sum(cm * cm, axis=0, keepdims=True)

    @pl.when(i == _NBLK - 1)
    def _():
        m = m_ref[...] / _N
        m_ref[...] = m
        v_ref[...] = v_ref[...] / _N - m * m


def _norm_body(has_res, c_ref, m_ref, v_ref, gm_ref, bt_ref, *rest):
    if has_res:
        res_ref, w_ref, dinv_ref, out_ref = rest
    else:
        w_ref, dinv_ref, out_ref = rest
    h = ((c_ref[...] - m_ref[...]) / jnp.sqrt(v_ref[...] + 1e-5)
         * gm_ref[...] + bt_ref[...])
    if has_res:
        h = h + res_ref[:, _H:]
    h = jnp.maximum(h, 0.0)
    hw = jnp.dot(h, w_ref[...], preferred_element_type=jnp.float32,
                 precision=lax.Precision.HIGHEST)
    out_ref[...] = jnp.concatenate([dinv_ref[...] * hw, h], axis=1)


def _pool_body(c_ref, m_ref, v_ref, gm_ref, bt_ref, batch_ref,
               wfc_ref, bfc_ref, out_ref):
    h = ((c_ref[...] - m_ref[...]) / jnp.sqrt(v_ref[...] + 1e-5)
         * gm_ref[...] + bt_ref[...])
    h = jnp.maximum(h, 0.0)
    gids = lax.broadcasted_iota(jnp.int32, (_G, _N), 0)
    onehot = (gids == batch_ref[...]).astype(jnp.float32)
    counts = jnp.sum(onehot, axis=1, keepdims=True)
    pooled = jnp.dot(onehot, h, preferred_element_type=jnp.float32,
                     precision=lax.Precision.HIGHEST)
    pooled = pooled / jnp.maximum(counts, 1.0)
    out_ref[...] = jnp.dot(pooled, wfc_ref[...],
                           preferred_element_type=jnp.float32,
                           precision=lax.Precision.HIGHEST) + bfc_ref[...]


def _rows(bs):
    return pl.BlockSpec((_RB, bs), lambda i: (i, 0))


def _bcast(r, c):
    return pl.BlockSpec((r, c), lambda i: (0, 0))


def _conv(p, a, dinv, b):
    s = jax.ShapeDtypeStruct((1, _H), jnp.float32)
    return pl.pallas_call(
        _conv_body,
        grid=(_NBLK,),
        in_specs=[pl.BlockSpec((_RB, 2 * _H), lambda i: (i, 0)),
                  _rows(2 * _H), _rows(1), _bcast(1, _H)],
        out_specs=[_rows(_H), _bcast(1, _H), _bcast(1, _H)],
        out_shape=[jax.ShapeDtypeStruct((_N, _H), jnp.float32), s, s],
    )(p, a, dinv, b)


def _norm(c, m, v, gm, bt, res, w, dinv):
    has_res = res is not None
    extra = [_rows(2 * _H)] if has_res else []
    args = [c, m, v, gm, bt] + ([res] if has_res else []) + [w, dinv]
    return pl.pallas_call(
        functools.partial(_norm_body, has_res),
        grid=(_NBLK,),
        in_specs=[_rows(_H), _bcast(1, _H), _bcast(1, _H), _bcast(1, _H),
                  _bcast(1, _H)] + extra + [_bcast(_H, _H), _rows(1)],
        out_specs=_rows(2 * _H),
        out_shape=jax.ShapeDtypeStruct((_NP, 2 * _H), jnp.float32),
    )(*args)


def kernel(x, edge_index, batch, W1, b1, g1, be1, W2, b2, g2, be2,
           W3, b3, g3, be3, Wfc, bfc):
    f32 = jnp.float32
    srcp = edge_index[0].reshape(_ROWS, _K)
    dstp = edge_index[1].reshape(_ROWS, _K)
    zrow_h = jnp.zeros((_RPT, _H), f32)
    zrow_d = jnp.zeros((_RPT, _DW), f32)
    ones_d = jnp.ones((_K, _DW), f32)

    degp = _deg_pass(dstp, ones_d, zrow_d)
    xw = pl.pallas_call(
        _xw_body,
        grid=(_NBLK,),
        in_specs=[_rows(_D), _bcast(_D, _H)],
        out_specs=_rows(_H),
        out_shape=jax.ShapeDtypeStruct((_NP, _H), f32),
    )(x, W1)
    dinv, a1 = pl.pallas_call(
        _scale_body,
        grid=(_NBLK,),
        in_specs=[_rows(_H),
                  pl.BlockSpec((2, _RB, _DW), lambda i: (0, i, 0))],
        out_specs=[_rows(1), _rows(2 * _H)],
        out_shape=[jax.ShapeDtypeStruct((_N, 1), f32),
                   jax.ShapeDtypeStruct((_NP, 2 * _H), f32)],
    )(xw, degp)

    p1 = _seg_pass(a1, srcp, dstp, zrow_h)
    c1, m1, v1 = _conv(p1, a1, dinv, b1.reshape(1, _H))
    a2 = _norm(c1, m1, v1, g1.reshape(1, _H), be1.reshape(1, _H),
               None, W2, dinv)

    p2 = _seg_pass(a2, srcp, dstp, zrow_h)
    c2, m2, v2 = _conv(p2, a2, dinv, b2.reshape(1, _H))
    a3 = _norm(c2, m2, v2, g2.reshape(1, _H), be2.reshape(1, _H),
               a2, W3, dinv)

    p3 = _seg_pass(a3, srcp, dstp, zrow_h)
    c3, m3, v3 = _conv(p3, a3, dinv, b3.reshape(1, _H))
    out = pl.pallas_call(
        _pool_body,
        out_shape=jax.ShapeDtypeStruct((_G, 1), f32),
    )(c3, m3, v3, g3.reshape(1, _H), be3.reshape(1, _H),
      batch.reshape(1, _N), Wfc, bfc.reshape(1, 1))
    return out.reshape(_G)

# --- scband reference (transcript-rebuilt; emitter-appended) ---
"""Pipeline reference for scband-molecular-gcnmodel-11897059410632 (READ-ONLY COPY).

The authoritative reference and input builder live on the scoring server;
editing this copy changes nothing except your own understanding.
"""

import jax, jax.numpy as jnp
import numpy as np

N = 10000
E = 320000
D = 128
H = 64
G = 64


def setup_inputs(seed: int = 0) -> dict:
    key = jax.random.key(seed)
    ks = jax.random.split(key, 20)
    x = jax.random.normal(ks[0], (N, D), dtype=jnp.float32)
    edge_index = jax.random.randint(ks[1], (2, E), 0, N, dtype=jnp.int32)
    batch = jnp.sort(jax.random.randint(ks[2], (N,), 0, G, dtype=jnp.int32))
    def w(k, shape):
        return jax.random.normal(k, shape, dtype=jnp.float32) * 0.05
    params = {
        'W1': w(ks[3], (D, H)), 'b1': jnp.zeros((H,), jnp.float32),
        'g1': jnp.ones((H,), jnp.float32), 'be1': jnp.zeros((H,), jnp.float32),
        'W2': w(ks[4], (H, H)), 'b2': jnp.zeros((H,), jnp.float32),
        'g2': jnp.ones((H,), jnp.float32), 'be2': jnp.zeros((H,), jnp.float32),
        'W3': w(ks[5], (H, H)), 'b3': jnp.zeros((H,), jnp.float32),
        'g3': jnp.ones((H,), jnp.float32), 'be3': jnp.zeros((H,), jnp.float32),
        'Wfc': w(ks[6], (H, 1)), 'bfc': jnp.zeros((1,), jnp.float32),
    }
    return {'x': x, 'edge_index': edge_index, 'batch': batch, **params}


def _gcn_conv(x, src, dst, W, b):
    # PyG GCNConv: add self-loops, symmetric normalization D^-1/2 (A+I) D^-1/2 (X W) + b
    loop = jnp.arange(N, dtype=src.dtype)
    s = jnp.concatenate([src, loop])
    d = jnp.concatenate([dst, loop])
    deg = jax.ops.segment_sum(jnp.ones_like(s, dtype=jnp.float32), d, num_segments=N)
    dinv = jnp.where(deg > 0, jax.lax.rsqrt(deg), 0.0)
    norm = dinv[s] * dinv[d]
    h = x @ W
    msg = h[s] * norm[:, None]
    agg = jax.ops.segment_sum(msg, d, num_segments=N)
    return agg + b


def _bn(h, g, be, eps=1e-5):
    m = jnp.mean(h, axis=0)
    v = jnp.var(h, axis=0)
    return (h - m) / jnp.sqrt(v + eps) * g + be


def reference(x, edge_index, batch, W1, b1, g1, be1, W2, b2, g2, be2, W3, b3, g3, be3, Wfc, bfc):
    src, dst = edge_index[0], edge_index[1]
    h = _gcn_conv(x, src, dst, W1, b1)
    h = jax.nn.relu(_bn(h, g1, be1))
    # dropout is identity in eval mode
    res = h
    h = _gcn_conv(h, src, dst, W2, b2)
    h = jax.nn.relu(_bn(h, g2, be2) + res)
    h = _gcn_conv(h, src, dst, W3, b3)
    h = jax.nn.relu(_bn(h, g3, be3))
    counts = jax.ops.segment_sum(jnp.ones((N,), jnp.float32), batch, num_segments=G)
    pooled = jax.ops.segment_sum(h, batch, num_segments=G) / jnp.maximum(counts, 1.0)[:, None]
    out = pooled @ Wfc + bfc
    return jnp.squeeze(out, axis=-1)

if __name__ == "__main__":
    import jax
    _d = setup_inputs()
    print(jax.jit(kernel)(*tuple(_d.values())))

</pallas_src>

<mosaic_0001>
#map = affine_map<(d0, d1) -> (0, 0)>
#map1 = affine_map<(d0, d1) -> (0, 0, 0)>
module attributes {stable_mosaic.version = 14 : i64} {
  func.func @_deg_pass(%arg0: i32, %arg1: i32, %arg2: memref<2500x128xi32, #tpu.memory_space<hbm>>, %arg3: memref<128x8xf32, #tpu.memory_space<hbm>>, %arg4: memref<632x8xf32, #tpu.memory_space<hbm>>, %arg5: memref<2x10112x8xf32, #tpu.memory_space<hbm>>, %arg6: memref<79x128xi32, #tpu.memory_space<vmem>>, %arg7: memref<128x8xf32, #tpu.memory_space<vmem>>, %arg8: memref<10112x8xf32, #tpu.memory_space<vmem_shared>>) attributes {dimension_semantics = [#tpu.dimension_semantics<core_parallel>, #tpu.dimension_semantics<subcore_parallel>], iteration_bounds = array<i64: 2, 16>, scalar_prefetch = 0 : i64, scratch_operands = 3 : i64, tpu.core_type = #tpu.core_type<sc_vector_subcore>, window_params = [{transform_indices = #map}, {transform_indices = #map}, {transform_indices = #map}, {transform_indices = #map1}]} {
    %mul3A = arith.constant 16 : i32
    %mul3A_0 = arith.muli %arg0, %mul3A : i32
    %add3A = arith.addi %mul3A_0, %arg1 : i32
    %mul3A_1 = arith.constant 78 : i32
    %mul3A_2 = arith.muli %add3A, %mul3A_1 : i32
    %min3A = arith.constant 4 : i32
    %min3A_3 = arith.minsi %add3A, %min3A : i32
    %add3A_4 = arith.addi %mul3A_2, %min3A_3 : i32
    %lt3A = arith.constant 4 : i32
    %lt3A_5 = arith.cmpi slt, %add3A, %lt3A : i32
    %mul3A_6 = arith.constant 632 : i32
    %mul3A_7 = arith.muli %arg1, %mul3A_6 : i32
    "tpu.region"() ({
      %run_scoped3A = tpu.sem_alloc : memref<!tpu.dma_semaphore, #tpu.memory_space<semaphore_mem>>
      %dma_start3A = arith.constant 0 : i32
      %dma_start3A_26 = tpu.memref_slice %arg8[%mul3A_7, %dma_start3A] : memref<10112x8xf32, #tpu.memory_space<vmem_shared>> -> memref<632x8xf32, #tpu.memory_space<vmem_shared>>
      tpu.enqueue_dma source(%arg4 : memref<632x8xf32, #tpu.memory_space<hbm>>) target(%dma_start3A_26 : memref<632x8xf32, #tpu.memory_space<vmem_shared>>) target_semaphore(%run_scoped3A : memref<!tpu.dma_semaphore, #tpu.memory_space<semaphore_mem>>)
      %dma_wait3A = arith.constant 0 : i32
      %dma_wait3A_27 = tpu.memref_slice %arg8[%mul3A_7, %dma_wait3A] : memref<10112x8xf32, #tpu.memory_space<vmem_shared>> -> memref<632x8xf32, #tpu.memory_space<vmem_shared>>
      tpu.wait_dma2 semaphore(%run_scoped3A : memref<!tpu.dma_semaphore, #tpu.memory_space<semaphore_mem>>) src(%arg4 : memref<632x8xf32, #tpu.memory_space<hbm>>) dst(%dma_wait3A_27 : memref<632x8xf32, #tpu.memory_space<vmem_shared>>)
      tpu.yield
    }) : () -> ()
    "tpu.region"() ({
      %run_scoped3A = tpu.sem_alloc : memref<!tpu.dma_semaphore, #tpu.memory_space<semaphore_mem>>
      tpu.enqueue_dma source(%arg3 : memref<128x8xf32, #tpu.memory_space<hbm>>) target(%arg7 : memref<128x8xf32, #tpu.memory_space<vmem>>) target_semaphore(%run_scoped3A : memref<!tpu.dma_semaphore, #tpu.memory_space<semaphore_mem>>)
      tpu.wait_dma2 semaphore(%run_scoped3A : memref<!tpu.dma_semaphore, #tpu.memory_space<semaphore_mem>>) src(%arg3 : memref<128x8xf32, #tpu.memory_space<hbm>>) dst(%arg7 : memref<128x8xf32, #tpu.memory_space<vmem>>)
      tpu.yield
    }) : () -> ()
    "tpu.region"() ({
      %run_scoped3A = tpu.sem_alloc : memref<!tpu.dma_semaphore, #tpu.memory_space<semaphore_mem>>
      %dma_start3A = arith.constant 0 : i32
      %dma_start3A_26 = arith.constant 0 : i32
      %dma_start3A_27 = tpu.memref_slice %arg6[%dma_start3A, %dma_start3A_26] : memref<79x128xi32, #tpu.memory_space<vmem>> -> memref<78x128xi32, #tpu.memory_space<vmem>>
      %dma_start3A_28 = arith.constant 0 : i32
      %dma_start3A_29 = tpu.memref_slice %arg2[%add3A_4, %dma_start3A_28] : memref<2500x128xi32, #tpu.memory_space<hbm>> -> memref<78x128xi32, #tpu.memory_space<hbm>>
      %dma_start3A_30 = arith.constant 0 : i32
      %dma_start3A_31 = arith.constant 0 : i32
      %dma_start3A_32 = tpu.memref_slice %arg6[%dma_start3A_30, %dma_start3A_31] : memref<79x128xi32, #tpu.memory_space<vmem>> -> memref<78x128xi32, #tpu.memory_space<vmem>>
      %dma_start3A_33 = arith.constant 0 : i32
      %dma_start3A_34 = tpu.memref_slice %arg2[%add3A_4, %dma_start3A_33] : memref<2500x128xi32, #tpu.memory_space<hbm>> -> memref<78x128xi32, #tpu.memory_space<hbm>>
      tpu.enqueue_dma source(%dma_start3A_34 : memref<78x128xi32, #tpu.memory_space<hbm>>) target(%dma_start3A_32 : memref<78x128xi32, #tpu.memory_space<vmem>>) target_semaphore(%run_scoped3A : memref<!tpu.dma_semaphore, #tpu.memory_space<semaphore_mem>>)
      %dma_wait3A = arith.constant 0 : i32
      %dma_wait3A_35 = arith.constant 0 : i32
      %dma_wait3A_36 = tpu.memref_slice %arg6[%dma_wait3A, %dma_wait3A_35] : memref<79x128xi32, #tpu.memory_space<vmem>> -> memref<78x128xi32, #tpu.memory_space<vmem>>
      %dma_wait3A_37 = arith.constant 0 : i32
      %dma_wait3A_38 = tpu.memref_slice %arg2[%add3A_4, %dma_wait3A_37] : memref<2500x128xi32, #tpu.memory_space<hbm>> -> memref<78x128xi32, #tpu.memory_space<hbm>>
      %dma_wait3A_39 = arith.constant 0 : i32
      %dma_wait3A_40 = arith.constant 0 : i32
      %dma_wait3A_41 = tpu.memref_slice %arg6[%dma_wait3A_39, %dma_wait3A_40] : memref<79x128xi32, #tpu.memory_space<vmem>> -> memref<78x128xi32, #tpu.memory_space<vmem>>
      %dma_wait3A_42 = arith.constant 0 : i32
      %dma_wait3A_43 = tpu.memref_slice %arg2[%add3A_4, %dma_wait3A_42] : memref<2500x128xi32, #tpu.memory_space<hbm>> -> memref<78x128xi32, #tpu.memory_space<hbm>>
      tpu.wait_dma2 semaphore(%run_scoped3A : memref<!tpu.dma_semaphore, #tpu.memory_space<semaphore_mem>>) src(%dma_wait3A_43 : memref<78x128xi32, #tpu.memory_space<hbm>>) dst(%dma_wait3A_41 : memref<78x128xi32, #tpu.memory_space<vmem>>)
      tpu.yield
    }) : () -> ()
    %convert_element_type3A = arith.extui %lt3A_5 : i1 to i32
    %cond3A = arith.constant 0 : i32
    %cond3A_8 = arith.cmpi ne, %convert_element_type3A, %cond3A : i32
    scf.if %cond3A_8 {
      %add3A_26 = arith.constant 78 : i32
      %add3A_27 = arith.addi %add3A_4, %add3A_26 : i32
      "tpu.region"() ({
        %run_scoped3A = tpu.sem_alloc : memref<!tpu.dma_semaphore, #tpu.memory_space<semaphore_mem>>
        %dma_start3A = arith.constant 78 : i32
        %dma_start3A_28 = arith.constant 0 : i32
        %dma_start3A_29 = tpu.memref_slice %arg6[%dma_start3A, %dma_start3A_28] : memref<79x128xi32, #tpu.memory_space<vmem>> -> memref<1x128xi32, #tpu.memory_space<vmem>>
        %dma_start3A_30 = arith.constant 0 : i32
        %dma_start3A_31 = tpu.memref_slice %arg2[%add3A_27, %dma_start3A_30] : memref<2500x128xi32, #tpu.memory_space<hbm>> -> memref<1x128xi32, #tpu.memory_space<hbm>>
        %dma_start3A_32 = arith.constant 78 : i32
        %dma_start3A_33 = arith.constant 0 : i32
        %dma_start3A_34 = tpu.memref_slice %arg6[%dma_start3A_32, %dma_start3A_33] : memref<79x128xi32, #tpu.memory_space<vmem>> -> memref<1x128xi32, #tpu.memory_space<vmem>>
        %dma_start3A_35 = arith.constant 0 : i32
        %dma_start3A_36 = tpu.memref_slice %arg2[%add3A_27, %dma_start3A_35] : memref<2500x128xi32, #tpu.memory_space<hbm>> -> memref<1x128xi32, #tpu.memory_space<hbm>>
        tpu.enqueue_dma source(%dma_start3A_36 : memref<1x128xi32, #tpu.memory_space<hbm>>) target(%dma_start3A_34 : memref<1x128xi32, #tpu.memory_space<vmem>>) target_semaphore(%run_scoped3A : memref<!tpu.dma_semaphore, #tpu.memory_space<semaphore_mem>>)
        %dma_wait3A = arith.constant 78 : i32
        %dma_wait3A_37 = arith.constant 0 : i32
        %dma_wait3A_38 = tpu.memref_slice %arg6[%dma_wait3A, %dma_wait3A_37] : memref<79x128xi32, #tpu.memory_space<vmem>> -> memref<1x128xi32, #tpu.memory_space<vmem>>
        %dma_wait3A_39 = arith.constant 0 : i32
        %dma_wait3A_40 = tpu.memref_slice %arg2[%add3A_27, %dma_wait3A_39] : memref<2500x128xi32, #tpu.memory_space<hbm>> -> memref<1x128xi32, #tpu.memory_space<hbm>>
        %dma_wait3A_41 = arith.constant 78 : i32
        %dma_wait3A_42 = arith.constant 0 : i32
        %dma_wait3A_43 = tpu.memref_slice %arg6[%dma_wait3A_41, %dma_wait3A_42] : memref<79x128xi32, #tpu.memory_space<vmem>> -> memref<1x128xi32, #tpu.memory_space<vmem>>
        %dma_wait3A_44 = arith.constant 0 : i32
        %dma_wait3A_45 = tpu.memref_slice %arg2[%add3A_27, %dma_wait3A_44] : memref<2500x128xi32, #tpu.memory_space<hbm>> -> memref<1x128xi32, #tpu.memory_space<hbm>>
        tpu.wait_dma2 semaphore(%run_scoped3A : memref<!tpu.dma_semaphore, #tpu.memory_space<semaphore_mem>>) src(%dma_wait3A_45 : memref<1x128xi32, #tpu.memory_space<hbm>>) dst(%dma_wait3A_43 : memref<1x128xi32, #tpu.memory_space<vmem>>)
        tpu.yield
      }) : () -> ()
    } else {
    }
    %barrier3A = arith.constant 0 : index
    tpu.barrier barrier_id(%barrier3A)
    %convert_element_type3A_9 = arith.extui %lt3A_5 : i1 to i32
    %add3A_10 = arith.constant 78 : i32
    %add3A_11 = arith.addi %add3A_10, %convert_element_type3A_9 : i32
    %while3A = arith.constant 0 : i32
    %while3A_12 = arith.constant 0 : i32
    %while3A_13 = arith.subi %add3A_11, %while3A_12 : i32
    %while3A_14 = arith.addi %while3A_12, %while3A_13 : i32
    %while3A_15 = arith.constant 1 : i32
    %while3A_16 = arith.divsi %while3A_13, %while3A_15 : i32
    %while3A_17 = arith.muli %while3A_16, %while3A_15 : i32
    %while3A_18 = arith.addi %while3A_12, %while3A_17 : i32
    %while3A_19 = arith.constant 1 : i32
    scf.for %while3A_26 = %while3A_12 to %while3A_18 step %while3A_19  : i32 {
      "tpu.region"() ({
        %run_scoped3A = tpu.sem_alloc : memref<!tpu.dma_semaphore, #tpu.memory_space<semaphore_mem>>
        %dma_start3A = arith.constant 0 : i32
        %dma_start3A_27 = tpu.memref_slice %arg6[%while3A_26, %dma_start3A] : memref<79x128xi32, #tpu.memory_space<vmem>> -> memref<1x128xi32, #tpu.memory_space<vmem>>
        %dma_start3A_28 = tpu.memref_squeeze %dma_start3A_27 : memref<1x128xi32, #tpu.memory_space<vmem>> -> memref<128xi32, #tpu.memory_space<vmem>>
        %dma_start3A_29 = arith.constant 0 : i32
        %dma_start3A_30 = arith.constant 0 : i32
        %dma_start3A_31 = tpu.memref_slice %arg8[%dma_start3A_29, %dma_start3A_30] : memref<10112x8xf32, #tpu.memory_space<vmem_shared>> -> memref<10112x8xf32, #tpu.memory_space<vmem_shared>>
        tpu.enqueue_indirect_dma source(%arg7 : memref<128x8xf32, #tpu.memory_space<vmem>>) target(%dma_start3A_31 : memref<10112x8xf32, #tpu.memory_space<vmem_shared>>) offsets(%dma_start3A_28 : memref<128xi32, #tpu.memory_space<vmem>>) semaphore(%run_scoped3A : memref<!tpu.dma_semaphore, #tpu.memory_space<semaphore_mem>>) {add = true}
        %dma_wait3A = arith.constant 0 : i32
        %dma_wait3A_32 = tpu.memref_slice %arg6[%while3A_26, %dma_wait3A] : memref<79x128xi32, #tpu.memory_space<vmem>> -> memref<1x128xi32, #tpu.memory_space<vmem>>
        %dma_wait3A_33 = tpu.memref_squeeze %dma_wait3A_32 : memref<1x128xi32, #tpu.memory_space<vmem>> -> memref<128xi32, #tpu.memory_space<vmem>>
        %dma_wait3A_34 = arith.constant 0 : i32
        %dma_wait3A_35 = arith.constant 0 : i32
        %dma_wait3A_36 = tpu.memref_slice %arg8[%dma_wait3A_34, %dma_wait3A_35] : memref<10112x8xf32, #tpu.memory_space<vmem_shared>> -> memref<10112x8xf32, #tpu.memory_space<vmem_shared>>
        tpu.wait_indirect_dma semaphore(%run_scoped3A : memref<!tpu.dma_semaphore, #tpu.memory_space<semaphore_mem>>) src(%arg7 : memref<128x8xf32, #tpu.memory_space<vmem>>) dst(%dma_wait3A_36 : memref<10112x8xf32, #tpu.memory_space<vmem_shared>>)
        tpu.yield
      }) : () -> ()
    }
    %while3A_20 = arith.constant 1 : i32
    scf.for %while3A_26 = %while3A_18 to %while3A_14 step %while3A_20  : i32 {
      "tpu.region"() ({
        %run_scoped3A = tpu.sem_alloc : memref<!tpu.dma_semaphore, #tpu.memory_space<semaphore_mem>>
        %dma_start3A = arith.constant 0 : i32
        %dma_start3A_27 = tpu.memref_slice %arg6[%while3A_26, %dma_start3A] : memref<79x128xi32, #tpu.memory_space<vmem>> -> memref<1x128xi32, #tpu.memory_space<vmem>>
        %dma_start3A_28 = tpu.memref_squeeze %dma_start3A_27 : memref<1x128xi32, #tpu.memory_space<vmem>> -> memref<128xi32, #tpu.memory_space<vmem>>
        %dma_start3A_29 = arith.constant 0 : i32
        %dma_start3A_30 = arith.constant 0 : i32
        %dma_start3A_31 = tpu.memref_slice %arg8[%dma_start3A_29, %dma_start3A_30] : memref<10112x8xf32, #tpu.memory_space<vmem_shared>> -> memref<10112x8xf32, #tpu.memory_space<vmem_shared>>
        tpu.enqueue_indirect_dma source(%arg7 : memref<128x8xf32, #tpu.memory_space<vmem>>) target(%dma_start3A_31 : memref<10112x8xf32, #tpu.memory_space<vmem_shared>>) offsets(%dma_start3A_28 : memref<128xi32, #tpu.memory_space<vmem>>) semaphore(%run_scoped3A : memref<!tpu.dma_semaphore, #tpu.memory_space<semaphore_mem>>) {add = true}
        %dma_wait3A = arith.constant 0 : i32
        %dma_wait3A_32 = tpu.memref_slice %arg6[%while3A_26, %dma_wait3A] : memref<79x128xi32, #tpu.memory_space<vmem>> -> memref<1x128xi32, #tpu.memory_space<vmem>>
        %dma_wait3A_33 = tpu.memref_squeeze %dma_wait3A_32 : memref<1x128xi32, #tpu.memory_space<vmem>> -> memref<128xi32, #tpu.memory_space<vmem>>
        %dma_wait3A_34 = arith.constant 0 : i32
        %dma_wait3A_35 = arith.constant 0 : i32
        %dma_wait3A_36 = tpu.memref_slice %arg8[%dma_wait3A_34, %dma_wait3A_35] : memref<10112x8xf32, #tpu.memory_space<vmem_shared>> -> memref<10112x8xf32, #tpu.memory_space<vmem_shared>>
        tpu.wait_indirect_dma semaphore(%run_scoped3A : memref<!tpu.dma_semaphore, #tpu.memory_space<semaphore_mem>>) src(%arg7 : memref<128x8xf32, #tpu.memory_space<vmem>>) dst(%dma_wait3A_36 : memref<10112x8xf32, #tpu.memory_space<vmem_shared>>)
        tpu.yield
      }) : () -> ()
    }
    %barrier3A_21 = arith.constant 0 : index
    tpu.barrier barrier_id(%barrier3A_21)
    %mul3A_22 = arith.constant 632 : i32
    %mul3A_23 = arith.muli %arg1, %mul3A_22 : i32
    %mul3A_24 = arith.constant 632 : i32
    %mul3A_25 = arith.muli %arg1, %mul3A_24 : i32
    "tpu.region"() ({
      %run_scoped3A = tpu.sem_alloc : memref<!tpu.dma_semaphore, #tpu.memory_space<semaphore_mem>>
      %dma_start3A = arith.constant 0 : i32
      %dma_start3A_26 = tpu.memref_slice %arg5[%arg0, %mul3A_25, %dma_start3A] : memref<2x10112x8xf32, #tpu.memory_space<hbm>> -> memref<1x632x8xf32, #tpu.memory_space<hbm>>
      %dma_start3A_27 = tpu.memref_squeeze %dma_start3A_26 : memref<1x632x8xf32, #tpu.memory_space<hbm>> -> memref<632x8xf32, #tpu.memory_space<hbm>>
      %dma_start3A_28 = arith.constant 0 : i32
      %dma_start3A_29 = tpu.memref_slice %arg8[%mul3A_23, %dma_start3A_28] : memref<10112x8xf32, #tpu.memory_space<vmem_shared>> -> memref<632x8xf32, #tpu.memory_space<vmem_shared>>
      tpu.enqueue_dma source(%dma_start3A_29 : memref<632x8xf32, #tpu.memory_space<vmem_shared>>) target(%dma_start3A_27 : memref<632x8xf32, #tpu.memory_space<hbm>>) target_semaphore(%run_scoped3A : memref<!tpu.dma_semaphore, #tpu.memory_space<semaphore_mem>>)
      %dma_wait3A = arith.constant 0 : i32
      %dma_wait3A_30 = tpu.memref_slice %arg5[%arg0, %mul3A_25, %dma_wait3A] : memref<2x10112x8xf32, #tpu.memory_space<hbm>> -> memref<1x632x8xf32, #tpu.memory_space<hbm>>
      %dma_wait3A_31 = tpu.memref_squeeze %dma_wait3A_30 : memref<1x632x8xf32, #tpu.memory_space<hbm>> -> memref<632x8xf32, #tpu.memory_space<hbm>>
      %dma_wait3A_32 = arith.constant 0 : i32
      %dma_wait3A_33 = tpu.memref_slice %arg8[%mul3A_23, %dma_wait3A_32] : memref<10112x8xf32, #tpu.memory_space<vmem_shared>> -> memref<632x8xf32, #tpu.memory_space<vmem_shared>>
      tpu.wait_dma2 semaphore(%run_scoped3A : memref<!tpu.dma_semaphore, #tpu.memory_space<semaphore_mem>>) src(%dma_wait3A_33 : memref<632x8xf32, #tpu.memory_space<vmem_shared>>) dst(%dma_wait3A_31 : memref<632x8xf32, #tpu.memory_space<hbm>>)
      tpu.yield
    }) : () -> ()
    return
  }
}

#map = affine_map<(d0, d1) -> (0, 0)>
module attributes {stable_mosaic.version = 14 : i64} {
  func.func @_seg_pass(%arg0: i32, %arg1: i32, %arg2: memref<10112x128xf32, #tpu.memory_space<hbm>>, %arg3: memref<2500x128xi32, #tpu.memory_space<hbm>>, %arg4: memref<2500x128xi32, #tpu.memory_space<hbm>>, %arg5: memref<632x64xf32, #tpu.memory_space<hbm>>, %arg6: memref<10112x128xf32, #tpu.memory_space<hbm>>, %arg7: memref<79x128xi32, #tpu.memory_space<vmem>>, %arg8: memref<79x128xi32, #tpu.memory_space<vmem>>, %arg9: memref<128x64xf32, #tpu.memory_space<vmem>>, %arg10: memref<128x64xf32, #tpu.memory_space<vmem>>, %arg11: memref<10112x64xf32, #tpu.memory_space<vmem_shared>>, %arg12: memref<10112x64xf32, #tpu.memory_space<vmem_shared>>, %arg13: memref<!tpu.dma_semaphore, #tpu.memory_space<semaphore_mem>>, %arg14: memref<!tpu.dma_semaphore, #tpu.memory_space<semaphore_mem>>) attributes {dimension_semantics = [#tpu.dimension_semantics<core_parallel>, #tpu.dimension_semantics<subcore_parallel>], iteration_bounds = array<i64: 2, 16>, scalar_prefetch = 0 : i64, scratch_operands = 8 : i64, tpu.core_type = #tpu.core_type<sc_vector_subcore>, window_params = [{transform_indices = #map}, {transform_indices = #map}, {transform_indices = #map}, {transform_indices = #map}, {transform_indices = #map}]} {
    %mul3A = arith.constant 16 : i32
    %mul3A_0 = arith.muli %arg0, %mul3A : i32
    %add3A = arith.addi %mul3A_0, %arg1 : i32
    %mul3A_1 = arith.constant 78 : i32
    %mul3A_2 = arith.muli %add3A, %mul3A_1 : i32
    %min3A = arith.constant 4 : i32
    %min3A_3 = arith.minsi %add3A, %min3A : i32
    %add3A_4 = arith.addi %mul3A_2, %min3A_3 : i32
    %lt3A = arith.constant 4 : i32
    %lt3A_5 = arith.cmpi slt, %add3A, %lt3A : i32
    %mul3A_6 = arith.constant 632 : i32
    %mul3A_7 = arith.muli %arg1, %mul3A_6 : i32
    "tpu.region"() ({
      %run_scoped3A = tpu.sem_alloc : memref<!tpu.dma_semaphore, #tpu.memory_space<semaphore_mem>>
      %dma_start3A_34 = arith.constant 0 : i32
      %dma_start3A_35 = tpu.memref_slice %arg11[%mul3A_7, %dma_start3A_34] : memref<10112x64xf32, #tpu.memory_space<vmem_shared>> -> memref<632x64xf32, #tpu.memory_space<vmem_shared>>
      tpu.enqueue_dma source(%arg5 : memref<632x64xf32, #tpu.memory_space<hbm>>) target(%dma_start3A_35 : memref<632x64xf32, #tpu.memory_space<vmem_shared>>) target_semaphore(%run_scoped3A : memref<!tpu.dma_semaphore, #tpu.memory_space<semaphore_mem>>)
      %dma_wait3A = arith.constant 0 : i32
      %dma_wait3A_36 = tpu.memref_slice %arg11[%mul3A_7, %dma_wait3A] : memref<10112x64xf32, #tpu.memory_space<vmem_shared>> -> memref<632x64xf32, #tpu.memory_space<vmem_shared>>
      tpu.wait_dma2 semaphore(%run_scoped3A : memref<!tpu.dma_semaphore, #tpu.memory_space<semaphore_mem>>) src(%arg5 : memref<632x64xf32, #tpu.memory_space<hbm>>) dst(%dma_wait3A_36 : memref<632x64xf32, #tpu.memory_space<vmem_shared>>)
      tpu.yield
    }) : () -> ()
    %mul3A_8 = arith.constant 632 : i32
    %mul3A_9 = arith.muli %arg1, %mul3A_8 : i32
    %mul3A_10 = arith.constant 632 : i32
    %mul3A_11 = arith.muli %arg1, %mul3A_10 : i32
    "tpu.region"() ({
      %run_scoped3A = tpu.sem_alloc : memref<!tpu.dma_semaphore, #tpu.memory_space<semaphore_mem>>
      %dma_start3A_34 = arith.constant 0 : i32
      %dma_start3A_35 = tpu.memref_slice %arg12[%mul3A_11, %dma_start3A_34] : memref<10112x64xf32, #tpu.memory_space<vmem_shared>> -> memref<632x64xf32, #tpu.memory_space<vmem_shared>>
      %dma_start3A_36 = arith.constant 0 : i32
      %dma_start3A_37 = tpu.memref_slice %arg2[%mul3A_9, %dma_start3A_36] : memref<10112x128xf32, #tpu.memory_space<hbm>> -> memref<632x64xf32, #tpu.memory_space<hbm>>
      tpu.enqueue_dma source(%dma_start3A_37 : memref<632x64xf32, #tpu.memory_space<hbm>>) target(%dma_start3A_35 : memref<632x64xf32, #tpu.memory_space<vmem_shared>>) target_semaphore(%run_scoped3A : memref<!tpu.dma_semaphore, #tpu.memory_space<semaphore_mem>>)
      %dma_wait3A = arith.constant 0 : i32
      %dma_wait3A_38 = tpu.memref_slice %arg12[%mul3A_11, %dma_wait3A] : memref<10112x64xf32, #tpu.memory_space<vmem_shared>> -> memref<632x64xf32, #tpu.memory_space<vmem_shared>>
      %dma_wait3A_39 = arith.constant 0 : i32
      %dma_wait3A_40 = tpu.memref_slice %arg2[%mul3A_9, %dma_wait3A_39] : memref<10112x128xf32, #tpu.memory_space<hbm>> -> memref<632x64xf32, #tpu.memory_space<hbm>>
      tpu.wait_dma2 semaphore(%run_scoped3A : memref<!tpu.dma_semaphore, #tpu.memory_space<semaphore_mem>>) src(%dma_wait3A_40 : memref<632x64xf32, #tpu.memory_space<hbm>>) dst(%dma_wait3A_38 : memref<632x64xf32, #tpu.memory_space<vmem_shared>>)
      tpu.yield
    }) : () -> ()
    "tpu.region"() ({
      %run_scoped3A = tpu.sem_alloc : memref<!tpu.dma_semaphore, #tpu.memory_space<semaphore_mem>>
      %dma_start3A_34 = arith.constant 0 : i32
      %dma_start3A_35 = arith.constant 0 : i32
      %dma_start3A_36 = tpu.memref_slice %arg7[%dma_start3A_34, %dma_start3A_35] : memref<79x128xi32, #tpu.memory_space<vmem>> -> memref<78x128xi32, #tpu.memory_space<vmem>>
      %dma_start3A_37 = arith.constant 0 : i32
      %dma_start3A_38 = tpu.memref_slice %arg3[%add3A_4, %dma_start3A_37] : memref<2500x128xi32, #tpu.memory_space<hbm>> -> memref<78x128xi32, #tpu.memory_space<hbm>>
      %dma_start3A_39 = arith.constant 0 : i32
      %dma_start3A_40 = arith.constant 0 : i32
      %dma_start3A_41 = tpu.memref_slice %arg7[%dma_start3A_39, %dma_start3A_40] : memref<79x128xi32, #tpu.memory_space<vmem>> -> memref<78x128xi32, #tpu.memory_space<vmem>>
      %dma_start3A_42 = arith.constant 0 : i32
      %dma_start3A_43 = tpu.memref_slice %arg3[%add3A_4, %dma_start3A_42] : memref<2500x128xi32, #tpu.memory_space<hbm>> -> memref<78x128xi32, #tpu.memory_space<hbm>>
      tpu.enqueue_dma source(%dma_start3A_43 : memref<78x128xi32, #tpu.memory_space<hbm>>) target(%dma_start3A_41 : memref<78x128xi32, #tpu.memory_space<vmem>>) target_semaphore(%run_scoped3A : memref<!tpu.dma_semaphore, #tpu.memory_space<semaphore_mem>>)
      %dma_wait3A = arith.constant 0 : i32
      %dma_wait3A_44 = arith.constant 0 : i32
      %dma_wait3A_45 = tpu.memref_slice %arg7[%dma_wait3A, %dma_wait3A_44] : memref<79x128xi32, #tpu.memory_space<vmem>> -> memref<78x128xi32, #tpu.memory_space<vmem>>
      %dma_wait3A_46 = arith.constant 0 : i32
      %dma_wait3A_47 = tpu.memref_slice %arg3[%add3A_4, %dma_wait3A_46] : memref<2500x128xi32, #tpu.memory_space<hbm>> -> memref<78x128xi32, #tpu.memory_space<hbm>>
      %dma_wait3A_48 = arith.constant 0 : i32
      %dma_wait3A_49 = arith.constant 0 : i32
      %dma_wait3A_50 = tpu.memref_slice %arg7[%dma_wait3A_48, %dma_wait3A_49] : memref<79x128xi32, #tpu.memory_space<vmem>> -> memref<78x128xi32, #tpu.memory_space<vmem>>
      %dma_wait3A_51 = arith.constant 0 : i32
      %dma_wait3A_52 = tpu.memref_slice %arg3[%add3A_4, %dma_wait3A_51] : memref<2500x128xi32, #tpu.memory_space<hbm>> -> memref<78x128xi32, #tpu.memory_space<hbm>>
      tpu.wait_dma2 semaphore(%run_scoped3A : memref<!tpu.dma_semaphore, #tpu.memory_space<semaphore_mem>>) src(%dma_wait3A_52 : memref<78x128xi32, #tpu.memory_space<hbm>>) dst(%dma_wait3A_50 : memref<78x128xi32, #tpu.memory_space<vmem>>)
      tpu.yield
    }) : () -> ()
    "tpu.region"() ({
      %run_scoped3A = tpu.sem_alloc : memref<!tpu.dma_semaphore, #tpu.memory_space<semaphore_mem>>
      %dma_start3A_34 = arith.constant 0 : i32
      %dma_start3A_35 = arith.constant 0 : i32
      %dma_start3A_36 = tpu.memref_slice %arg8[%dma_start3A_34, %dma_start3A_35] : memref<79x128xi32, #tpu.memory_space<vmem>> -> memref<78x128xi32, #tpu.memory_space<vmem>>
      %dma_start3A_37 = arith.constant 0 : i32
      %dma_start3A_38 = tpu.memref_slice %arg4[%add3A_4, %dma_start3A_37] : memref<2500x128xi32, #tpu.memory_space<hbm>> -> memref<78x128xi32, #tpu.memory_space<hbm>>
      %dma_start3A_39 = arith.constant 0 : i32
      %dma_start3A_40 = arith.constant 0 : i32
      %dma_start3A_41 = tpu.memref_slice %arg8[%dma_start3A_39, %dma_start3A_40] : memref<79x128xi32, #tpu.memory_space<vmem>> -> memref<78x128xi32, #tpu.memory_space<vmem>>
      %dma_start3A_42 = arith.constant 0 : i32
      %dma_start3A_43 = tpu.memref_slice %arg4[%add3A_4, %dma_start3A_42] : memref<2500x128xi32, #tpu.memory_space<hbm>> -> memref<78x128xi32, #tpu.memory_space<hbm>>
      tpu.enqueue_dma source(%dma_start3A_43 : memref<78x128xi32, #tpu.memory_space<hbm>>) target(%dma_start3A_41 : memref<78x128xi32, #tpu.memory_space<vmem>>) target_semaphore(%run_scoped3A : memref<!tpu.dma_semaphore, #tpu.memory_space<semaphore_mem>>)
      %dma_wait3A = arith.constant 0 : i32
      %dma_wait3A_44 = arith.constant 0 : i32
      %dma_wait3A_45 = tpu.memref_slice %arg8[%dma_wait3A, %dma_wait3A_44] : memref<79x128xi32, #tpu.memory_space<vmem>> -> memref<78x128xi32, #tpu.memory_space<vmem>>
      %dma_wait3A_46 = arith.constant 0 : i32
      %dma_wait3A_47 = tpu.memref_slice %arg4[%add3A_4, %dma_wait3A_46] : memref<2500x128xi32, #tpu.memory_space<hbm>> -> memref<78x128xi32, #tpu.memory_space<hbm>>
      %dma_wait3A_48 = arith.constant 0 : i32
      %dma_wait3A_49 = arith.constant 0 : i32
      %dma_wait3A_50 = tpu.memref_slice %arg8[%dma_wait3A_48, %dma_wait3A_49] : memref<79x128xi32, #tpu.memory_space<vmem>> -> memref<78x128xi32, #tpu.memory_space<vmem>>
      %dma_wait3A_51 = arith.constant 0 : i32
      %dma_wait3A_52 = tpu.memref_slice %arg4[%add3A_4, %dma_wait3A_51] : memref<2500x128xi32, #tpu.memory_space<hbm>> -> memref<78x128xi32, #tpu.memory_space<hbm>>
      tpu.wait_dma2 semaphore(%run_scoped3A : memref<!tpu.dma_semaphore, #tpu.memory_space<semaphore_mem>>) src(%dma_wait3A_52 : memref<78x128xi32, #tpu.memory_space<hbm>>) dst(%dma_wait3A_50 : memref<78x128xi32, #tpu.memory_space<vmem>>)
      tpu.yield
    }) : () -> ()
    %convert_element_type3A = arith.extui %lt3A_5 : i1 to i32
    %cond3A = arith.constant 0 : i32
    %cond3A_12 = arith.cmpi ne, %convert_element_type3A, %cond3A : i32
    scf.if %cond3A_12 {
      %add3A_34 = arith.constant 78 : i32
      %add3A_35 = arith.addi %add3A_4, %add3A_34 : i32
      "tpu.region"() ({
        %run_scoped3A = tpu.sem_alloc : memref<!tpu.dma_semaphore, #tpu.memory_space<semaphore_mem>>
        %dma_start3A_38 = arith.constant 78 : i32
        %dma_start3A_39 = arith.constant 0 : i32
        %dma_start3A_40 = tpu.memref_slice %arg7[%dma_start3A_38, %dma_start3A_39] : memref<79x128xi32, #tpu.memory_space<vmem>> -> memref<1x128xi32, #tpu.memory_space<vmem>>
        %dma_start3A_41 = arith.constant 0 : i32
        %dma_start3A_42 = tpu.memref_slice %arg3[%add3A_35, %dma_start3A_41] : memref<2500x128xi32, #tpu.memory_space<hbm>> -> memref<1x128xi32, #tpu.memory_space<hbm>>
        %dma_start3A_43 = arith.constant 78 : i32
        %dma_start3A_44 = arith.constant 0 : i32
        %dma_start3A_45 = tpu.memref_slice %arg7[%dma_start3A_43, %dma_start3A_44] : memref<79x128xi32, #tpu.memory_space<vmem>> -> memref<1x128xi32, #tpu.memory_space<vmem>>
        %dma_start3A_46 = arith.constant 0 : i32
        %dma_start3A_47 = tpu.memref_slice %arg3[%add3A_35, %dma_start3A_46] : memref<2500x128xi32, #tpu.memory_space<hbm>> -> memref<1x128xi32, #tpu.memory_space<hbm>>
        tpu.enqueue_dma source(%dma_start3A_47 : memref<1x128xi32, #tpu.memory_space<hbm>>) target(%dma_start3A_45 : memref<1x128xi32, #tpu.memory_space<vmem>>) target_semaphore(%run_scoped3A : memref<!tpu.dma_semaphore, #tpu.memory_space<semaphore_mem>>)
        %dma_wait3A = arith.constant 78 : i32
        %dma_wait3A_48 = arith.constant 0 : i32
        %dma_wait3A_49 = tpu.memref_slice %arg7[%dma_wait3A, %dma_wait3A_48] : memref<79x128xi32, #tpu.memory_space<vmem>> -> memref<1x128xi32, #tpu.memory_space<vmem>>
        %dma_wait3A_50 = arith.constant 0 : i32
        %dma_wait3A_51 = tpu.memref_slice %arg3[%add3A_35, %dma_wait3A_50] : memref<2500x128xi32, #tpu.memory_space<hbm>> -> memref<1x128xi32, #tpu.memory_space<hbm>>
        %dma_wait3A_52 = arith.constant 78 : i32
        %dma_wait3A_53 = arith.constant 0 : i32
        %dma_wait3A_54 = tpu.memref_slice %arg7[%dma_wait3A_52, %dma_wait3A_53] : memref<79x128xi32, #tpu.memory_space<vmem>> -> memref<1x128xi32, #tpu.memory_space<vmem>>
        %dma_wait3A_55 = arith.constant 0 : i32
        %dma_wait3A_56 = tpu.memref_slice %arg3[%add3A_35, %dma_wait3A_55] : memref<2500x128xi32, #tpu.memory_space<hbm>> -> memref<1x128xi32, #tpu.memory_space<hbm>>
        tpu.wait_dma2 semaphore(%run_scoped3A : memref<!tpu.dma_semaphore, #tpu.memory_space<semaphore_mem>>) src(%dma_wait3A_56 : memref<1x128xi32, #tpu.memory_space<hbm>>) dst(%dma_wait3A_54 : memref<1x128xi32, #tpu.memory_space<vmem>>)
        tpu.yield
      }) : () -> ()
      %add3A_36 = arith.constant 78 : i32
      %add3A_37 = arith.addi %add3A_4, %add3A_36 : i32
      "tpu.region"() ({
        %run_scoped3A = tpu.sem_alloc : memref<!tpu.dma_semaphore, #tpu.memory_space<semaphore_mem>>
        %dma_start3A_38 = arith.constant 78 : i32
        %dma_start3A_39 = arith.constant 0 : i32
        %dma_start3A_40 = tpu.memref_slice %arg8[%dma_start3A_38, %dma_start3A_39] : memref<79x128xi32, #tpu.memory_space<vmem>> -> memref<1x128xi32, #tpu.memory_space<vmem>>
        %dma_start3A_41 = arith.constant 0 : i32
        %dma_start3A_42 = tpu.memref_slice %arg4[%add3A_37, %dma_start3A_41] : memref<2500x128xi32, #tpu.memory_space<hbm>> -> memref<1x128xi32, #tpu.memory_space<hbm>>
        %dma_start3A_43 = arith.constant 78 : i32
        %dma_start3A_44 = arith.constant 0 : i32
        %dma_start3A_45 = tpu.memref_slice %arg8[%dma_start3A_43, %dma_start3A_44] : memref<79x128xi32, #tpu.memory_space<vmem>> -> memref<1x128xi32, #tpu.memory_space<vmem>>
        %dma_start3A_46 = arith.constant 0 : i32
        %dma_start3A_47 = tpu.memref_slice %arg4[%add3A_37, %dma_start3A_46] : memref<2500x128xi32, #tpu.memory_space<hbm>> -> memref<1x128xi32, #tpu.memory_space<hbm>>
        tpu.enqueue_dma source(%dma_start3A_47 : memref<1x128xi32, #tpu.memory_space<hbm>>) target(%dma_start3A_45 : memref<1x128xi32, #tpu.memory_space<vmem>>) target_semaphore(%run_scoped3A : memref<!tpu.dma_semaphore, #tpu.memory_space<semaphore_mem>>)
        %dma_wait3A = arith.constant 78 : i32
        %dma_wait3A_48 = arith.constant 0 : i32
        %dma_wait3A_49 = tpu.memref_slice %arg8[%dma_wait3A, %dma_wait3A_48] : memref<79x128xi32, #tpu.memory_space<vmem>> -> memref<1x128xi32, #tpu.memory_space<vmem>>
        %dma_wait3A_50 = arith.constant 0 : i32
        %dma_wait3A_51 = tpu.memref_slice %arg4[%add3A_37, %dma_wait3A_50] : memref<2500x128xi32, #tpu.memory_space<hbm>> -> memref<1x128xi32, #tpu.memory_space<hbm>>
        %dma_wait3A_52 = arith.constant 78 : i32
        %dma_wait3A_53 = arith.constant 0 : i32
        %dma_wait3A_54 = tpu.memref_slice %arg8[%dma_wait3A_52, %dma_wait3A_53] : memref<79x128xi32, #tpu.memory_space<vmem>> -> memref<1x128xi32, #tpu.memory_space<vmem>>
        %dma_wait3A_55 = arith.constant 0 : i32
        %dma_wait3A_56 = tpu.memref_slice %arg4[%add3A_37, %dma_wait3A_55] : memref<2500x128xi32, #tpu.memory_space<hbm>> -> memref<1x128xi32, #tpu.memory_space<hbm>>
        tpu.wait_dma2 semaphore(%run_scoped3A : memref<!tpu.dma_semaphore, #tpu.memory_space<semaphore_mem>>) src(%dma_wait3A_56 : memref<1x128xi32, #tpu.memory_space<hbm>>) dst(%dma_wait3A_54 : memref<1x128xi32, #tpu.memory_space<vmem>>)
        tpu.yield
      }) : () -> ()
    } else {
    }
    %barrier3A = arith.constant 0 : index
    tpu.barrier barrier_id(%barrier3A)
    %dma_start3A = arith.constant 0 : i32
    %dma_start3A_13 = arith.constant 0 : i32
    %dma_start3A_14 = tpu.memref_slice %arg7[%dma_start3A, %dma_start3A_13] : memref<79x128xi32, #tpu.memory_space<vmem>> -> memref<1x128xi32, #tpu.memory_space<vmem>>
    %dma_start3A_15 = tpu.memref_squeeze %dma_start3A_14 : memref<1x128xi32, #tpu.memory_space<vmem>> -> memref<128xi32, #tpu.memory_space<vmem>>
    %dma_start3A_16 = arith.constant 0 : i32
    %dma_start3A_17 = arith.constant 0 : i32
    %dma_start3A_18 = tpu.memref_slice %arg12[%dma_start3A_16, %dma_start3A_17] : memref<10112x64xf32, #tpu.memory_space<vmem_shared>> -> memref<10112x64xf32, #tpu.memory_space<vmem_shared>>
    tpu.enqueue_indirect_dma source(%dma_start3A_18 : memref<10112x64xf32, #tpu.memory_space<vmem_shared>>) target(%arg9 : memref<128x64xf32, #tpu.memory_space<vmem>>) offsets(%dma_start3A_15 : memref<128xi32, #tpu.memory_space<vmem>>) semaphore(%arg13 : memref<!tpu.dma_semaphore, #tpu.memory_space<semaphore_mem>>)
    %scan3A = arith.constant 0 : i32
    %scan3A_19 = arith.constant 0 : i32
    %scan3A_20 = arith.constant 39 : i32
    %scan3A_21 = arith.addi %scan3A_19, %scan3A_20 : i32
    %scan3A_22 = arith.constant 1 : i32
    scf.for %scan3A_34 = %scan3A_19 to %scan3A_21 step %scan3A_22  : i32 {
      %mul3A_35 = arith.constant 2 : i32
      %mul3A_36 = arith.muli %mul3A_35, %scan3A_34 : i32
      %add3A_37 = arith.constant 1 : i32
      %add3A_38 = arith.addi %mul3A_36, %add3A_37 : i32
      %dma_start3A_39 = arith.constant 0 : i32
      %dma_start3A_40 = tpu.memref_slice %arg7[%add3A_38, %dma_start3A_39] : memref<79x128xi32, #tpu.memory_space<vmem>> -> memref<1x128xi32, #tpu.memory_space<vmem>>
      %dma_start3A_41 = tpu.memref_squeeze %dma_start3A_40 : memref<1x128xi32, #tpu.memory_space<vmem>> -> memref<128xi32, #tpu.memory_space<vmem>>
      %dma_start3A_42 = arith.constant 0 : i32
      %dma_start3A_43 = arith.constant 0 : i32
      %dma_start3A_44 = tpu.memref_slice %arg12[%dma_start3A_42, %dma_start3A_43] : memref<10112x64xf32, #tpu.memory_space<vmem_shared>> -> memref<10112x64xf32, #tpu.memory_space<vmem_shared>>
      tpu.enqueue_indirect_dma source(%dma_start3A_44 : memref<10112x64xf32, #tpu.memory_space<vmem_shared>>) target(%arg10 : memref<128x64xf32, #tpu.memory_space<vmem>>) offsets(%dma_start3A_41 : memref<128xi32, #tpu.memory_space<vmem>>) semaphore(%arg14 : memref<!tpu.dma_semaphore, #tpu.memory_space<semaphore_mem>>)
      %dma_wait3A = arith.constant 0 : i32
      %dma_wait3A_45 = arith.constant 0 : i32
      %dma_wait3A_46 = tpu.memref_slice %arg12[%dma_wait3A, %dma_wait3A_45] : memref<10112x64xf32, #tpu.memory_space<vmem_shared>> -> memref<128x64xf32, #tpu.memory_space<vmem_shared>>
      %dma_wait3A_47 = arith.constant 0 : i32
      %dma_wait3A_48 = arith.constant 0 : i32
      %dma_wait3A_49 = tpu.memref_slice %arg12[%dma_wait3A_47, %dma_wait3A_48] : memref<10112x64xf32, #tpu.memory_space<vmem_shared>> -> memref<128x64xf32, #tpu.memory_space<vmem_shared>>
      tpu.wait_dma2 semaphore(%arg13 : memref<!tpu.dma_semaphore, #tpu.memory_space<semaphore_mem>>) src(%dma_wait3A_49 : memref<128x64xf32, #tpu.memory_space<vmem_shared>>) dst(%arg9 : memref<128x64xf32, #tpu.memory_space<vmem>>)
      "tpu.region"() ({
        %run_scoped3A = tpu.sem_alloc : memref<!tpu.dma_semaphore, #tpu.memory_space<semaphore_mem>>
        %dma_start3A_63 = arith.constant 0 : i32
        %dma_start3A_64 = tpu.memref_slice %arg8[%mul3A_36, %dma_start3A_63] : memref<79x128xi32, #tpu.memory_space<vmem>> -> memref<1x128xi32, #tpu.memory_space<vmem>>
        %dma_start3A_65 = tpu.memref_squeeze %dma_start3A_64 : memref<1x128xi32, #tpu.memory_space<vmem>> -> memref<128xi32, #tpu.memory_space<vmem>>
        %dma_start3A_66 = arith.constant 0 : i32
        %dma_start3A_67 = arith.constant 0 : i32
        %dma_start3A_68 = tpu.memref_slice %arg11[%dma_start3A_66, %dma_start3A_67] : memref<10112x64xf32, #tpu.memory_space<vmem_shared>> -> memref<10112x64xf32, #tpu.memory_space<vmem_shared>>
        tpu.enqueue_indirect_dma source(%arg9 : memref<128x64xf32, #tpu.memory_space<vmem>>) target(%dma_start3A_68 : memref<10112x64xf32, #tpu.memory_space<vmem_shared>>) offsets(%dma_start3A_65 : memref<128xi32, #tpu.memory_space<vmem>>) semaphore(%run_scoped3A : memref<!tpu.dma_semaphore, #tpu.memory_space<semaphore_mem>>) {add = true}
        %dma_wait3A_69 = arith.constant 0 : i32
        %dma_wait3A_70 = tpu.memref_slice %arg8[%mul3A_36, %dma_wait3A_69] : memref<79x128xi32, #tpu.memory_space<vmem>> -> memref<1x128xi32, #tpu.memory_space<vmem>>
        %dma_wait3A_71 = tpu.memref_squeeze %dma_wait3A_70 : memref<1x128xi32, #tpu.memory_space<vmem>> -> memref<128xi32, #tpu.memory_space<vmem>>
        %dma_wait3A_72 = arith.constant 0 : i32
        %dma_wait3A_73 = arith.constant 0 : i32
        %dma_wait3A_74 = tpu.memref_slice %arg11[%dma_wait3A_72, %dma_wait3A_73] : memref<10112x64xf32, #tpu.memory_space<vmem_shared>> -> memref<10112x64xf32, #tpu.memory_space<vmem_shared>>
        tpu.wait_indirect_dma semaphore(%run_scoped3A : memref<!tpu.dma_semaphore, #tpu.memory_space<semaphore_mem>>) src(%arg9 : memref<128x64xf32, #tpu.memory_space<vmem>>) dst(%dma_wait3A_74 : memref<10112x64xf32, #tpu.memory_space<vmem_shared>>)
        tpu.yield
      }) : () -> ()
      %lt3A_50 = arith.constant 38 : i32
      %lt3A_51 = arith.cmpi slt, %scan3A_34, %lt3A_50 : i32
      %convert_element_type3A_52 = arith.extui %lt3A_51 : i1 to i32
      %cond3A_53 = arith.constant 0 : i32
      %cond3A_54 = arith.cmpi ne, %convert_element_type3A_52, %cond3A_53 : i32
      scf.if %cond3A_54 {
        %add3A_63 = arith.constant 2 : i32
        %add3A_64 = arith.addi %mul3A_36, %add3A_63 : i32
        %dma_start3A_65 = arith.constant 0 : i32
        %dma_start3A_66 = tpu.memref_slice %arg7[%add3A_64, %dma_start3A_65] : memref<79x128xi32, #tpu.memory_space<vmem>> -> memref<1x128xi32, #tpu.memory_space<vmem>>
        %dma_start3A_67 = tpu.memref_squeeze %dma_start3A_66 : memref<1x128xi32, #tpu.memory_space<vmem>> -> memref<128xi32, #tpu.memory_space<vmem>>
        %dma_start3A_68 = arith.constant 0 : i32
        %dma_start3A_69 = arith.constant 0 : i32
        %dma_start3A_70 = tpu.memref_slice %arg12[%dma_start3A_68, %dma_start3A_69] : memref<10112x64xf32, #tpu.memory_space<vmem_shared>> -> memref<10112x64xf32, #tpu.memory_space<vmem_shared>>
        tpu.enqueue_indirect_dma source(%dma_start3A_70 : memref<10112x64xf32, #tpu.memory_space<vmem_shared>>) target(%arg9 : memref<128x64xf32, #tpu.memory_space<vmem>>) offsets(%dma_start3A_67 : memref<128xi32, #tpu.memory_space<vmem>>) semaphore(%arg13 : memref<!tpu.dma_semaphore, #tpu.memory_space<semaphore_mem>>)
      } else {
      }
      %dma_wait3A_55 = arith.constant 0 : i32
      %dma_wait3A_56 = tpu.memref_slice %arg7[%add3A_38, %dma_wait3A_55] : memref<79x128xi32, #tpu.memory_space<vmem>> -> memref<1x128xi32, #tpu.memory_space<vmem>>
      %dma_wait3A_57 = tpu.memref_squeeze %dma_wait3A_56 : memref<1x128xi32, #tpu.memory_space<vmem>> -> memref<128xi32, #tpu.memory_space<vmem>>
      %dma_wait3A_58 = arith.constant 0 : i32
      %dma_wait3A_59 = arith.constant 0 : i32
      %dma_wait3A_60 = tpu.memref_slice %arg12[%dma_wait3A_58, %dma_wait3A_59] : memref<10112x64xf32, #tpu.memory_space<vmem_shared>> -> memref<10112x64xf32, #tpu.memory_space<vmem_shared>>
      tpu.wait_indirect_dma semaphore(%arg14 : memref<!tpu.dma_semaphore, #tpu.memory_space<semaphore_mem>>) src(%dma_wait3A_60 : memref<10112x64xf32, #tpu.memory_space<vmem_shared>>) dst(%arg10 : memref<128x64xf32, #tpu.memory_space<vmem>>)
      %add3A_61 = arith.constant 1 : i32
      %add3A_62 = arith.addi %mul3A_36, %add3A_61 : i32
      "tpu.region"() ({
        %run_scoped3A = tpu.sem_alloc : memref<!tpu.dma_semaphore, #tpu.memory_space<semaphore_mem>>
        %dma_start3A_63 = arith.constant 0 : i32
        %dma_start3A_64 = tpu.memref_slice %arg8[%add3A_62, %dma_start3A_63] : memref<79x128xi32, #tpu.memory_space<vmem>> -> memref<1x128xi32, #tpu.memory_space<vmem>>
        %dma_start3A_65 = tpu.memref_squeeze %dma_start3A_64 : memref<1x128xi32, #tpu.memory_space<vmem>> -> memref<128xi32, #tpu.memory_space<vmem>>
        %dma_start3A_66 = arith.constant 0 : i32
        %dma_start3A_67 = arith.constant 0 : i32
        %dma_start3A_68 = tpu.memref_slice %arg11[%dma_start3A_66, %dma_start3A_67] : memref<10112x64xf32, #tpu.memory_space<vmem_shared>> -> memref<10112x64xf32, #tpu.memory_space<vmem_shared>>
        tpu.enqueue_indirect_dma source(%arg10 : memref<128x64xf32, #tpu.memory_space<vmem>>) target(%dma_start3A_68 : memref<10112x64xf32, #tpu.memory_space<vmem_shared>>) offsets(%dma_start3A_65 : memref<128xi32, #tpu.memory_space<vmem>>) semaphore(%run_scoped3A : memref<!tpu.dma_semaphore, #tpu.memory_space<semaphore_mem>>) {add = true}
        %dma_wait3A_69 = arith.constant 0 : i32
        %dma_wait3A_70 = tpu.memref_slice %arg8[%add3A_62, %dma_wait3A_69] : memref<79x128xi32, #tpu.memory_space<vmem>> -> memref<1x128xi32, #tpu.memory_space<vmem>>
        %dma_wait3A_71 = tpu.memref_squeeze %dma_wait3A_70 : memref<1x128xi32, #tpu.memory_space<vmem>> -> memref<128xi32, #tpu.memory_space<vmem>>
        %dma_wait3A_72 = arith.constant 0 : i32
        %dma_wait3A_73 = arith.constant 0 : i32
        %dma_wait3A_74 = tpu.memref_slice %arg11[%dma_wait3A_72, %dma_wait3A_73] : memref<10112x64xf32, #tpu.memory_space<vmem_shared>> -> memref<10112x64xf32, #tpu.memory_space<vmem_shared>>
        tpu.wait_indirect_dma semaphore(%run_scoped3A : memref<!tpu.dma_semaphore, #tpu.memory_space<semaphore_mem>>) src(%arg10 : memref<128x64xf32, #tpu.memory_space<vmem>>) dst(%dma_wait3A_74 : memref<10112x64xf32, #tpu.memory_space<vmem_shared>>)
        tpu.yield
      }) : () -> ()
    }
    %scan3A_23 = arith.constant 39 : i32
    %convert_element_type3A_24 = arith.extui %lt3A_5 : i1 to i32
    %cond3A_25 = arith.constant 0 : i32
    %cond3A_26 = arith.cmpi ne, %convert_element_type3A_24, %cond3A_25 : i32
    scf.if %cond3A_26 {
      %run_scoped3A = arith.constant 78 : i32
      "tpu.region"() ({
        %run_scoped3A_35 = tpu.sem_alloc : memref<!tpu.dma_semaphore, #tpu.memory_space<semaphore_mem>>
        %dma_start3A_36 = arith.constant 0 : i32
        %dma_start3A_37 = tpu.memref_slice %arg7[%run_scoped3A, %dma_start3A_36] : memref<79x128xi32, #tpu.memory_space<vmem>> -> memref<1x128xi32, #tpu.memory_space<vmem>>
        %dma_start3A_38 = tpu.memref_squeeze %dma_start3A_37 : memref<1x128xi32, #tpu.memory_space<vmem>> -> memref<128xi32, #tpu.memory_space<vmem>>
        %dma_start3A_39 = arith.constant 0 : i32
        %dma_start3A_40 = arith.constant 0 : i32
        %dma_start3A_41 = tpu.memref_slice %arg12[%dma_start3A_39, %dma_start3A_40] : memref<10112x64xf32, #tpu.memory_space<vmem_shared>> -> memref<10112x64xf32, #tpu.memory_space<vmem_shared>>
        tpu.enqueue_indirect_dma source(%dma_start3A_41 : memref<10112x64xf32, #tpu.memory_space<vmem_shared>>) target(%arg9 : memref<128x64xf32, #tpu.memory_space<vmem>>) offsets(%dma_start3A_38 : memref<128xi32, #tpu.memory_space<vmem>>) semaphore(%run_scoped3A_35 : memref<!tpu.dma_semaphore, #tpu.memory_space<semaphore_mem>>)
        %dma_wait3A = arith.constant 0 : i32
        %dma_wait3A_42 = tpu.memref_slice %arg7[%run_scoped3A, %dma_wait3A] : memref<79x128xi32, #tpu.memory_space<vmem>> -> memref<1x128xi32, #tpu.memory_space<vmem>>
        %dma_wait3A_43 = tpu.memref_squeeze %dma_wait3A_42 : memref<1x128xi32, #tpu.memory_space<vmem>> -> memref<128xi32, #tpu.memory_space<vmem>>
        %dma_wait3A_44 = arith.constant 0 : i32
        %dma_wait3A_45 = arith.constant 0 : i32
        %dma_wait3A_46 = tpu.memref_slice %arg12[%dma_wait3A_44, %dma_wait3A_45] : memref<10112x64xf32, #tpu.memory_space<vmem_shared>> -> memref<10112x64xf32, #tpu.memory_space<vmem_shared>>
        tpu.wait_indirect_dma semaphore(%run_scoped3A_35 : memref<!tpu.dma_semaphore, #tpu.memory_space<semaphore_mem>>) src(%dma_wait3A_46 : memref<10112x64xf32, #tpu.memory_space<vmem_shared>>) dst(%arg9 : memref<128x64xf32, #tpu.memory_space<vmem>>)
        tpu.yield
      }) : () -> ()
      %run_scoped3A_34 = arith.constant 78 : i32
      "tpu.region"() ({
        %run_scoped3A_35 = tpu.sem_alloc : memref<!tpu.dma_semaphore, #tpu.memory_space<semaphore_mem>>
        %dma_start3A_36 = arith.constant 0 : i32
        %dma_start3A_37 = tpu.memref_slice %arg8[%run_scoped3A_34, %dma_start3A_36] : memref<79x128xi32, #tpu.memory_space<vmem>> -> memref<1x128xi32, #tpu.memory_space<vmem>>
        %dma_start3A_38 = tpu.memref_squeeze %dma_start3A_37 : memref<1x128xi32, #tpu.memory_space<vmem>> -> memref<128xi32, #tpu.memory_space<vmem>>
        %dma_start3A_39 = arith.constant 0 : i32
        %dma_start3A_40 = arith.constant 0 : i32
        %dma_start3A_41 = tpu.memref_slice %arg11[%dma_start3A_39, %dma_start3A_40] : memref<10112x64xf32, #tpu.memory_space<vmem_shared>> -> memref<10112x64xf32, #tpu.memory_space<vmem_shared>>
        tpu.enqueue_indirect_dma source(%arg9 : memref<128x64xf32, #tpu.memory_space<vmem>>) target(%dma_start3A_41 : memref<10112x64xf32, #tpu.memory_space<vmem_shared>>) offsets(%dma_start3A_38 : memref<128xi32, #tpu.memory_space<vmem>>) semaphore(%run_scoped3A_35 : memref<!tpu.dma_semaphore, #tpu.memory_space<semaphore_mem>>) {add = true}
        %dma_wait3A = arith.constant 0 : i32
        %dma_wait3A_42 = tpu.memref_slice %arg8[%run_scoped3A_34, %dma_wait3A] : memref<79x128xi32, #tpu.memory_space<vmem>> -> memref<1x128xi32, #tpu.memory_space<vmem>>
        %dma_wait3A_43 = tpu.memref_squeeze %dma_wait3A_42 : memref<1x128xi32, #tpu.memory_space<vmem>> -> memref<128xi32, #tpu.memory_space<vmem>>
        %dma_wait3A_44 = arith.constant 0 : i32
        %dma_wait3A_45 = arith.constant 0 : i32
        %dma_wait3A_46 = tpu.memref_slice %arg11[%dma_wait3A_44, %dma_wait3A_45] : memref<10112x64xf32, #tpu.memory_space<vmem_shared>> -> memref<10112x64xf32, #tpu.memory_space<vmem_shared>>
        tpu.wait_indirect_dma semaphore(%run_scoped3A_35 : memref<!tpu.dma_semaphore, #tpu.memory_space<semaphore_mem>>) src(%arg9 : memref<128x64xf32, #tpu.memory_space<vmem>>) dst(%dma_wait3A_46 : memref<10112x64xf32, #tpu.memory_space<vmem_shared>>)
        tpu.yield
      }) : () -> ()
    } else {
    }
    %barrier3A_27 = arith.constant 0 : index
    tpu.barrier barrier_id(%barrier3A_27)
    %mul3A_28 = arith.constant 632 : i32
    %mul3A_29 = arith.muli %arg1, %mul3A_28 : i32
    %mul3A_30 = arith.constant 632 : i32
    %mul3A_31 = arith.muli %arg1, %mul3A_30 : i32
    %mul3A_32 = arith.constant 64 : i32
    %mul3A_33 = arith.muli %arg0, %mul3A_32 : i32
    "tpu.region"() ({
      %run_scoped3A = tpu.sem_alloc : memref<!tpu.dma_semaphore, #tpu.memory_space<semaphore_mem>>
      %dma_start3A_34 = tpu.memref_slice %arg6[%mul3A_31, %mul3A_33] : memref<10112x128xf32, #tpu.memory_space<hbm>> -> memref<632x64xf32, #tpu.memory_space<hbm>>
      %dma_start3A_35 = arith.constant 0 : i32
      %dma_start3A_36 = tpu.memref_slice %arg11[%mul3A_29, %dma_start3A_35] : memref<10112x64xf32, #tpu.memory_space<vmem_shared>> -> memref<632x64xf32, #tpu.memory_space<vmem_shared>>
      tpu.enqueue_dma source(%dma_start3A_36 : memref<632x64xf32, #tpu.memory_space<vmem_shared>>) target(%dma_start3A_34 : memref<632x64xf32, #tpu.memory_space<hbm>>) target_semaphore(%run_scoped3A : memref<!tpu.dma_semaphore, #tpu.memory_space<semaphore_mem>>)
      %dma_wait3A = tpu.memref_slice %arg6[%mul3A_31, %mul3A_33] : memref<10112x128xf32, #tpu.memory_space<hbm>> -> memref<632x64xf32, #tpu.memory_space<hbm>>
      %dma_wait3A_37 = arith.constant 0 : i32
      %dma_wait3A_38 = tpu.memref_slice %arg11[%mul3A_29, %dma_wait3A_37] : memref<10112x64xf32, #tpu.memory_space<vmem_shared>> -> memref<632x64xf32, #tpu.memory_space<vmem_shared>>
      tpu.wait_dma2 semaphore(%run_scoped3A : memref<!tpu.dma_semaphore, #tpu.memory_space<semaphore_mem>>) src(%dma_wait3A_38 : memref<632x64xf32, #tpu.memory_space<vmem_shared>>) dst(%dma_wait3A : memref<632x64xf32, #tpu.memory_space<hbm>>)
      tpu.yield
    }) : () -> ()
    return
  }
}

#map = affine_map<(d0, d1) -> (0, 0)>
module attributes {stable_mosaic.version = 14 : i64} {
  func.func @_seg_pass(%arg0: i32, %arg1: i32, %arg2: memref<10112x128xf32, #tpu.memory_space<hbm>>, %arg3: memref<2500x128xi32, #tpu.memory_space<hbm>>, %arg4: memref<2500x128xi32, #tpu.memory_space<hbm>>, %arg5: memref<632x64xf32, #tpu.memory_space<hbm>>, %arg6: memref<10112x128xf32, #tpu.memory_space<hbm>>, %arg7: memref<79x128xi32, #tpu.memory_space<vmem>>, %arg8: memref<79x128xi32, #tpu.memory_space<vmem>>, %arg9: memref<128x64xf32, #tpu.memory_space<vmem>>, %arg10: memref<128x64xf32, #tpu.memory_space<vmem>>, %arg11: memref<10112x64xf32, #tpu.memory_space<vmem_shared>>, %arg12: memref<10112x64xf32, #tpu.memory_space<vmem_shared>>, %arg13: memref<!tpu.dma_semaphore, #tpu.memory_space<semaphore_mem>>, %arg14: memref<!tpu.dma_semaphore, #tpu.memory_space<semaphore_mem>>) attributes {dimension_semantics = [#tpu.dimension_semantics<core_parallel>, #tpu.dimension_semantics<subcore_parallel>], iteration_bounds = array<i64: 2, 16>, scalar_prefetch = 0 : i64, scratch_operands = 8 : i64, tpu.core_type = #tpu.core_type<sc_vector_subcore>, window_params = [{transform_indices = #map}, {transform_indices = #map}, {transform_indices = #map}, {transform_indices = #map}, {transform_indices = #map}]} {
    %mul3A = arith.constant 16 : i32
    %mul3A_0 = arith.muli %arg0, %mul3A : i32
    %add3A = arith.addi %mul3A_0, %arg1 : i32
    %mul3A_1 = arith.constant 78 : i32
    %mul3A_2 = arith.muli %add3A, %mul3A_1 : i32
    %min3A = arith.constant 4 : i32
    %min3A_3 = arith.minsi %add3A, %min3A : i32
    %add3A_4 = arith.addi %mul3A_2, %min3A_3 : i32
    %lt3A = arith.constant 4 : i32
    %lt3A_5 = arith.cmpi slt, %add3A, %lt3A : i32
    %mul3A_6 = arith.constant 632 : i32
    %mul3A_7 = arith.muli %arg1, %mul3A_6 : i32
    "tpu.region"() ({
      %run_scoped3A = tpu.sem_alloc : memref<!tpu.dma_semaphore, #tpu.memory_space<semaphore_mem>>
      %dma_start3A_34 = arith.constant 0 : i32
      %dma_start3A_35 = tpu.memref_slice %arg11[%mul3A_7, %dma_start3A_34] : memref<10112x64xf32, #tpu.memory_space<vmem_shared>> -> memref<632x64xf32, #tpu.memory_space<vmem_shared>>
      tpu.enqueue_dma source(%arg5 : memref<632x64xf32, #tpu.memory_space<hbm>>) target(%dma_start3A_35 : memref<632x64xf32, #tpu.memory_space<vmem_shared>>) target_semaphore(%run_scoped3A : memref<!tpu.dma_semaphore, #tpu.memory_space<semaphore_mem>>)
      %dma_wait3A = arith.constant 0 : i32
      %dma_wait3A_36 = tpu.memref_slice %arg11[%mul3A_7, %dma_wait3A] : memref<10112x64xf32, #tpu.memory_space<vmem_shared>> -> memref<632x64xf32, #tpu.memory_space<vmem_shared>>
      tpu.wait_dma2 semaphore(%run_scoped3A : memref<!tpu.dma_semaphore, #tpu.memory_space<semaphore_mem>>) src(%arg5 : memref<632x64xf32, #tpu.memory_space<hbm>>) dst(%dma_wait3A_36 : memref<632x64xf32, #tpu.memory_space<vmem_shared>>)
      tpu.yield
    }) : () -> ()
    %mul3A_8 = arith.constant 632 : i32
    %mul3A_9 = arith.muli %arg1, %mul3A_8 : i32
    %mul3A_10 = arith.constant 632 : i32
    %mul3A_11 = arith.muli %arg1, %mul3A_10 : i32
    "tpu.region"() ({
      %run_scoped3A = tpu.sem_alloc : memref<!tpu.dma_semaphore, #tpu.memory_space<semaphore_mem>>
      %dma_start3A_34 = arith.constant 0 : i32
      %dma_start3A_35 = tpu.memref_slice %arg12[%mul3A_11, %dma_start3A_34] : memref<10112x64xf32, #tpu.memory_space<vmem_shared>> -> memref<632x64xf32, #tpu.memory_space<vmem_shared>>
      %dma_start3A_36 = arith.constant 0 : i32
      %dma_start3A_37 = tpu.memref_slice %arg2[%mul3A_9, %dma_start3A_36] : memref<10112x128xf32, #tpu.memory_space<hbm>> -> memref<632x64xf32, #tpu.memory_space<hbm>>
      tpu.enqueue_dma source(%dma_start3A_37 : memref<632x64xf32, #tpu.memory_space<hbm>>) target(%dma_start3A_35 : memref<632x64xf32, #tpu.memory_space<vmem_shared>>) target_semaphore(%run_scoped3A : memref<!tpu.dma_semaphore, #tpu.memory_space<semaphore_mem>>)
      %dma_wait3A = arith.constant 0 : i32
      %dma_wait3A_38 = tpu.memref_slice %arg12[%mul3A_11, %dma_wait3A] : memref<10112x64xf32, #tpu.memory_space<vmem_shared>> -> memref<632x64xf32, #tpu.memory_space<vmem_shared>>
      %dma_wait3A_39 = arith.constant 0 : i32
      %dma_wait3A_40 = tpu.memref_slice %arg2[%mul3A_9, %dma_wait3A_39] : memref<10112x128xf32, #tpu.memory_space<hbm>> -> memref<632x64xf32, #tpu.memory_space<hbm>>
      tpu.wait_dma2 semaphore(%run_scoped3A : memref<!tpu.dma_semaphore, #tpu.memory_space<semaphore_mem>>) src(%dma_wait3A_40 : memref<632x64xf32, #tpu.memory_space<hbm>>) dst(%dma_wait3A_38 : memref<632x64xf32, #tpu.memory_space<vmem_shared>>)
      tpu.yield
    }) : () -> ()
    "tpu.region"() ({
      %run_scoped3A = tpu.sem_alloc : memref<!tpu.dma_semaphore, #tpu.memory_space<semaphore_mem>>
      %dma_start3A_34 = arith.constant 0 : i32
      %dma_start3A_35 = arith.constant 0 : i32
      %dma_start3A_36 = tpu.memref_slice %arg7[%dma_start3A_34, %dma_start3A_35] : memref<79x128xi32, #tpu.memory_space<vmem>> -> memref<78x128xi32, #tpu.memory_space<vmem>>
      %dma_start3A_37 = arith.constant 0 : i32
      %dma_start3A_38 = tpu.memref_slice %arg3[%add3A_4, %dma_start3A_37] : memref<2500x128xi32, #tpu.memory_space<hbm>> -> memref<78x128xi32, #tpu.memory_space<hbm>>
      %dma_start3A_39 = arith.constant 0 : i32
      %dma_start3A_40 = arith.constant 0 : i32
      %dma_start3A_41 = tpu.memref_slice %arg7[%dma_start3A_39, %dma_start3A_40] : memref<79x128xi32, #tpu.memory_space<vmem>> -> memref<78x128xi32, #tpu.memory_space<vmem>>
      %dma_start3A_42 = arith.constant 0 : i32
      %dma_start3A_43 = tpu.memref_slice %arg3[%add3A_4, %dma_start3A_42] : memref<2500x128xi32, #tpu.memory_space<hbm>> -> memref<78x128xi32, #tpu.memory_space<hbm>>
      tpu.enqueue_dma source(%dma_start3A_43 : memref<78x128xi32, #tpu.memory_space<hbm>>) target(%dma_start3A_41 : memref<78x128xi32, #tpu.memory_space<vmem>>) target_semaphore(%run_scoped3A : memref<!tpu.dma_semaphore, #tpu.memory_space<semaphore_mem>>)
      %dma_wait3A = arith.constant 0 : i32
      %dma_wait3A_44 = arith.constant 0 : i32
      %dma_wait3A_45 = tpu.memref_slice %arg7[%dma_wait3A, %dma_wait3A_44] : memref<79x128xi32, #tpu.memory_space<vmem>> -> memref<78x128xi32, #tpu.memory_space<vmem>>
      %dma_wait3A_46 = arith.constant 0 : i32
      %dma_wait3A_47 = tpu.memref_slice %arg3[%add3A_4, %dma_wait3A_46] : memref<2500x128xi32, #tpu.memory_space<hbm>> -> memref<78x128xi32, #tpu.memory_space<hbm>>
      %dma_wait3A_48 = arith.constant 0 : i32
      %dma_wait3A_49 = arith.constant 0 : i32
      %dma_wait3A_50 = tpu.memref_slice %arg7[%dma_wait3A_48, %dma_wait3A_49] : memref<79x128xi32, #tpu.memory_space<vmem>> -> memref<78x128xi32, #tpu.memory_space<vmem>>
      %dma_wait3A_51 = arith.constant 0 : i32
      %dma_wait3A_52 = tpu.memref_slice %arg3[%add3A_4, %dma_wait3A_51] : memref<2500x128xi32, #tpu.memory_space<hbm>> -> memref<78x128xi32, #tpu.memory_space<hbm>>
      tpu.wait_dma2 semaphore(%run_scoped3A : memref<!tpu.dma_semaphore, #tpu.memory_space<semaphore_mem>>) src(%dma_wait3A_52 : memref<78x128xi32, #tpu.memory_space<hbm>>) dst(%dma_wait3A_50 : memref<78x128xi32, #tpu.memory_space<vmem>>)
      tpu.yield
    }) : () -> ()
    "tpu.region"() ({
      %run_scoped3A = tpu.sem_alloc : memref<!tpu.dma_semaphore, #tpu.memory_space<semaphore_mem>>
      %dma_start3A_34 = arith.constant 0 : i32
      %dma_start3A_35 = arith.constant 0 : i32
      %dma_start3A_36 = tpu.memref_slice %arg8[%dma_start3A_34, %dma_start3A_35] : memref<79x128xi32, #tpu.memory_space<vmem>> -> memref<78x128xi32, #tpu.memory_space<vmem>>
      %dma_start3A_37 = arith.constant 0 : i32
      %dma_start3A_38 = tpu.memref_slice %arg4[%add3A_4, %dma_start3A_37] : memref<2500x128xi32, #tpu.memory_space<hbm>> -> memref<78x128xi32, #tpu.memory_space<hbm>>
      %dma_start3A_39 = arith.constant 0 : i32
      %dma_start3A_40 = arith.constant 0 : i32
      %dma_start3A_41 = tpu.memref_slice %arg8[%dma_start3A_39, %dma_start3A_40] : memref<79x128xi32, #tpu.memory_space<vmem>> -> memref<78x128xi32, #tpu.memory_space<vmem>>
      %dma_start3A_42 = arith.constant 0 : i32
      %dma_start3A_43 = tpu.memref_slice %arg4[%add3A_4, %dma_start3A_42] : memref<2500x128xi32, #tpu.memory_space<hbm>> -> memref<78x128xi32, #tpu.memory_space<hbm>>
      tpu.enqueue_dma source(%dma_start3A_43 : memref<78x128xi32, #tpu.memory_space<hbm>>) target(%dma_start3A_41 : memref<78x128xi32, #tpu.memory_space<vmem>>) target_semaphore(%run_scoped3A : memref<!tpu.dma_semaphore, #tpu.memory_space<semaphore_mem>>)
      %dma_wait3A = arith.constant 0 : i32
      %dma_wait3A_44 = arith.constant 0 : i32
      %dma_wait3A_45 = tpu.memref_slice %arg8[%dma_wait3A, %dma_wait3A_44] : memref<79x128xi32, #tpu.memory_space<vmem>> -> memref<78x128xi32, #tpu.memory_space<vmem>>
      %dma_wait3A_46 = arith.constant 0 : i32
      %dma_wait3A_47 = tpu.memref_slice %arg4[%add3A_4, %dma_wait3A_46] : memref<2500x128xi32, #tpu.memory_space<hbm>> -> memref<78x128xi32, #tpu.memory_space<hbm>>
      %dma_wait3A_48 = arith.constant 0 : i32
      %dma_wait3A_49 = arith.constant 0 : i32
      %dma_wait3A_50 = tpu.memref_slice %arg8[%dma_wait3A_48, %dma_wait3A_49] : memref<79x128xi32, #tpu.memory_space<vmem>> -> memref<78x128xi32, #tpu.memory_space<vmem>>
      %dma_wait3A_51 = arith.constant 0 : i32
      %dma_wait3A_52 = tpu.memref_slice %arg4[%add3A_4, %dma_wait3A_51] : memref<2500x128xi32, #tpu.memory_space<hbm>> -> memref<78x128xi32, #tpu.memory_space<hbm>>
      tpu.wait_dma2 semaphore(%run_scoped3A : memref<!tpu.dma_semaphore, #tpu.memory_space<semaphore_mem>>) src(%dma_wait3A_52 : memref<78x128xi32, #tpu.memory_space<hbm>>) dst(%dma_wait3A_50 : memref<78x128xi32, #tpu.memory_space<vmem>>)
      tpu.yield
    }) : () -> ()
    %convert_element_type3A = arith.extui %lt3A_5 : i1 to i32
    %cond3A = arith.constant 0 : i32
    %cond3A_12 = arith.cmpi ne, %convert_element_type3A, %cond3A : i32
    scf.if %cond3A_12 {
      %add3A_34 = arith.constant 78 : i32
      %add3A_35 = arith.addi %add3A_4, %add3A_34 : i32
      "tpu.region"() ({
        %run_scoped3A = tpu.sem_alloc : memref<!tpu.dma_semaphore, #tpu.memory_space<semaphore_mem>>
        %dma_start3A_38 = arith.constant 78 : i32
        %dma_start3A_39 = arith.constant 0 : i32
        %dma_start3A_40 = tpu.memref_slice %arg7[%dma_start3A_38, %dma_start3A_39] : memref<79x128xi32, #tpu.memory_space<vmem>> -> memref<1x128xi32, #tpu.memory_space<vmem>>
        %dma_start3A_41 = arith.constant 0 : i32
        %dma_start3A_42 = tpu.memref_slice %arg3[%add3A_35, %dma_start3A_41] : memref<2500x128xi32, #tpu.memory_space<hbm>> -> memref<1x128xi32, #tpu.memory_space<hbm>>
        %dma_start3A_43 = arith.constant 78 : i32
        %dma_start3A_44 = arith.constant 0 : i32
        %dma_start3A_45 = tpu.memref_slice %arg7[%dma_start3A_43, %dma_start3A_44] : memref<79x128xi32, #tpu.memory_space<vmem>> -> memref<1x128xi32, #tpu.memory_space<vmem>>
        %dma_start3A_46 = arith.constant 0 : i32
        %dma_start3A_47 = tpu.memref_slice %arg3[%add3A_35, %dma_start3A_46] : memref<2500x128xi32, #tpu.memory_space<hbm>> -> memref<1x128xi32, #tpu.memory_space<hbm>>
        tpu.enqueue_dma source(%dma_start3A_47 : memref<1x128xi32, #tpu.memory_space<hbm>>) target(%dma_start3A_45 : memref<1x128xi32, #tpu.memory_space<vmem>>) target_semaphore(%run_scoped3A : memref<!tpu.dma_semaphore, #tpu.memory_space<semaphore_mem>>)
        %dma_wait3A = arith.constant 78 : i32
        %dma_wait3A_48 = arith.constant 0 : i32
        %dma_wait3A_49 = tpu.memref_slice %arg7[%dma_wait3A, %dma_wait3A_48] : memref<79x128xi32, #tpu.memory_space<vmem>> -> memref<1x128xi32, #tpu.memory_space<vmem>>
        %dma_wait3A_50 = arith.constant 0 : i32
        %dma_wait3A_51 = tpu.memref_slice %arg3[%add3A_35, %dma_wait3A_50] : memref<2500x128xi32, #tpu.memory_space<hbm>> -> memref<1x128xi32, #tpu.memory_space<hbm>>
        %dma_wait3A_52 = arith.constant 78 : i32
        %dma_wait3A_53 = arith.constant 0 : i32
        %dma_wait3A_54 = tpu.memref_slice %arg7[%dma_wait3A_52, %dma_wait3A_53] : memref<79x128xi32, #tpu.memory_space<vmem>> -> memref<1x128xi32, #tpu.memory_space<vmem>>
        %dma_wait3A_55 = arith.constant 0 : i32
        %dma_wait3A_56 = tpu.memref_slice %arg3[%add3A_35, %dma_wait3A_55] : memref<2500x128xi32, #tpu.memory_space<hbm>> -> memref<1x128xi32, #tpu.memory_space<hbm>>
        tpu.wait_dma2 semaphore(%run_scoped3A : memref<!tpu.dma_semaphore, #tpu.memory_space<semaphore_mem>>) src(%dma_wait3A_56 : memref<1x128xi32, #tpu.memory_space<hbm>>) dst(%dma_wait3A_54 : memref<1x128xi32, #tpu.memory_space<vmem>>)
        tpu.yield
      }) : () -> ()
      %add3A_36 = arith.constant 78 : i32
      %add3A_37 = arith.addi %add3A_4, %add3A_36 : i32
      "tpu.region"() ({
        %run_scoped3A = tpu.sem_alloc : memref<!tpu.dma_semaphore, #tpu.memory_space<semaphore_mem>>
        %dma_start3A_38 = arith.constant 78 : i32
        %dma_start3A_39 = arith.constant 0 : i32
        %dma_start3A_40 = tpu.memref_slice %arg8[%dma_start3A_38, %dma_start3A_39] : memref<79x128xi32, #tpu.memory_space<vmem>> -> memref<1x128xi32, #tpu.memory_space<vmem>>
        %dma_start3A_41 = arith.constant 0 : i32
        %dma_start3A_42 = tpu.memref_slice %arg4[%add3A_37, %dma_start3A_41] : memref<2500x128xi32, #tpu.memory_space<hbm>> -> memref<1x128xi32, #tpu.memory_space<hbm>>
        %dma_start3A_43 = arith.constant 78 : i32
        %dma_start3A_44 = arith.constant 0 : i32
        %dma_start3A_45 = tpu.memref_slice %arg8[%dma_start3A_43, %dma_start3A_44] : memref<79x128xi32, #tpu.memory_space<vmem>> -> memref<1x128xi32, #tpu.memory_space<vmem>>
        %dma_start3A_46 = arith.constant 0 : i32
        %dma_start3A_47 = tpu.memref_slice %arg4[%add3A_37, %dma_start3A_46] : memref<2500x128xi32, #tpu.memory_space<hbm>> -> memref<1x128xi32, #tpu.memory_space<hbm>>
        tpu.enqueue_dma source(%dma_start3A_47 : memref<1x128xi32, #tpu.memory_space<hbm>>) target(%dma_start3A_45 : memref<1x128xi32, #tpu.memory_space<vmem>>) target_semaphore(%run_scoped3A : memref<!tpu.dma_semaphore, #tpu.memory_space<semaphore_mem>>)
        %dma_wait3A = arith.constant 78 : i32
        %dma_wait3A_48 = arith.constant 0 : i32
        %dma_wait3A_49 = tpu.memref_slice %arg8[%dma_wait3A, %dma_wait3A_48] : memref<79x128xi32, #tpu.memory_space<vmem>> -> memref<1x128xi32, #tpu.memory_space<vmem>>
        %dma_wait3A_50 = arith.constant 0 : i32
        %dma_wait3A_51 = tpu.memref_slice %arg4[%add3A_37, %dma_wait3A_50] : memref<2500x128xi32, #tpu.memory_space<hbm>> -> memref<1x128xi32, #tpu.memory_space<hbm>>
        %dma_wait3A_52 = arith.constant 78 : i32
        %dma_wait3A_53 = arith.constant 0 : i32
        %dma_wait3A_54 = tpu.memref_slice %arg8[%dma_wait3A_52, %dma_wait3A_53] : memref<79x128xi32, #tpu.memory_space<vmem>> -> memref<1x128xi32, #tpu.memory_space<vmem>>
        %dma_wait3A_55 = arith.constant 0 : i32
        %dma_wait3A_56 = tpu.memref_slice %arg4[%add3A_37, %dma_wait3A_55] : memref<2500x128xi32, #tpu.memory_space<hbm>> -> memref<1x128xi32, #tpu.memory_space<hbm>>
        tpu.wait_dma2 semaphore(%run_scoped3A : memref<!tpu.dma_semaphore, #tpu.memory_space<semaphore_mem>>) src(%dma_wait3A_56 : memref<1x128xi32, #tpu.memory_space<hbm>>) dst(%dma_wait3A_54 : memref<1x128xi32, #tpu.memory_space<vmem>>)
        tpu.yield
      }) : () -> ()
    } else {
    }
    %barrier3A = arith.constant 0 : index
    tpu.barrier barrier_id(%barrier3A)
    %dma_start3A = arith.constant 0 : i32
    %dma_start3A_13 = arith.constant 0 : i32
    %dma_start3A_14 = tpu.memref_slice %arg7[%dma_start3A, %dma_start3A_13] : memref<79x128xi32, #tpu.memory_space<vmem>> -> memref<1x128xi32, #tpu.memory_space<vmem>>
    %dma_start3A_15 = tpu.memref_squeeze %dma_start3A_14 : memref<1x128xi32, #tpu.memory_space<vmem>> -> memref<128xi32, #tpu.memory_space<vmem>>
    %dma_start3A_16 = arith.constant 0 : i32
    %dma_start3A_17 = arith.constant 0 : i32
    %dma_start3A_18 = tpu.memref_slice %arg12[%dma_start3A_16, %dma_start3A_17] : memref<10112x64xf32, #tpu.memory_space<vmem_shared>> -> memref<10112x64xf32, #tpu.memory_space<vmem_shared>>
    tpu.enqueue_indirect_dma source(%dma_start3A_18 : memref<10112x64xf32, #tpu.memory_space<vmem_shared>>) target(%arg9 : memref<128x64xf32, #tpu.memory_space<vmem>>) offsets(%dma_start3A_15 : memref<128xi32, #tpu.memory_space<vmem>>) semaphore(%arg13 : memref<!tpu.dma_semaphore, #tpu.memory_space<semaphore_mem>>)
    %scan3A = arith.constant 0 : i32
    %scan3A_19 = arith.constant 0 : i32
    %scan3A_20 = arith.constant 39 : i32
    %scan3A_21 = arith.addi %scan3A_19, %scan3A_20 : i32
    %scan3A_22 = arith.constant 1 : i32
    scf.for %scan3A_34 = %scan3A_19 to %scan3A_21 step %scan3A_22  : i32 {
      %mul3A_35 = arith.constant 2 : i32
      %mul3A_36 = arith.muli %mul3A_35, %scan3A_34 : i32
      %add3A_37 = arith.constant 1 : i32
      %add3A_38 = arith.addi %mul3A_36, %add3A_37 : i32
      %dma_start3A_39 = arith.constant 0 : i32
      %dma_start3A_40 = tpu.memref_slice %arg7[%add3A_38, %dma_start3A_39] : memref<79x128xi32, #tpu.memory_space<vmem>> -> memref<1x128xi32, #tpu.memory_space<vmem>>
      %dma_start3A_41 = tpu.memref_squeeze %dma_start3A_40 : memref<1x128xi32, #tpu.memory_space<vmem>> -> memref<128xi32, #tpu.memory_space<vmem>>
      %dma_start3A_42 = arith.constant 0 : i32
      %dma_start3A_43 = arith.constant 0 : i32
      %dma_start3A_44 = tpu.memref_slice %arg12[%dma_start3A_42, %dma_start3A_43] : memref<10112x64xf32, #tpu.memory_space<vmem_shared>> -> memref<10112x64xf32, #tpu.memory_space<vmem_shared>>
      tpu.enqueue_indirect_dma source(%dma_start3A_44 : memref<10112x64xf32, #tpu.memory_space<vmem_shared>>) target(%arg10 : memref<128x64xf32, #tpu.memory_space<vmem>>) offsets(%dma_start3A_41 : memref<128xi32, #tpu.memory_space<vmem>>) semaphore(%arg14 : memref<!tpu.dma_semaphore, #tpu.memory_space<semaphore_mem>>)
      %dma_wait3A = arith.constant 0 : i32
      %dma_wait3A_45 = arith.constant 0 : i32
      %dma_wait3A_46 = tpu.memref_slice %arg12[%dma_wait3A, %dma_wait3A_45] : memref<10112x64xf32, #tpu.memory_space<vmem_shared>> -> memref<128x64xf32, #tpu.memory_space<vmem_shared>>
      %dma_wait3A_47 = arith.constant 0 : i32
      %dma_wait3A_48 = arith.constant 0 : i32
      %dma_wait3A_49 = tpu.memref_slice %arg12[%dma_wait3A_47, %dma_wait3A_48] : memref<10112x64xf32, #tpu.memory_space<vmem_shared>> -> memref<128x64xf32, #tpu.memory_space<vmem_shared>>
      tpu.wait_dma2 semaphore(%arg13 : memref<!tpu.dma_semaphore, #tpu.memory_space<semaphore_mem>>) src(%dma_wait3A_49 : memref<128x64xf32, #tpu.memory_space<vmem_shared>>) dst(%arg9 : memref<128x64xf32, #tpu.memory_space<vmem>>)
      "tpu.region"() ({
        %run_scoped3A = tpu.sem_alloc : memref<!tpu.dma_semaphore, #tpu.memory_space<semaphore_mem>>
        %dma_start3A_63 = arith.constant 0 : i32
        %dma_start3A_64 = tpu.memref_slice %arg8[%mul3A_36, %dma_start3A_63] : memref<79x128xi32, #tpu.memory_space<vmem>> -> memref<1x128xi32, #tpu.memory_space<vmem>>
        %dma_start3A_65 = tpu.memref_squeeze %dma_start3A_64 : memref<1x128xi32, #tpu.memory_space<vmem>> -> memref<128xi32, #tpu.memory_space<vmem>>
        %dma_start3A_66 = arith.constant 0 : i32
        %dma_start3A_67 = arith.constant 0 : i32
        %dma_start3A_68 = tpu.memref_slice %arg11[%dma_start3A_66, %dma_start3A_67] : memref<10112x64xf32, #tpu.memory_space<vmem_shared>> -> memref<10112x64xf32, #tpu.memory_space<vmem_shared>>
        tpu.enqueue_indirect_dma source(%arg9 : memref<128x64xf32, #tpu.memory_space<vmem>>) target(%dma_start3A_68 : memref<10112x64xf32, #tpu.memory_space<vmem_shared>>) offsets(%dma_start3A_65 : memref<128xi32, #tpu.memory_space<vmem>>) semaphore(%run_scoped3A : memref<!tpu.dma_semaphore, #tpu.memory_space<semaphore_mem>>) {add = true}
        %dma_wait3A_69 = arith.constant 0 : i32
        %dma_wait3A_70 = tpu.memref_slice %arg8[%mul3A_36, %dma_wait3A_69] : memref<79x128xi32, #tpu.memory_space<vmem>> -> memref<1x128xi32, #tpu.memory_space<vmem>>
        %dma_wait3A_71 = tpu.memref_squeeze %dma_wait3A_70 : memref<1x128xi32, #tpu.memory_space<vmem>> -> memref<128xi32, #tpu.memory_space<vmem>>
        %dma_wait3A_72 = arith.constant 0 : i32
        %dma_wait3A_73 = arith.constant 0 : i32
        %dma_wait3A_74 = tpu.memref_slice %arg11[%dma_wait3A_72, %dma_wait3A_73] : memref<10112x64xf32, #tpu.memory_space<vmem_shared>> -> memref<10112x64xf32, #tpu.memory_space<vmem_shared>>
        tpu.wait_indirect_dma semaphore(%run_scoped3A : memref<!tpu.dma_semaphore, #tpu.memory_space<semaphore_mem>>) src(%arg9 : memref<128x64xf32, #tpu.memory_space<vmem>>) dst(%dma_wait3A_74 : memref<10112x64xf32, #tpu.memory_space<vmem_shared>>)
        tpu.yield
      }) : () -> ()
      %lt3A_50 = arith.constant 38 : i32
      %lt3A_51 = arith.cmpi slt, %scan3A_34, %lt3A_50 : i32
      %convert_element_type3A_52 = arith.extui %lt3A_51 : i1 to i32
      %cond3A_53 = arith.constant 0 : i32
      %cond3A_54 = arith.cmpi ne, %convert_element_type3A_52, %cond3A_53 : i32
      scf.if %cond3A_54 {
        %add3A_63 = arith.constant 2 : i32
        %add3A_64 = arith.addi %mul3A_36, %add3A_63 : i32
        %dma_start3A_65 = arith.constant 0 : i32
        %dma_start3A_66 = tpu.memref_slice %arg7[%add3A_64, %dma_start3A_65] : memref<79x128xi32, #tpu.memory_space<vmem>> -> memref<1x128xi32, #tpu.memory_space<vmem>>
        %dma_start3A_67 = tpu.memref_squeeze %dma_start3A_66 : memref<1x128xi32, #tpu.memory_space<vmem>> -> memref<128xi32, #tpu.memory_space<vmem>>
        %dma_start3A_68 = arith.constant 0 : i32
        %dma_start3A_69 = arith.constant 0 : i32
        %dma_start3A_70 = tpu.memref_slice %arg12[%dma_start3A_68, %dma_start3A_69] : memref<10112x64xf32, #tpu.memory_space<vmem_shared>> -> memref<10112x64xf32, #tpu.memory_space<vmem_shared>>
        tpu.enqueue_indirect_dma source(%dma_start3A_70 : memref<10112x64xf32, #tpu.memory_space<vmem_shared>>) target(%arg9 : memref<128x64xf32, #tpu.memory_space<vmem>>) offsets(%dma_start3A_67 : memref<128xi32, #tpu.memory_space<vmem>>) semaphore(%arg13 : memref<!tpu.dma_semaphore, #tpu.memory_space<semaphore_mem>>)
      } else {
      }
      %dma_wait3A_55 = arith.constant 0 : i32
      %dma_wait3A_56 = tpu.memref_slice %arg7[%add3A_38, %dma_wait3A_55] : memref<79x128xi32, #tpu.memory_space<vmem>> -> memref<1x128xi32, #tpu.memory_space<vmem>>
      %dma_wait3A_57 = tpu.memref_squeeze %dma_wait3A_56 : memref<1x128xi32, #tpu.memory_space<vmem>> -> memref<128xi32, #tpu.memory_space<vmem>>
      %dma_wait3A_58 = arith.constant 0 : i32
      %dma_wait3A_59 = arith.constant 0 : i32
      %dma_wait3A_60 = tpu.memref_slice %arg12[%dma_wait3A_58, %dma_wait3A_59] : memref<10112x64xf32, #tpu.memory_space<vmem_shared>> -> memref<10112x64xf32, #tpu.memory_space<vmem_shared>>
      tpu.wait_indirect_dma semaphore(%arg14 : memref<!tpu.dma_semaphore, #tpu.memory_space<semaphore_mem>>) src(%dma_wait3A_60 : memref<10112x64xf32, #tpu.memory_space<vmem_shared>>) dst(%arg10 : memref<128x64xf32, #tpu.memory_space<vmem>>)
      %add3A_61 = arith.constant 1 : i32
      %add3A_62 = arith.addi %mul3A_36, %add3A_61 : i32
      "tpu.region"() ({
        %run_scoped3A = tpu.sem_alloc : memref<!tpu.dma_semaphore, #tpu.memory_space<semaphore_mem>>
        %dma_start3A_63 = arith.constant 0 : i32
        %dma_start3A_64 = tpu.memref_slice %arg8[%add3A_62, %dma_start3A_63] : memref<79x128xi32, #tpu.memory_space<vmem>> -> memref<1x128xi32, #tpu.memory_space<vmem>>
        %dma_start3A_65 = tpu.memref_squeeze %dma_start3A_64 : memref<1x128xi32, #tpu.memory_space<vmem>> -> memref<128xi32, #tpu.memory_space<vmem>>
        %dma_start3A_66 = arith.constant 0 : i32
        %dma_start3A_67 = arith.constant 0 : i32
        %dma_start3A_68 = tpu.memref_slice %arg11[%dma_start3A_66, %dma_start3A_67] : memref<10112x64xf32, #tpu.memory_space<vmem_shared>> -> memref<10112x64xf32, #tpu.memory_space<vmem_shared>>
        tpu.enqueue_indirect_dma source(%arg10 : memref<128x64xf32, #tpu.memory_space<vmem>>) target(%dma_start3A_68 : memref<10112x64xf32, #tpu.memory_space<vmem_shared>>) offsets(%dma_start3A_65 : memref<128xi32, #tpu.memory_space<vmem>>) semaphore(%run_scoped3A : memref<!tpu.dma_semaphore, #tpu.memory_space<semaphore_mem>>) {add = true}
        %dma_wait3A_69 = arith.constant 0 : i32
        %dma_wait3A_70 = tpu.memref_slice %arg8[%add3A_62, %dma_wait3A_69] : memref<79x128xi32, #tpu.memory_space<vmem>> -> memref<1x128xi32, #tpu.memory_space<vmem>>
        %dma_wait3A_71 = tpu.memref_squeeze %dma_wait3A_70 : memref<1x128xi32, #tpu.memory_space<vmem>> -> memref<128xi32, #tpu.memory_space<vmem>>
        %dma_wait3A_72 = arith.constant 0 : i32
        %dma_wait3A_73 = arith.constant 0 : i32
        %dma_wait3A_74 = tpu.memref_slice %arg11[%dma_wait3A_72, %dma_wait3A_73] : memref<10112x64xf32, #tpu.memory_space<vmem_shared>> -> memref<10112x64xf32, #tpu.memory_space<vmem_shared>>
        tpu.wait_indirect_dma semaphore(%run_scoped3A : memref<!tpu.dma_semaphore, #tpu.memory_space<semaphore_mem>>) src(%arg10 : memref<128x64xf32, #tpu.memory_space<vmem>>) dst(%dma_wait3A_74 : memref<10112x64xf32, #tpu.memory_space<vmem_shared>>)
        tpu.yield
      }) : () -> ()
    }
    %scan3A_23 = arith.constant 39 : i32
    %convert_element_type3A_24 = arith.extui %lt3A_5 : i1 to i32
    %cond3A_25 = arith.constant 0 : i32
    %cond3A_26 = arith.cmpi ne, %convert_element_type3A_24, %cond3A_25 : i32
    scf.if %cond3A_26 {
      %run_scoped3A = arith.constant 78 : i32
      "tpu.region"() ({
        %run_scoped3A_35 = tpu.sem_alloc : memref<!tpu.dma_semaphore, #tpu.memory_space<semaphore_mem>>
        %dma_start3A_36 = arith.constant 0 : i32
        %dma_start3A_37 = tpu.memref_slice %arg7[%run_scoped3A, %dma_start3A_36] : memref<79x128xi32, #tpu.memory_space<vmem>> -> memref<1x128xi32, #tpu.memory_space<vmem>>
        %dma_start3A_38 = tpu.memref_squeeze %dma_start3A_37 : memref<1x128xi32, #tpu.memory_space<vmem>> -> memref<128xi32, #tpu.memory_space<vmem>>
        %dma_start3A_39 = arith.constant 0 : i32
        %dma_start3A_40 = arith.constant 0 : i32
        %dma_start3A_41 = tpu.memref_slice %arg12[%dma_start3A_39, %dma_start3A_40] : memref<10112x64xf32, #tpu.memory_space<vmem_shared>> -> memref<10112x64xf32, #tpu.memory_space<vmem_shared>>
        tpu.enqueue_indirect_dma source(%dma_start3A_41 : memref<10112x64xf32, #tpu.memory_space<vmem_shared>>) target(%arg9 : memref<128x64xf32, #tpu.memory_space<vmem>>) offsets(%dma_start3A_38 : memref<128xi32, #tpu.memory_space<vmem>>) semaphore(%run_scoped3A_35 : memref<!tpu.dma_semaphore, #tpu.memory_space<semaphore_mem>>)
        %dma_wait3A = arith.constant 0 : i32
        %dma_wait3A_42 = tpu.memref_slice %arg7[%run_scoped3A, %dma_wait3A] : memref<79x128xi32, #tpu.memory_space<vmem>> -> memref<1x128xi32, #tpu.memory_space<vmem>>
        %dma_wait3A_43 = tpu.memref_squeeze %dma_wait3A_42 : memref<1x128xi32, #tpu.memory_space<vmem>> -> memref<128xi32, #tpu.memory_space<vmem>>
        %dma_wait3A_44 = arith.constant 0 : i32
        %dma_wait3A_45 = arith.constant 0 : i32
        %dma_wait3A_46 = tpu.memref_slice %arg12[%dma_wait3A_44, %dma_wait3A_45] : memref<10112x64xf32, #tpu.memory_space<vmem_shared>> -> memref<10112x64xf32, #tpu.memory_space<vmem_shared>>
        tpu.wait_indirect_dma semaphore(%run_scoped3A_35 : memref<!tpu.dma_semaphore, #tpu.memory_space<semaphore_mem>>) src(%dma_wait3A_46 : memref<10112x64xf32, #tpu.memory_space<vmem_shared>>) dst(%arg9 : memref<128x64xf32, #tpu.memory_space<vmem>>)
        tpu.yield
      }) : () -> ()
      %run_scoped3A_34 = arith.constant 78 : i32
      "tpu.region"() ({
        %run_scoped3A_35 = tpu.sem_alloc : memref<!tpu.dma_semaphore, #tpu.memory_space<semaphore_mem>>
        %dma_start3A_36 = arith.constant 0 : i32
        %dma_start3A_37 = tpu.memref_slice %arg8[%run_scoped3A_34, %dma_start3A_36] : memref<79x128xi32, #tpu.memory_space<vmem>> -> memref<1x128xi32, #tpu.memory_space<vmem>>
        %dma_start3A_38 = tpu.memref_squeeze %dma_start3A_37 : memref<1x128xi32, #tpu.memory_space<vmem>> -> memref<128xi32, #tpu.memory_space<vmem>>
        %dma_start3A_39 = arith.constant 0 : i32
        %dma_start3A_40 = arith.constant 0 : i32
        %dma_start3A_41 = tpu.memref_slice %arg11[%dma_start3A_39, %dma_start3A_40] : memref<10112x64xf32, #tpu.memory_space<vmem_shared>> -> memref<10112x64xf32, #tpu.memory_space<vmem_shared>>
        tpu.enqueue_indirect_dma source(%arg9 : memref<128x64xf32, #tpu.memory_space<vmem>>) target(%dma_start3A_41 : memref<10112x64xf32, #tpu.memory_space<vmem_shared>>) offsets(%dma_start3A_38 : memref<128xi32, #tpu.memory_space<vmem>>) semaphore(%run_scoped3A_35 : memref<!tpu.dma_semaphore, #tpu.memory_space<semaphore_mem>>) {add = true}
        %dma_wait3A = arith.constant 0 : i32
        %dma_wait3A_42 = tpu.memref_slice %arg8[%run_scoped3A_34, %dma_wait3A] : memref<79x128xi32, #tpu.memory_space<vmem>> -> memref<1x128xi32, #tpu.memory_space<vmem>>
        %dma_wait3A_43 = tpu.memref_squeeze %dma_wait3A_42 : memref<1x128xi32, #tpu.memory_space<vmem>> -> memref<128xi32, #tpu.memory_space<vmem>>
        %dma_wait3A_44 = arith.constant 0 : i32
        %dma_wait3A_45 = arith.constant 0 : i32
        %dma_wait3A_46 = tpu.memref_slice %arg11[%dma_wait3A_44, %dma_wait3A_45] : memref<10112x64xf32, #tpu.memory_space<vmem_shared>> -> memref<10112x64xf32, #tpu.memory_space<vmem_shared>>
        tpu.wait_indirect_dma semaphore(%run_scoped3A_35 : memref<!tpu.dma_semaphore, #tpu.memory_space<semaphore_mem>>) src(%arg9 : memref<128x64xf32, #tpu.memory_space<vmem>>) dst(%dma_wait3A_46 : memref<10112x64xf32, #tpu.memory_space<vmem_shared>>)
        tpu.yield
      }) : () -> ()
    } else {
    }
    %barrier3A_27 = arith.constant 0 : index
    tpu.barrier barrier_id(%barrier3A_27)
    %mul3A_28 = arith.constant 632 : i32
    %mul3A_29 = arith.muli %arg1, %mul3A_28 : i32
    %mul3A_30 = arith.constant 632 : i32
    %mul3A_31 = arith.muli %arg1, %mul3A_30 : i32
    %mul3A_32 = arith.constant 64 : i32
    %mul3A_33 = arith.muli %arg0, %mul3A_32 : i32
    "tpu.region"() ({
      %run_scoped3A = tpu.sem_alloc : memref<!tpu.dma_semaphore, #tpu.memory_space<semaphore_mem>>
      %dma_start3A_34 = tpu.memref_slice %arg6[%mul3A_31, %mul3A_33] : memref<10112x128xf32, #tpu.memory_space<hbm>> -> memref<632x64xf32, #tpu.memory_space<hbm>>
      %dma_start3A_35 = arith.constant 0 : i32
      %dma_start3A_36 = tpu.memref_slice %arg11[%mul3A_29, %dma_start3A_35] : memref<10112x64xf32, #tpu.memory_space<vmem_shared>> -> memref<632x64xf32, #tpu.memory_space<vmem_shared>>
      tpu.enqueue_dma source(%dma_start3A_36 : memref<632x64xf32, #tpu.memory_space<vmem_shared>>) target(%dma_start3A_34 : memref<632x64xf32, #tpu.memory_space<hbm>>) target_semaphore(%run_scoped3A : memref<!tpu.dma_semaphore, #tpu.memory_space<semaphore_mem>>)
      %dma_wait3A = tpu.memref_slice %arg6[%mul3A_31, %mul3A_33] : memref<10112x128xf32, #tpu.memory_space<hbm>> -> memref<632x64xf32, #tpu.memory_space<hbm>>
      %dma_wait3A_37 = arith.constant 0 : i32
      %dma_wait3A_38 = tpu.memref_slice %arg11[%mul3A_29, %dma_wait3A_37] : memref<10112x64xf32, #tpu.memory_space<vmem_shared>> -> memref<632x64xf32, #tpu.memory_space<vmem_shared>>
      tpu.wait_dma2 semaphore(%run_scoped3A : memref<!tpu.dma_semaphore, #tpu.memory_space<semaphore_mem>>) src(%dma_wait3A_38 : memref<632x64xf32, #tpu.memory_space<vmem_shared>>) dst(%dma_wait3A : memref<632x64xf32, #tpu.memory_space<hbm>>)
      tpu.yield
    }) : () -> ()
    return
  }
}

#map = affine_map<(d0, d1) -> (0, 0)>
module attributes {stable_mosaic.version = 14 : i64} {
  func.func @_seg_pass(%arg0: i32, %arg1: i32, %arg2: memref<10112x128xf32, #tpu.memory_space<hbm>>, %arg3: memref<2500x128xi32, #tpu.memory_space<hbm>>, %arg4: memref<2500x128xi32, #tpu.memory_space<hbm>>, %arg5: memref<632x64xf32, #tpu.memory_space<hbm>>, %arg6: memref<10112x128xf32, #tpu.memory_space<hbm>>, %arg7: memref<79x128xi32, #tpu.memory_space<vmem>>, %arg8: memref<79x128xi32, #tpu.memory_space<vmem>>, %arg9: memref<128x64xf32, #tpu.memory_space<vmem>>, %arg10: memref<128x64xf32, #tpu.memory_space<vmem>>, %arg11: memref<10112x64xf32, #tpu.memory_space<vmem_shared>>, %arg12: memref<10112x64xf32, #tpu.memory_space<vmem_shared>>, %arg13: memref<!tpu.dma_semaphore, #tpu.memory_space<semaphore_mem>>, %arg14: memref<!tpu.dma_semaphore, #tpu.memory_space<semaphore_mem>>) attributes {dimension_semantics = [#tpu.dimension_semantics<core_parallel>, #tpu.dimension_semantics<subcore_parallel>], iteration_bounds = array<i64: 2, 16>, scalar_prefetch = 0 : i64, scratch_operands = 8 : i64, tpu.core_type = #tpu.core_type<sc_vector_subcore>, window_params = [{transform_indices = #map}, {transform_indices = #map}, {transform_indices = #map}, {transform_indices = #map}, {transform_indices = #map}]} {
    %mul3A = arith.constant 16 : i32
    %mul3A_0 = arith.muli %arg0, %mul3A : i32
    %add3A = arith.addi %mul3A_0, %arg1 : i32
    %mul3A_1 = arith.constant 78 : i32
    %mul3A_2 = arith.muli %add3A, %mul3A_1 : i32
    %min3A = arith.constant 4 : i32
    %min3A_3 = arith.minsi %add3A, %min3A : i32
    %add3A_4 = arith.addi %mul3A_2, %min3A_3 : i32
    %lt3A = arith.constant 4 : i32
    %lt3A_5 = arith.cmpi slt, %add3A, %lt3A : i32
    %mul3A_6 = arith.constant 632 : i32
    %mul3A_7 = arith.muli %arg1, %mul3A_6 : i32
    "tpu.region"() ({
      %run_scoped3A = tpu.sem_alloc : memref<!tpu.dma_semaphore, #tpu.memory_space<semaphore_mem>>
      %dma_start3A_34 = arith.constant 0 : i32
      %dma_start3A_35 = tpu.memref_slice %arg11[%mul3A_7, %dma_start3A_34] : memref<10112x64xf32, #tpu.memory_space<vmem_shared>> -> memref<632x64xf32, #tpu.memory_space<vmem_shared>>
      tpu.enqueue_dma source(%arg5 : memref<632x64xf32, #tpu.memory_space<hbm>>) target(%dma_start3A_35 : memref<632x64xf32, #tpu.memory_space<vmem_shared>>) target_semaphore(%run_scoped3A : memref<!tpu.dma_semaphore, #tpu.memory_space<semaphore_mem>>)
      %dma_wait3A = arith.constant 0 : i32
      %dma_wait3A_36 = tpu.memref_slice %arg11[%mul3A_7, %dma_wait3A] : memref<10112x64xf32, #tpu.memory_space<vmem_shared>> -> memref<632x64xf32, #tpu.memory_space<vmem_shared>>
      tpu.wait_dma2 semaphore(%run_scoped3A : memref<!tpu.dma_semaphore, #tpu.memory_space<semaphore_mem>>) src(%arg5 : memref<632x64xf32, #tpu.memory_space<hbm>>) dst(%dma_wait3A_36 : memref<632x64xf32, #tpu.memory_space<vmem_shared>>)
      tpu.yield
    }) : () -> ()
    %mul3A_8 = arith.constant 632 : i32
    %mul3A_9 = arith.muli %arg1, %mul3A_8 : i32
    %mul3A_10 = arith.constant 632 : i32
    %mul3A_11 = arith.muli %arg1, %mul3A_10 : i32
    "tpu.region"() ({
      %run_scoped3A = tpu.sem_alloc : memref<!tpu.dma_semaphore, #tpu.memory_space<semaphore_mem>>
      %dma_start3A_34 = arith.constant 0 : i32
      %dma_start3A_35 = tpu.memref_slice %arg12[%mul3A_11, %dma_start3A_34] : memref<10112x64xf32, #tpu.memory_space<vmem_shared>> -> memref<632x64xf32, #tpu.memory_space<vmem_shared>>
      %dma_start3A_36 = arith.constant 0 : i32
      %dma_start3A_37 = tpu.memref_slice %arg2[%mul3A_9, %dma_start3A_36] : memref<10112x128xf32, #tpu.memory_space<hbm>> -> memref<632x64xf32, #tpu.memory_space<hbm>>
      tpu.enqueue_dma source(%dma_start3A_37 : memref<632x64xf32, #tpu.memory_space<hbm>>) target(%dma_start3A_35 : memref<632x64xf32, #tpu.memory_space<vmem_shared>>) target_semaphore(%run_scoped3A : memref<!tpu.dma_semaphore, #tpu.memory_space<semaphore_mem>>)
      %dma_wait3A = arith.constant 0 : i32
      %dma_wait3A_38 = tpu.memref_slice %arg12[%mul3A_11, %dma_wait3A] : memref<10112x64xf32, #tpu.memory_space<vmem_shared>> -> memref<632x64xf32, #tpu.memory_space<vmem_shared>>
      %dma_wait3A_39 = arith.constant 0 : i32
      %dma_wait3A_40 = tpu.memref_slice %arg2[%mul3A_9, %dma_wait3A_39] : memref<10112x128xf32, #tpu.memory_space<hbm>> -> memref<632x64xf32, #tpu.memory_space<hbm>>
      tpu.wait_dma2 semaphore(%run_scoped3A : memref<!tpu.dma_semaphore, #tpu.memory_space<semaphore_mem>>) src(%dma_wait3A_40 : memref<632x64xf32, #tpu.memory_space<hbm>>) dst(%dma_wait3A_38 : memref<632x64xf32, #tpu.memory_space<vmem_shared>>)
      tpu.yield
    }) : () -> ()
    "tpu.region"() ({
      %run_scoped3A = tpu.sem_alloc : memref<!tpu.dma_semaphore, #tpu.memory_space<semaphore_mem>>
      %dma_start3A_34 = arith.constant 0 : i32
      %dma_start3A_35 = arith.constant 0 : i32
      %dma_start3A_36 = tpu.memref_slice %arg7[%dma_start3A_34, %dma_start3A_35] : memref<79x128xi32, #tpu.memory_space<vmem>> -> memref<78x128xi32, #tpu.memory_space<vmem>>
      %dma_start3A_37 = arith.constant 0 : i32
      %dma_start3A_38 = tpu.memref_slice %arg3[%add3A_4, %dma_start3A_37] : memref<2500x128xi32, #tpu.memory_space<hbm>> -> memref<78x128xi32, #tpu.memory_space<hbm>>
      %dma_start3A_39 = arith.constant 0 : i32
      %dma_start3A_40 = arith.constant 0 : i32
      %dma_start3A_41 = tpu.memref_slice %arg7[%dma_start3A_39, %dma_start3A_40] : memref<79x128xi32, #tpu.memory_space<vmem>> -> memref<78x128xi32, #tpu.memory_space<vmem>>
      %dma_start3A_42 = arith.constant 0 : i32
      %dma_start3A_43 = tpu.memref_slice %arg3[%add3A_4, %dma_start3A_42] : memref<2500x128xi32, #tpu.memory_space<hbm>> -> memref<78x128xi32, #tpu.memory_space<hbm>>
      tpu.enqueue_dma source(%dma_start3A_43 : memref<78x128xi32, #tpu.memory_space<hbm>>) target(%dma_start3A_41 : memref<78x128xi32, #tpu.memory_space<vmem>>) target_semaphore(%run_scoped3A : memref<!tpu.dma_semaphore, #tpu.memory_space<semaphore_mem>>)
      %dma_wait3A = arith.constant 0 : i32
      %dma_wait3A_44 = arith.constant 0 : i32
      %dma_wait3A_45 = tpu.memref_slice %arg7[%dma_wait3A, %dma_wait3A_44] : memref<79x128xi32, #tpu.memory_space<vmem>> -> memref<78x128xi32, #tpu.memory_space<vmem>>
      %dma_wait3A_46 = arith.constant 0 : i32
      %dma_wait3A_47 = tpu.memref_slice %arg3[%add3A_4, %dma_wait3A_46] : memref<2500x128xi32, #tpu.memory_space<hbm>> -> memref<78x128xi32, #tpu.memory_space<hbm>>
      %dma_wait3A_48 = arith.constant 0 : i32
      %dma_wait3A_49 = arith.constant 0 : i32
      %dma_wait3A_50 = tpu.memref_slice %arg7[%dma_wait3A_48, %dma_wait3A_49] : memref<79x128xi32, #tpu.memory_space<vmem>> -> memref<78x128xi32, #tpu.memory_space<vmem>>
      %dma_wait3A_51 = arith.constant 0 : i32
      %dma_wait3A_52 = tpu.memref_slice %arg3[%add3A_4, %dma_wait3A_51] : memref<2500x128xi32, #tpu.memory_space<hbm>> -> memref<78x128xi32, #tpu.memory_space<hbm>>
      tpu.wait_dma2 semaphore(%run_scoped3A : memref<!tpu.dma_semaphore, #tpu.memory_space<semaphore_mem>>) src(%dma_wait3A_52 : memref<78x128xi32, #tpu.memory_space<hbm>>) dst(%dma_wait3A_50 : memref<78x128xi32, #tpu.memory_space<vmem>>)
      tpu.yield
    }) : () -> ()
    "tpu.region"() ({
      %run_scoped3A = tpu.sem_alloc : memref<!tpu.dma_semaphore, #tpu.memory_space<semaphore_mem>>
      %dma_start3A_34 = arith.constant 0 : i32
      %dma_start3A_35 = arith.constant 0 : i32
      %dma_start3A_36 = tpu.memref_slice %arg8[%dma_start3A_34, %dma_start3A_35] : memref<79x128xi32, #tpu.memory_space<vmem>> -> memref<78x128xi32, #tpu.memory_space<vmem>>
      %dma_start3A_37 = arith.constant 0 : i32
      %dma_start3A_38 = tpu.memref_slice %arg4[%add3A_4, %dma_start3A_37] : memref<2500x128xi32, #tpu.memory_space<hbm>> -> memref<78x128xi32, #tpu.memory_space<hbm>>
      %dma_start3A_39 = arith.constant 0 : i32
      %dma_start3A_40 = arith.constant 0 : i32
      %dma_start3A_41 = tpu.memref_slice %arg8[%dma_start3A_39, %dma_start3A_40] : memref<79x128xi32, #tpu.memory_space<vmem>> -> memref<78x128xi32, #tpu.memory_space<vmem>>
      %dma_start3A_42 = arith.constant 0 : i32
      %dma_start3A_43 = tpu.memref_slice %arg4[%add3A_4, %dma_start3A_42] : memref<2500x128xi32, #tpu.memory_space<hbm>> -> memref<78x128xi32, #tpu.memory_space<hbm>>
      tpu.enqueue_dma source(%dma_start3A_43 : memref<78x128xi32, #tpu.memory_space<hbm>>) target(%dma_start3A_41 : memref<78x128xi32, #tpu.memory_space<vmem>>) target_semaphore(%run_scoped3A : memref<!tpu.dma_semaphore, #tpu.memory_space<semaphore_mem>>)
      %dma_wait3A = arith.constant 0 : i32
      %dma_wait3A_44 = arith.constant 0 : i32
      %dma_wait3A_45 = tpu.memref_slice %arg8[%dma_wait3A, %dma_wait3A_44] : memref<79x128xi32, #tpu.memory_space<vmem>> -> memref<78x128xi32, #tpu.memory_space<vmem>>
      %dma_wait3A_46 = arith.constant 0 : i32
      %dma_wait3A_47 = tpu.memref_slice %arg4[%add3A_4, %dma_wait3A_46] : memref<2500x128xi32, #tpu.memory_space<hbm>> -> memref<78x128xi32, #tpu.memory_space<hbm>>
      %dma_wait3A_48 = arith.constant 0 : i32
      %dma_wait3A_49 = arith.constant 0 : i32
      %dma_wait3A_50 = tpu.memref_slice %arg8[%dma_wait3A_48, %dma_wait3A_49] : memref<79x128xi32, #tpu.memory_space<vmem>> -> memref<78x128xi32, #tpu.memory_space<vmem>>
      %dma_wait3A_51 = arith.constant 0 : i32
      %dma_wait3A_52 = tpu.memref_slice %arg4[%add3A_4, %dma_wait3A_51] : memref<2500x128xi32, #tpu.memory_space<hbm>> -> memref<78x128xi32, #tpu.memory_space<hbm>>
      tpu.wait_dma2 semaphore(%run_scoped3A : memref<!tpu.dma_semaphore, #tpu.memory_space<semaphore_mem>>) src(%dma_wait3A_52 : memref<78x128xi32, #tpu.memory_space<hbm>>) dst(%dma_wait3A_50 : memref<78x128xi32, #tpu.memory_space<vmem>>)
      tpu.yield
    }) : () -> ()
    %convert_element_type3A = arith.extui %lt3A_5 : i1 to i32
    %cond3A = arith.constant 0 : i32
    %cond3A_12 = arith.cmpi ne, %convert_element_type3A, %cond3A : i32
    scf.if %cond3A_12 {
      %add3A_34 = arith.constant 78 : i32
      %add3A_35 = arith.addi %add3A_4, %add3A_34 : i32
      "tpu.region"() ({
        %run_scoped3A = tpu.sem_alloc : memref<!tpu.dma_semaphore, #tpu.memory_space<semaphore_mem>>
        %dma_start3A_38 = arith.constant 78 : i32
        %dma_start3A_39 = arith.constant 0 : i32
        %dma_start3A_40 = tpu.memref_slice %arg7[%dma_start3A_38, %dma_start3A_39] : memref<79x128xi32, #tpu.memory_space<vmem>> -> memref<1x128xi32, #tpu.memory_space<vmem>>
        %dma_start3A_41 = arith.constant 0 : i32
        %dma_start3A_42 = tpu.memref_slice %arg3[%add3A_35, %dma_start3A_41] : memref<2500x128xi32, #tpu.memory_space<hbm>> -> memref<1x128xi32, #tpu.memory_space<hbm>>
        %dma_start3A_43 = arith.constant 78 : i32
        %dma_start3A_44 = arith.constant 0 : i32
        %dma_start3A_45 = tpu.memref_slice %arg7[%dma_start3A_43, %dma_start3A_44] : memref<79x128xi32, #tpu.memory_space<vmem>> -> memref<1x128xi32, #tpu.memory_space<vmem>>
        %dma_start3A_46 = arith.constant 0 : i32
        %dma_start3A_47 = tpu.memref_slice %arg3[%add3A_35, %dma_start3A_46] : memref<2500x128xi32, #tpu.memory_space<hbm>> -> memref<1x128xi32, #tpu.memory_space<hbm>>
        tpu.enqueue_dma source(%dma_start3A_47 : memref<1x128xi32, #tpu.memory_space<hbm>>) target(%dma_start3A_45 : memref<1x128xi32, #tpu.memory_space<vmem>>) target_semaphore(%run_scoped3A : memref<!tpu.dma_semaphore, #tpu.memory_space<semaphore_mem>>)
        %dma_wait3A = arith.constant 78 : i32
        %dma_wait3A_48 = arith.constant 0 : i32
        %dma_wait3A_49 = tpu.memref_slice %arg7[%dma_wait3A, %dma_wait3A_48] : memref<79x128xi32, #tpu.memory_space<vmem>> -> memref<1x128xi32, #tpu.memory_space<vmem>>
        %dma_wait3A_50 = arith.constant 0 : i32
        %dma_wait3A_51 = tpu.memref_slice %arg3[%add3A_35, %dma_wait3A_50] : memref<2500x128xi32, #tpu.memory_space<hbm>> -> memref<1x128xi32, #tpu.memory_space<hbm>>
        %dma_wait3A_52 = arith.constant 78 : i32
        %dma_wait3A_53 = arith.constant 0 : i32
        %dma_wait3A_54 = tpu.memref_slice %arg7[%dma_wait3A_52, %dma_wait3A_53] : memref<79x128xi32, #tpu.memory_space<vmem>> -> memref<1x128xi32, #tpu.memory_space<vmem>>
        %dma_wait3A_55 = arith.constant 0 : i32
        %dma_wait3A_56 = tpu.memref_slice %arg3[%add3A_35, %dma_wait3A_55] : memref<2500x128xi32, #tpu.memory_space<hbm>> -> memref<1x128xi32, #tpu.memory_space<hbm>>
        tpu.wait_dma2 semaphore(%run_scoped3A : memref<!tpu.dma_semaphore, #tpu.memory_space<semaphore_mem>>) src(%dma_wait3A_56 : memref<1x128xi32, #tpu.memory_space<hbm>>) dst(%dma_wait3A_54 : memref<1x128xi32, #tpu.memory_space<vmem>>)
        tpu.yield
      }) : () -> ()
      %add3A_36 = arith.constant 78 : i32
      %add3A_37 = arith.addi %add3A_4, %add3A_36 : i32
      "tpu.region"() ({
        %run_scoped3A = tpu.sem_alloc : memref<!tpu.dma_semaphore, #tpu.memory_space<semaphore_mem>>
        %dma_start3A_38 = arith.constant 78 : i32
        %dma_start3A_39 = arith.constant 0 : i32
        %dma_start3A_40 = tpu.memref_slice %arg8[%dma_start3A_38, %dma_start3A_39] : memref<79x128xi32, #tpu.memory_space<vmem>> -> memref<1x128xi32, #tpu.memory_space<vmem>>
        %dma_start3A_41 = arith.constant 0 : i32
        %dma_start3A_42 = tpu.memref_slice %arg4[%add3A_37, %dma_start3A_41] : memref<2500x128xi32, #tpu.memory_space<hbm>> -> memref<1x128xi32, #tpu.memory_space<hbm>>
        %dma_start3A_43 = arith.constant 78 : i32
        %dma_start3A_44 = arith.constant 0 : i32
        %dma_start3A_45 = tpu.memref_slice %arg8[%dma_start3A_43, %dma_start3A_44] : memref<79x128xi32, #tpu.memory_space<vmem>> -> memref<1x128xi32, #tpu.memory_space<vmem>>
        %dma_start3A_46 = arith.constant 0 : i32
        %dma_start3A_47 = tpu.memref_slice %arg4[%add3A_37, %dma_start3A_46] : memref<2500x128xi32, #tpu.memory_space<hbm>> -> memref<1x128xi32, #tpu.memory_space<hbm>>
        tpu.enqueue_dma source(%dma_start3A_47 : memref<1x128xi32, #tpu.memory_space<hbm>>) target(%dma_start3A_45 : memref<1x128xi32, #tpu.memory_space<vmem>>) target_semaphore(%run_scoped3A : memref<!tpu.dma_semaphore, #tpu.memory_space<semaphore_mem>>)
        %dma_wait3A = arith.constant 78 : i32
        %dma_wait3A_48 = arith.constant 0 : i32
        %dma_wait3A_49 = tpu.memref_slice %arg8[%dma_wait3A, %dma_wait3A_48] : memref<79x128xi32, #tpu.memory_space<vmem>> -> memref<1x128xi32, #tpu.memory_space<vmem>>
        %dma_wait3A_50 = arith.constant 0 : i32
        %dma_wait3A_51 = tpu.memref_slice %arg4[%add3A_37, %dma_wait3A_50] : memref<2500x128xi32, #tpu.memory_space<hbm>> -> memref<1x128xi32, #tpu.memory_space<hbm>>
        %dma_wait3A_52 = arith.constant 78 : i32
        %dma_wait3A_53 = arith.constant 0 : i32
        %dma_wait3A_54 = tpu.memref_slice %arg8[%dma_wait3A_52, %dma_wait3A_53] : memref<79x128xi32, #tpu.memory_space<vmem>> -> memref<1x128xi32, #tpu.memory_space<vmem>>
        %dma_wait3A_55 = arith.constant 0 : i32
        %dma_wait3A_56 = tpu.memref_slice %arg4[%add3A_37, %dma_wait3A_55] : memref<2500x128xi32, #tpu.memory_space<hbm>> -> memref<1x128xi32, #tpu.memory_space<hbm>>
        tpu.wait_dma2 semaphore(%run_scoped3A : memref<!tpu.dma_semaphore, #tpu.memory_space<semaphore_mem>>) src(%dma_wait3A_56 : memref<1x128xi32, #tpu.memory_space<hbm>>) dst(%dma_wait3A_54 : memref<1x128xi32, #tpu.memory_space<vmem>>)
        tpu.yield
      }) : () -> ()
    } else {
    }
    %barrier3A = arith.constant 0 : index
    tpu.barrier barrier_id(%barrier3A)
    %dma_start3A = arith.constant 0 : i32
    %dma_start3A_13 = arith.constant 0 : i32
    %dma_start3A_14 = tpu.memref_slice %arg7[%dma_start3A, %dma_start3A_13] : memref<79x128xi32, #tpu.memory_space<vmem>> -> memref<1x128xi32, #tpu.memory_space<vmem>>
    %dma_start3A_15 = tpu.memref_squeeze %dma_start3A_14 : memref<1x128xi32, #tpu.memory_space<vmem>> -> memref<128xi32, #tpu.memory_space<vmem>>
    %dma_start3A_16 = arith.constant 0 : i32
    %dma_start3A_17 = arith.constant 0 : i32
    %dma_start3A_18 = tpu.memref_slice %arg12[%dma_start3A_16, %dma_start3A_17] : memref<10112x64xf32, #tpu.memory_space<vmem_shared>> -> memref<10112x64xf32, #tpu.memory_space<vmem_shared>>
    tpu.enqueue_indirect_dma source(%dma_start3A_18 : memref<10112x64xf32, #tpu.memory_space<vmem_shared>>) target(%arg9 : memref<128x64xf32, #tpu.memory_space<vmem>>) offsets(%dma_start3A_15 : memref<128xi32, #tpu.memory_space<vmem>>) semaphore(%arg13 : memref<!tpu.dma_semaphore, #tpu.memory_space<semaphore_mem>>)
    %scan3A = arith.constant 0 : i32
    %scan3A_19 = arith.constant 0 : i32
    %scan3A_20 = arith.constant 39 : i32
    %scan3A_21 = arith.addi %scan3A_19, %scan3A_20 : i32
    %scan3A_22 = arith.constant 1 : i32
    scf.for %scan3A_34 = %scan3A_19 to %scan3A_21 step %scan3A_22  : i32 {
      %mul3A_35 = arith.constant 2 : i32
      %mul3A_36 = arith.muli %mul3A_35, %scan3A_34 : i32
      %add3A_37 = arith.constant 1 : i32
      %add3A_38 = arith.addi %mul3A_36, %add3A_37 : i32
      %dma_start3A_39 = arith.constant 0 : i32
      %dma_start3A_40 = tpu.memref_slice %arg7[%add3A_38, %dma_start3A_39] : memref<79x128xi32, #tpu.memory_space<vmem>> -> memref<1x128xi32, #tpu.memory_space<vmem>>
      %dma_start3A_41 = tpu.memref_squeeze %dma_start3A_40 : memref<1x128xi32, #tpu.memory_space<vmem>> -> memref<128xi32, #tpu.memory_space<vmem>>
      %dma_start3A_42 = arith.constant 0 : i32
      %dma_start3A_43 = arith.constant 0 : i32
      %dma_start3A_44 = tpu.memref_slice %arg12[%dma_start3A_42, %dma_start3A_43] : memref<10112x64xf32, #tpu.memory_space<vmem_shared>> -> memref<10112x64xf32, #tpu.memory_space<vmem_shared>>
      tpu.enqueue_indirect_dma source(%dma_start3A_44 : memref<10112x64xf32, #tpu.memory_space<vmem_shared>>) target(%arg10 : memref<128x64xf32, #tpu.memory_space<vmem>>) offsets(%dma_start3A_41 : memref<128xi32, #tpu.memory_space<vmem>>) semaphore(%arg14 : memref<!tpu.dma_semaphore, #tpu.memory_space<semaphore_mem>>)
      %dma_wait3A = arith.constant 0 : i32
      %dma_wait3A_45 = arith.constant 0 : i32
      %dma_wait3A_46 = tpu.memref_slice %arg12[%dma_wait3A, %dma_wait3A_45] : memref<10112x64xf32, #tpu.memory_space<vmem_shared>> -> memref<128x64xf32, #tpu.memory_space<vmem_shared>>
      %dma_wait3A_47 = arith.constant 0 : i32
      %dma_wait3A_48 = arith.constant 0 : i32
      %dma_wait3A_49 = tpu.memref_slice %arg12[%dma_wait3A_47, %dma_wait3A_48] : memref<10112x64xf32, #tpu.memory_space<vmem_shared>> -> memref<128x64xf32, #tpu.memory_space<vmem_shared>>
      tpu.wait_dma2 semaphore(%arg13 : memref<!tpu.dma_semaphore, #tpu.memory_space<semaphore_mem>>) src(%dma_wait3A_49 : memref<128x64xf32, #tpu.memory_space<vmem_shared>>) dst(%arg9 : memref<128x64xf32, #tpu.memory_space<vmem>>)
      "tpu.region"() ({
        %run_scoped3A = tpu.sem_alloc : memref<!tpu.dma_semaphore, #tpu.memory_space<semaphore_mem>>
        %dma_start3A_63 = arith.constant 0 : i32
        %dma_start3A_64 = tpu.memref_slice %arg8[%mul3A_36, %dma_start3A_63] : memref<79x128xi32, #tpu.memory_space<vmem>> -> memref<1x128xi32, #tpu.memory_space<vmem>>
        %dma_start3A_65 = tpu.memref_squeeze %dma_start3A_64 : memref<1x128xi32, #tpu.memory_space<vmem>> -> memref<128xi32, #tpu.memory_space<vmem>>
        %dma_start3A_66 = arith.constant 0 : i32
        %dma_start3A_67 = arith.constant 0 : i32
        %dma_start3A_68 = tpu.memref_slice %arg11[%dma_start3A_66, %dma_start3A_67] : memref<10112x64xf32, #tpu.memory_space<vmem_shared>> -> memref<10112x64xf32, #tpu.memory_space<vmem_shared>>
        tpu.enqueue_indirect_dma source(%arg9 : memref<128x64xf32, #tpu.memory_space<vmem>>) target(%dma_start3A_68 : memref<10112x64xf32, #tpu.memory_space<vmem_shared>>) offsets(%dma_start3A_65 : memref<128xi32, #tpu.memory_space<vmem>>) semaphore(%run_scoped3A : memref<!tpu.dma_semaphore, #tpu.memory_space<semaphore_mem>>) {add = true}
        %dma_wait3A_69 = arith.constant 0 : i32
        %dma_wait3A_70 = tpu.memref_slice %arg8[%mul3A_36, %dma_wait3A_69] : memref<79x128xi32, #tpu.memory_space<vmem>> -> memref<1x128xi32, #tpu.memory_space<vmem>>
        %dma_wait3A_71 = tpu.memref_squeeze %dma_wait3A_70 : memref<1x128xi32, #tpu.memory_space<vmem>> -> memref<128xi32, #tpu.memory_space<vmem>>
        %dma_wait3A_72 = arith.constant 0 : i32
        %dma_wait3A_73 = arith.constant 0 : i32
        %dma_wait3A_74 = tpu.memref_slice %arg11[%dma_wait3A_72, %dma_wait3A_73] : memref<10112x64xf32, #tpu.memory_space<vmem_shared>> -> memref<10112x64xf32, #tpu.memory_space<vmem_shared>>
        tpu.wait_indirect_dma semaphore(%run_scoped3A : memref<!tpu.dma_semaphore, #tpu.memory_space<semaphore_mem>>) src(%arg9 : memref<128x64xf32, #tpu.memory_space<vmem>>) dst(%dma_wait3A_74 : memref<10112x64xf32, #tpu.memory_space<vmem_shared>>)
        tpu.yield
      }) : () -> ()
      %lt3A_50 = arith.constant 38 : i32
      %lt3A_51 = arith.cmpi slt, %scan3A_34, %lt3A_50 : i32
      %convert_element_type3A_52 = arith.extui %lt3A_51 : i1 to i32
      %cond3A_53 = arith.constant 0 : i32
      %cond3A_54 = arith.cmpi ne, %convert_element_type3A_52, %cond3A_53 : i32
      scf.if %cond3A_54 {
        %add3A_63 = arith.constant 2 : i32
        %add3A_64 = arith.addi %mul3A_36, %add3A_63 : i32
        %dma_start3A_65 = arith.constant 0 : i32
        %dma_start3A_66 = tpu.memref_slice %arg7[%add3A_64, %dma_start3A_65] : memref<79x128xi32, #tpu.memory_space<vmem>> -> memref<1x128xi32, #tpu.memory_space<vmem>>
        %dma_start3A_67 = tpu.memref_squeeze %dma_start3A_66 : memref<1x128xi32, #tpu.memory_space<vmem>> -> memref<128xi32, #tpu.memory_space<vmem>>
        %dma_start3A_68 = arith.constant 0 : i32
        %dma_start3A_69 = arith.constant 0 : i32
        %dma_start3A_70 = tpu.memref_slice %arg12[%dma_start3A_68, %dma_start3A_69] : memref<10112x64xf32, #tpu.memory_space<vmem_shared>> -> memref<10112x64xf32, #tpu.memory_space<vmem_shared>>
        tpu.enqueue_indirect_dma source(%dma_start3A_70 : memref<10112x64xf32, #tpu.memory_space<vmem_shared>>) target(%arg9 : memref<128x64xf32, #tpu.memory_space<vmem>>) offsets(%dma_start3A_67 : memref<128xi32, #tpu.memory_space<vmem>>) semaphore(%arg13 : memref<!tpu.dma_semaphore, #tpu.memory_space<semaphore_mem>>)
      } else {
      }
      %dma_wait3A_55 = arith.constant 0 : i32
      %dma_wait3A_56 = tpu.memref_slice %arg7[%add3A_38, %dma_wait3A_55] : memref<79x128xi32, #tpu.memory_space<vmem>> -> memref<1x128xi32, #tpu.memory_space<vmem>>
      %dma_wait3A_57 = tpu.memref_squeeze %dma_wait3A_56 : memref<1x128xi32, #tpu.memory_space<vmem>> -> memref<128xi32, #tpu.memory_space<vmem>>
      %dma_wait3A_58 = arith.constant 0 : i32
      %dma_wait3A_59 = arith.constant 0 : i32
      %dma_wait3A_60 = tpu.memref_slice %arg12[%dma_wait3A_58, %dma_wait3A_59] : memref<10112x64xf32, #tpu.memory_space<vmem_shared>> -> memref<10112x64xf32, #tpu.memory_space<vmem_shared>>
      tpu.wait_indirect_dma semaphore(%arg14 : memref<!tpu.dma_semaphore, #tpu.memory_space<semaphore_mem>>) src(%dma_wait3A_60 : memref<10112x64xf32, #tpu.memory_space<vmem_shared>>) dst(%arg10 : memref<128x64xf32, #tpu.memory_space<vmem>>)
      %add3A_61 = arith.constant 1 : i32
      %add3A_62 = arith.addi %mul3A_36, %add3A_61 : i32
      "tpu.region"() ({
        %run_scoped3A = tpu.sem_alloc : memref<!tpu.dma_semaphore, #tpu.memory_space<semaphore_mem>>
        %dma_start3A_63 = arith.constant 0 : i32
        %dma_start3A_64 = tpu.memref_slice %arg8[%add3A_62, %dma_start3A_63] : memref<79x128xi32, #tpu.memory_space<vmem>> -> memref<1x128xi32, #tpu.memory_space<vmem>>
        %dma_start3A_65 = tpu.memref_squeeze %dma_start3A_64 : memref<1x128xi32, #tpu.memory_space<vmem>> -> memref<128xi32, #tpu.memory_space<vmem>>
        %dma_start3A_66 = arith.constant 0 : i32
        %dma_start3A_67 = arith.constant 0 : i32
        %dma_start3A_68 = tpu.memref_slice %arg11[%dma_start3A_66, %dma_start3A_67] : memref<10112x64xf32, #tpu.memory_space<vmem_shared>> -> memref<10112x64xf32, #tpu.memory_space<vmem_shared>>
        tpu.enqueue_indirect_dma source(%arg10 : memref<128x64xf32, #tpu.memory_space<vmem>>) target(%dma_start3A_68 : memref<10112x64xf32, #tpu.memory_space<vmem_shared>>) offsets(%dma_start3A_65 : memref<128xi32, #tpu.memory_space<vmem>>) semaphore(%run_scoped3A : memref<!tpu.dma_semaphore, #tpu.memory_space<semaphore_mem>>) {add = true}
        %dma_wait3A_69 = arith.constant 0 : i32
        %dma_wait3A_70 = tpu.memref_slice %arg8[%add3A_62, %dma_wait3A_69] : memref<79x128xi32, #tpu.memory_space<vmem>> -> memref<1x128xi32, #tpu.memory_space<vmem>>
        %dma_wait3A_71 = tpu.memref_squeeze %dma_wait3A_70 : memref<1x128xi32, #tpu.memory_space<vmem>> -> memref<128xi32, #tpu.memory_space<vmem>>
        %dma_wait3A_72 = arith.constant 0 : i32
        %dma_wait3A_73 = arith.constant 0 : i32
        %dma_wait3A_74 = tpu.memref_slice %arg11[%dma_wait3A_72, %dma_wait3A_73] : memref<10112x64xf32, #tpu.memory_space<vmem_shared>> -> memref<10112x64xf32, #tpu.memory_space<vmem_shared>>
        tpu.wait_indirect_dma semaphore(%run_scoped3A : memref<!tpu.dma_semaphore, #tpu.memory_space<semaphore_mem>>) src(%arg10 : memref<128x64xf32, #tpu.memory_space<vmem>>) dst(%dma_wait3A_74 : memref<10112x64xf32, #tpu.memory_space<vmem_shared>>)
        tpu.yield
      }) : () -> ()
    }
    %scan3A_23 = arith.constant 39 : i32
    %convert_element_type3A_24 = arith.extui %lt3A_5 : i1 to i32
    %cond3A_25 = arith.constant 0 : i32
    %cond3A_26 = arith.cmpi ne, %convert_element_type3A_24, %cond3A_25 : i32
    scf.if %cond3A_26 {
      %run_scoped3A = arith.constant 78 : i32
      "tpu.region"() ({
        %run_scoped3A_35 = tpu.sem_alloc : memref<!tpu.dma_semaphore, #tpu.memory_space<semaphore_mem>>
        %dma_start3A_36 = arith.constant 0 : i32
        %dma_start3A_37 = tpu.memref_slice %arg7[%run_scoped3A, %dma_start3A_36] : memref<79x128xi32, #tpu.memory_space<vmem>> -> memref<1x128xi32, #tpu.memory_space<vmem>>
        %dma_start3A_38 = tpu.memref_squeeze %dma_start3A_37 : memref<1x128xi32, #tpu.memory_space<vmem>> -> memref<128xi32, #tpu.memory_space<vmem>>
        %dma_start3A_39 = arith.constant 0 : i32
        %dma_start3A_40 = arith.constant 0 : i32
        %dma_start3A_41 = tpu.memref_slice %arg12[%dma_start3A_39, %dma_start3A_40] : memref<10112x64xf32, #tpu.memory_space<vmem_shared>> -> memref<10112x64xf32, #tpu.memory_space<vmem_shared>>
        tpu.enqueue_indirect_dma source(%dma_start3A_41 : memref<10112x64xf32, #tpu.memory_space<vmem_shared>>) target(%arg9 : memref<128x64xf32, #tpu.memory_space<vmem>>) offsets(%dma_start3A_38 : memref<128xi32, #tpu.memory_space<vmem>>) semaphore(%run_scoped3A_35 : memref<!tpu.dma_semaphore, #tpu.memory_space<semaphore_mem>>)
        %dma_wait3A = arith.constant 0 : i32
        %dma_wait3A_42 = tpu.memref_slice %arg7[%run_scoped3A, %dma_wait3A] : memref<79x128xi32, #tpu.memory_space<vmem>> -> memref<1x128xi32, #tpu.memory_space<vmem>>
        %dma_wait3A_43 = tpu.memref_squeeze %dma_wait3A_42 : memref<1x128xi32, #tpu.memory_space<vmem>> -> memref<128xi32, #tpu.memory_space<vmem>>
        %dma_wait3A_44 = arith.constant 0 : i32
        %dma_wait3A_45 = arith.constant 0 : i32
        %dma_wait3A_46 = tpu.memref_slice %arg12[%dma_wait3A_44, %dma_wait3A_45] : memref<10112x64xf32, #tpu.memory_space<vmem_shared>> -> memref<10112x64xf32, #tpu.memory_space<vmem_shared>>
        tpu.wait_indirect_dma semaphore(%run_scoped3A_35 : memref<!tpu.dma_semaphore, #tpu.memory_space<semaphore_mem>>) src(%dma_wait3A_46 : memref<10112x64xf32, #tpu.memory_space<vmem_shared>>) dst(%arg9 : memref<128x64xf32, #tpu.memory_space<vmem>>)
        tpu.yield
      }) : () -> ()
      %run_scoped3A_34 = arith.constant 78 : i32
      "tpu.region"() ({
        %run_scoped3A_35 = tpu.sem_alloc : memref<!tpu.dma_semaphore, #tpu.memory_space<semaphore_mem>>
        %dma_start3A_36 = arith.constant 0 : i32
        %dma_start3A_37 = tpu.memref_slice %arg8[%run_scoped3A_34, %dma_start3A_36] : memref<79x128xi32, #tpu.memory_space<vmem>> -> memref<1x128xi32, #tpu.memory_space<vmem>>
        %dma_start3A_38 = tpu.memref_squeeze %dma_start3A_37 : memref<1x128xi32, #tpu.memory_space<vmem>> -> memref<128xi32, #tpu.memory_space<vmem>>
        %dma_start3A_39 = arith.constant 0 : i32
        %dma_start3A_40 = arith.constant 0 : i32
        %dma_start3A_41 = tpu.memref_slice %arg11[%dma_start3A_39, %dma_start3A_40] : memref<10112x64xf32, #tpu.memory_space<vmem_shared>> -> memref<10112x64xf32, #tpu.memory_space<vmem_shared>>
        tpu.enqueue_indirect_dma source(%arg9 : memref<128x64xf32, #tpu.memory_space<vmem>>) target(%dma_start3A_41 : memref<10112x64xf32, #tpu.memory_space<vmem_shared>>) offsets(%dma_start3A_38 : memref<128xi32, #tpu.memory_space<vmem>>) semaphore(%run_scoped3A_35 : memref<!tpu.dma_semaphore, #tpu.memory_space<semaphore_mem>>) {add = true}
        %dma_wait3A = arith.constant 0 : i32
        %dma_wait3A_42 = tpu.memref_slice %arg8[%run_scoped3A_34, %dma_wait3A] : memref<79x128xi32, #tpu.memory_space<vmem>> -> memref<1x128xi32, #tpu.memory_space<vmem>>
        %dma_wait3A_43 = tpu.memref_squeeze %dma_wait3A_42 : memref<1x128xi32, #tpu.memory_space<vmem>> -> memref<128xi32, #tpu.memory_space<vmem>>
        %dma_wait3A_44 = arith.constant 0 : i32
        %dma_wait3A_45 = arith.constant 0 : i32
        %dma_wait3A_46 = tpu.memref_slice %arg11[%dma_wait3A_44, %dma_wait3A_45] : memref<10112x64xf32, #tpu.memory_space<vmem_shared>> -> memref<10112x64xf32, #tpu.memory_space<vmem_shared>>
        tpu.wait_indirect_dma semaphore(%run_scoped3A_35 : memref<!tpu.dma_semaphore, #tpu.memory_space<semaphore_mem>>) src(%arg9 : memref<128x64xf32, #tpu.memory_space<vmem>>) dst(%dma_wait3A_46 : memref<10112x64xf32, #tpu.memory_space<vmem_shared>>)
        tpu.yield
      }) : () -> ()
    } else {
    }
    %barrier3A_27 = arith.constant 0 : index
    tpu.barrier barrier_id(%barrier3A_27)
    %mul3A_28 = arith.constant 632 : i32
    %mul3A_29 = arith.muli %arg1, %mul3A_28 : i32
    %mul3A_30 = arith.constant 632 : i32
    %mul3A_31 = arith.muli %arg1, %mul3A_30 : i32
    %mul3A_32 = arith.constant 64 : i32
    %mul3A_33 = arith.muli %arg0, %mul3A_32 : i32
    "tpu.region"() ({
      %run_scoped3A = tpu.sem_alloc : memref<!tpu.dma_semaphore, #tpu.memory_space<semaphore_mem>>
      %dma_start3A_34 = tpu.memref_slice %arg6[%mul3A_31, %mul3A_33] : memref<10112x128xf32, #tpu.memory_space<hbm>> -> memref<632x64xf32, #tpu.memory_space<hbm>>
      %dma_start3A_35 = arith.constant 0 : i32
      %dma_start3A_36 = tpu.memref_slice %arg11[%mul3A_29, %dma_start3A_35] : memref<10112x64xf32, #tpu.memory_space<vmem_shared>> -> memref<632x64xf32, #tpu.memory_space<vmem_shared>>
      tpu.enqueue_dma source(%dma_start3A_36 : memref<632x64xf32, #tpu.memory_space<vmem_shared>>) target(%dma_start3A_34 : memref<632x64xf32, #tpu.memory_space<hbm>>) target_semaphore(%run_scoped3A : memref<!tpu.dma_semaphore, #tpu.memory_space<semaphore_mem>>)
      %dma_wait3A = tpu.memref_slice %arg6[%mul3A_31, %mul3A_33] : memref<10112x128xf32, #tpu.memory_space<hbm>> -> memref<632x64xf32, #tpu.memory_space<hbm>>
      %dma_wait3A_37 = arith.constant 0 : i32
      %dma_wait3A_38 = tpu.memref_slice %arg11[%mul3A_29, %dma_wait3A_37] : memref<10112x64xf32, #tpu.memory_space<vmem_shared>> -> memref<632x64xf32, #tpu.memory_space<vmem_shared>>
      tpu.wait_dma2 semaphore(%run_scoped3A : memref<!tpu.dma_semaphore, #tpu.memory_space<semaphore_mem>>) src(%dma_wait3A_38 : memref<632x64xf32, #tpu.memory_space<vmem_shared>>) dst(%dma_wait3A : memref<632x64xf32, #tpu.memory_space<hbm>>)
      tpu.yield
    }) : () -> ()
    return
  }
}

module attributes {stable_mosaic.version = 14 : i64} {
  func.func @_xw_body(%arg0: i32, %arg1: memref<2528x128xf32, #tpu.memory_space<vmem>>, %arg2: memref<128x64xf32, #tpu.memory_space<vmem>>, %arg3: memref<2528x64xf32, #tpu.memory_space<vmem>>) attributes {dimension_semantics = [#tpu.dimension_semantics<arbitrary>], iteration_bounds = array<i64: 4>, scalar_prefetch = 0 : i64, scratch_operands = 0 : i64, tpu.core_type = #tpu.core_type<tc>, window_params = [{transform_indices = @transform_0, window_bounds = array<i64: 2528, 128>}, {pipeline_mode = #tpu.pipeline_mode<synchronous>, transform_indices = @transform_1, window_bounds = array<i64: 128, 64>}, {transform_indices = @transform_2, window_bounds = array<i64: 2528, 64>}]} {
    %get3A = arith.constant 0 : index
    %get3A_0 = arith.constant 0 : index
    %get3A_1 = vector.load %arg1[%get3A, %get3A_0] : memref<2528x128xf32, #tpu.memory_space<vmem>>, vector<2528x128xf32>
    %get3A_2 = arith.constant 0 : index
    %get3A_3 = arith.constant 0 : index
    %get3A_4 = vector.load %arg2[%get3A_2, %get3A_3] : memref<128x64xf32, #tpu.memory_space<vmem>>, vector<128x64xf32>
    %dot_general3A = arith.constant dense<0.000000e+00> : vector<2528x64xf32>
    %dot_general3A_5 = tpu.matmul %get3A_1, %get3A_4, %dot_general3A {dimension_numbers = #tpu.dot_dimension_numbers<[1], [0], [0], [1], [0, 0, 1, 1], [], []>, precision = #tpu.contract_precision<fp32>, transpose_lhs_hint = false} : vector<2528x128xf32>, vector<128x64xf32>, vector<2528x64xf32> -> vector<2528x64xf32>
    %swap3A = arith.constant 0 : index
    %swap3A_6 = arith.constant 0 : index
    %swap3A_7 = vector.load %arg3[%swap3A, %swap3A_6] : memref<2528x64xf32, #tpu.memory_space<vmem>>, vector<2528x64xf32>
    tpu.vector_store %arg3[%swap3A, %swap3A_6], %dot_general3A_5 {strides = array<i32>} : memref<2528x64xf32, #tpu.memory_space<vmem>>, vector<2528x64xf32>,
    return
  }
  func.func @transform_0(%arg0: i32) -> (i32, i32) {
    %c0_i32 = arith.constant 0 : i32
    %c0_i32_0 = arith.constant 0 : i32
    return %arg0, %c0_i32 : i32, i32
  }
  func.func @transform_1(%arg0: i32) -> (i32, i32) {
    %c0_i32 = arith.constant 0 : i32
    %c0_i32_0 = arith.constant 0 : i32
    %c0_i32_1 = arith.constant 0 : i32
    return %c0_i32, %c0_i32_0 : i32, i32
  }
  func.func @transform_2(%arg0: i32) -> (i32, i32) {
    %c0_i32 = arith.constant 0 : i32
    %c0_i32_0 = arith.constant 0 : i32
    return %arg0, %c0_i32 : i32, i32
  }
}

module attributes {stable_mosaic.version = 14 : i64} {
  func.func @_scale_body(%arg0: i32, %arg1: memref<2528x64xf32, #tpu.memory_space<vmem>>, %arg2: memref<2x2528x8xf32, #tpu.memory_space<vmem>>, %arg3: memref<2528x1xf32, #tpu.memory_space<vmem>>, %arg4: memref<2528x128xf32, #tpu.memory_space<vmem>>) attributes {dimension_semantics = [#tpu.dimension_semantics<arbitrary>], iteration_bounds = array<i64: 4>, scalar_prefetch = 0 : i64, scratch_operands = 0 : i64, tpu.core_type = #tpu.core_type<tc>, window_params = [{transform_indices = @transform_0, window_bounds = array<i64: 2528, 64>}, {transform_indices = @transform_1, window_bounds = array<i64: 2, 2528, 8>}, {transform_indices = @transform_2, window_bounds = array<i64: 2528, 1>}, {transform_indices = @transform_3, window_bounds = array<i64: 2528, 128>}]} {
    %get3A = arith.constant 0 : index
    %get3A_0 = arith.constant 0 : index
    %get3A_1 = arith.constant 0 : index
    %get3A_2 = vector.load %arg2[%get3A, %get3A_0, %get3A_1] : memref<2x2528x8xf32, #tpu.memory_space<vmem>>, vector<1x2528x1xf32>
    %get3A_3 = vector.shape_cast %get3A_2 : vector<1x2528x1xf32> to vector<2528x1xf32>
    %get3A_4 = arith.constant 1 : index
    %get3A_5 = arith.constant 0 : index
    %get3A_6 = arith.constant 0 : index
    %get3A_7 = vector.load %arg2[%get3A_4, %get3A_5, %get3A_6] : memref<2x2528x8xf32, #tpu.memory_space<vmem>>, vector<1x2528x1xf32>
    %get3A_8 = vector.shape_cast %get3A_7 : vector<1x2528x1xf32> to vector<2528x1xf32>
    %add3A = arith.addf %get3A_3, %get3A_8 : vector<2528x1xf32>
    %add3A_9 = arith.constant 1.000000e+00 : f32
    %add3A_10 = vector.broadcast %add3A_9 : f32 to vector<2528x1xf32>
    %add3A_11 = arith.addf %add3A, %add3A_10 : vector<2528x1xf32>
    %rsqrt3A = math.rsqrt %add3A_11 : vector<2528x1xf32>
    %swap3A = arith.constant 0 : index
    %swap3A_12 = arith.constant 0 : index
    %swap3A_13 = vector.load %arg3[%swap3A, %swap3A_12] : memref<2528x1xf32, #tpu.memory_space<vmem>>, vector<2528x1xf32>
    tpu.vector_store %arg3[%swap3A, %swap3A_12], %rsqrt3A {strides = array<i32>} : memref<2528x1xf32, #tpu.memory_space<vmem>>, vector<2528x1xf32>,
    %get3A_14 = arith.constant 0 : index
    %get3A_15 = arith.constant 0 : index
    %get3A_16 = vector.load %arg1[%get3A_14, %get3A_15] : memref<2528x64xf32, #tpu.memory_space<vmem>>, vector<2528x64xf32>
    %mul3A = vector.broadcast %rsqrt3A : vector<2528x1xf32> to vector<2528x64xf32>
    %mul3A_17 = arith.mulf %mul3A, %get3A_16 : vector<2528x64xf32>
    %broadcast_in_dim3A = arith.constant 0.000000e+00 : f32
    %broadcast_in_dim3A_18 = vector.broadcast %broadcast_in_dim3A : f32 to vector<2528x64xf32>
    %concatenate3A = tpu.concatenate %mul3A_17, %broadcast_in_dim3A_18 in 1 : vector<2528x64xf32>, vector<2528x64xf32> -> vector<2528x128xf32>
    %swap3A_19 = arith.constant 0 : index
    %swap3A_20 = arith.constant 0 : index
    %swap3A_21 = vector.load %arg4[%swap3A_19, %swap3A_20] : memref<2528x128xf32, #tpu.memory_space<vmem>>, vector<2528x128xf32>
    tpu.vector_store %arg4[%swap3A_19, %swap3A_20], %concatenate3A {strides = array<i32>} : memref<2528x128xf32, #tpu.memory_space<vmem>>, vector<2528x128xf32>,
    return
  }
  func.func @transform_0(%arg0: i32) -> (i32, i32) {
    %c0_i32 = arith.constant 0 : i32
    %c0_i32_0 = arith.constant 0 : i32
    return %arg0, %c0_i32 : i32, i32
  }
  func.func @transform_1(%arg0: i32) -> (i32, i32, i32) {
    %c0_i32 = arith.constant 0 : i32
    %c0_i32_0 = arith.constant 0 : i32
    %c0_i32_1 = arith.constant 0 : i32
    return %c0_i32, %arg0, %c0_i32_0 : i32, i32, i32
  }
  func.func @transform_2(%arg0: i32) -> (i32, i32) {
    %c0_i32 = arith.constant 0 : i32
    %c0_i32_0 = arith.constant 0 : i32
    return %arg0, %c0_i32 : i32, i32
  }
  func.func @transform_3(%arg0: i32) -> (i32, i32) {
    %c0_i32 = arith.constant 0 : i32
    %c0_i32_0 = arith.constant 0 : i32
    return %arg0, %c0_i32 : i32, i32
  }
}

module attributes {stable_mosaic.version = 14 : i64} {
  func.func @_conv_body(%arg0: i32, %arg1: memref<2528x128xf32, #tpu.memory_space<vmem>>, %arg2: memref<2528x128xf32, #tpu.memory_space<vmem>>, %arg3: memref<2528x1xf32, #tpu.memory_space<vmem>>, %arg4: memref<1x64xf32, #tpu.memory_space<vmem>>, %arg5: memref<2528x64xf32, #tpu.memory_space<vmem>>, %arg6: memref<1x64xf32, #tpu.memory_space<vmem>>, %arg7: memref<1x64xf32, #tpu.memory_space<vmem>>) attributes {dimension_semantics = [#tpu.dimension_semantics<arbitrary>], iteration_bounds = array<i64: 4>, scalar_prefetch = 0 : i64, scratch_operands = 0 : i64, tpu.core_type = #tpu.core_type<tc>, window_params = [{transform_indices = @transform_0, window_bounds = array<i64: 2528, 128>}, {transform_indices = @transform_1, window_bounds = array<i64: 2528, 128>}, {transform_indices = @transform_2, window_bounds = array<i64: 2528, 1>}, {pipeline_mode = #tpu.pipeline_mode<synchronous>, transform_indices = @transform_3, window_bounds = array<i64: 1, 64>}, {transform_indices = @transform_4, window_bounds = array<i64: 2528, 64>}, {pipeline_mode = #tpu.pipeline_mode<synchronous>, transform_indices = @transform_5, window_bounds = array<i64: 1, 64>}, {pipeline_mode = #tpu.pipeline_mode<synchronous>, transform_indices = @transform_6, window_bounds = array<i64: 1, 64>}]} {
    %get3A = arith.constant 0 : index
    %get3A_0 = arith.constant 0 : index
    %get3A_1 = vector.load %arg3[%get3A, %get3A_0] : memref<2528x1xf32, #tpu.memory_space<vmem>>, vector<2528x1xf32>
    %get3A_2 = arith.constant 0 : index
    %get3A_3 = arith.constant 0 : index
    %get3A_4 = vector.load %arg1[%get3A_2, %get3A_3] : memref<2528x128xf32, #tpu.memory_space<vmem>>, vector<2528x64xf32>
    %get3A_5 = arith.constant 0 : index
    %get3A_6 = arith.constant 64 : index
    %get3A_7 = vector.load %arg1[%get3A_5, %get3A_6] : memref<2528x128xf32, #tpu.memory_space<vmem>>, vector<2528x64xf32>
    %add3A = arith.addf %get3A_4, %get3A_7 : vector<2528x64xf32>
    %get3A_8 = arith.constant 0 : index
    %get3A_9 = arith.constant 0 : index
    %get3A_10 = vector.load %arg2[%get3A_8, %get3A_9] : memref<2528x128xf32, #tpu.memory_space<vmem>>, vector<2528x64xf32>
    %add3A_11 = arith.addf %add3A, %get3A_10 : vector<2528x64xf32>
    %mul3A = vector.broadcast %get3A_1 : vector<2528x1xf32> to vector<2528x64xf32>
    %mul3A_12 = arith.mulf %mul3A, %add3A_11 : vector<2528x64xf32>
    %get3A_13 = arith.constant 0 : index
    %get3A_14 = arith.constant 0 : index
    %get3A_15 = vector.load %arg4[%get3A_13, %get3A_14] : memref<1x64xf32, #tpu.memory_space<vmem>>, vector<1x64xf32>
    %add3A_16 = vector.broadcast %get3A_15 : vector<1x64xf32> to vector<2528x64xf32>
    %add3A_17 = arith.addf %mul3A_12, %add3A_16 : vector<2528x64xf32>
    %swap3A = arith.constant 0 : index
    %swap3A_18 = arith.constant 0 : index
    %swap3A_19 = vector.load %arg5[%swap3A, %swap3A_18] : memref<2528x64xf32, #tpu.memory_space<vmem>>, vector<2528x64xf32>
    tpu.vector_store %arg5[%swap3A, %swap3A_18], %add3A_17 {strides = array<i32>} : memref<2528x64xf32, #tpu.memory_space<vmem>>, vector<2528x64xf32>,
    %iota3A = tpu.iota {dimensions = array<i32: 0>} : vector<2528x1xi32>
    %mul3A_20 = arith.constant 2528 : i32
    %mul3A_21 = arith.muli %arg0, %mul3A_20 : i32
    %add3A_22 = vector.broadcast %mul3A_21 : i32 to vector<2528x1xi32>
    %add3A_23 = arith.addi %iota3A, %add3A_22 : vector<2528x1xi32>
    %lt3A = arith.constant 10000 : i32
    %lt3A_24 = vector.broadcast %lt3A : i32 to vector<2528x1xi32>
    %lt3A_25 = arith.cmpi slt, %add3A_23, %lt3A_24 : vector<2528x1xi32>
    %jit3A = arith.constant 0.000000e+00 : f32
    %broadcast_in_dim3A = vector.shape_cast %lt3A_25 : vector<2528x1xi1> to vector<2528x1xi1>
    %broadcast_in_dim3A_26 = vector.broadcast %broadcast_in_dim3A : vector<2528x1xi1> to vector<2528x64xi1>
    %broadcast_in_dim3A_27 = vector.broadcast %jit3A : f32 to vector<2528x64xf32>
    %select_n3A = arith.select %broadcast_in_dim3A_26, %add3A_17, %broadcast_in_dim3A_27 : vector<2528x64xi1>, vector<2528x64xf32>
    %eq3A = arith.constant 0 : i32
    %eq3A_28 = arith.cmpi eq, %arg0, %eq3A : i32
    %convert_element_type3A = arith.extui %eq3A_28 : i1 to i32
    %cond3A = arith.constant 0 : i32
    %cond3A_29 = arith.cmpi ne, %convert_element_type3A, %cond3A : i32
    scf.if %cond3A_29 {
      %broadcast_in_dim3A_55 = arith.constant 0.000000e+00 : f32
      %broadcast_in_dim3A_56 = vector.broadcast %broadcast_in_dim3A_55 : f32 to vector<1x64xf32>
      %swap3A_57 = arith.constant 0 : index
      %swap3A_58 = arith.constant 0 : index
      %swap3A_59 = vector.load %arg6[%swap3A_57, %swap3A_58] : memref<1x64xf32, #tpu.memory_space<vmem>>, vector<1x64xf32>
      tpu.vector_store %arg6[%swap3A_57, %swap3A_58], %broadcast_in_dim3A_56 {strides = array<i32>} : memref<1x64xf32, #tpu.memory_space<vmem>>, vector<1x64xf32>,
      %broadcast_in_dim3A_60 = arith.constant 0.000000e+00 : f32
      %broadcast_in_dim3A_61 = vector.broadcast %broadcast_in_dim3A_60 : f32 to vector<1x64xf32>
      %swap3A_62 = arith.constant 0 : index
      %swap3A_63 = arith.constant 0 : index
      %swap3A_64 = vector.load %arg7[%swap3A_62, %swap3A_63] : memref<1x64xf32, #tpu.memory_space<vmem>>, vector<1x64xf32>
      tpu.vector_store %arg7[%swap3A_62, %swap3A_63], %broadcast_in_dim3A_61 {strides = array<i32>} : memref<1x64xf32, #tpu.memory_space<vmem>>, vector<1x64xf32>,
    } else {
    }
    %get3A_30 = arith.constant 0 : index
    %get3A_31 = arith.constant 0 : index
    %get3A_32 = vector.load %arg6[%get3A_30, %get3A_31] : memref<1x64xf32, #tpu.memory_space<vmem>>, vector<1x64xf32>
    %reduce_sum3A = arith.constant dense<0.000000e+00> : vector<64xf32>
    %reduce_sum3A_33 = vector.multi_reduction <add>, %select_n3A, %reduce_sum3A [0] : vector<2528x64xf32> to vector<64xf32>
    %broadcast_in_dim3A_34 = vector.shape_cast %reduce_sum3A_33 : vector<64xf32> to vector<1x64xf32>
    %add3A_35 = arith.addf %get3A_32, %broadcast_in_dim3A_34 : vector<1x64xf32>
    %swap3A_36 = arith.constant 0 : index
    %swap3A_37 = arith.constant 0 : index
    %swap3A_38 = vector.load %arg6[%swap3A_36, %swap3A_37] : memref<1x64xf32, #tpu.memory_space<vmem>>, vector<1x64xf32>
    tpu.vector_store %arg6[%swap3A_36, %swap3A_37], %add3A_35 {strides = array<i32>} : memref<1x64xf32, #tpu.memory_space<vmem>>, vector<1x64xf32>,
    %get3A_39 = arith.constant 0 : index
    %get3A_40 = arith.constant 0 : index
    %get3A_41 = vector.load %arg7[%get3A_39, %get3A_40] : memref<1x64xf32, #tpu.memory_space<vmem>>, vector<1x64xf32>
    %mul3A_42 = arith.mulf %select_n3A, %select_n3A : vector<2528x64xf32>
    %reduce_sum3A_43 = arith.constant dense<0.000000e+00> : vector<64xf32>
    %reduce_sum3A_44 = vector.multi_reduction <add>, %mul3A_42, %reduce_sum3A_43 [0] : vector<2528x64xf32> to vector<64xf32>
    %broadcast_in_dim3A_45 = vector.shape_cast %reduce_sum3A_44 : vector<64xf32> to vector<1x64xf32>
    %add3A_46 = arith.addf %get3A_41, %broadcast_in_dim3A_45 : vector<1x64xf32>
    %swap3A_47 = arith.constant 0 : index
    %swap3A_48 = arith.constant 0 : index
    %swap3A_49 = vector.load %arg7[%swap3A_47, %swap3A_48] : memref<1x64xf32, #tpu.memory_space<vmem>>, vector<1x64xf32>
    tpu.vector_store %arg7[%swap3A_47, %swap3A_48], %add3A_46 {strides = array<i32>} : memref<1x64xf32, #tpu.memory_space<vmem>>, vector<1x64xf32>,
    %eq3A_50 = arith.constant 3 : i32
    %eq3A_51 = arith.cmpi eq, %arg0, %eq3A_50 : i32
    %convert_element_type3A_52 = arith.extui %eq3A_51 : i1 to i32
    %cond3A_53 = arith.constant 0 : i32
    %cond3A_54 = arith.cmpi ne, %convert_element_type3A_52, %cond3A_53 : i32
    scf.if %cond3A_54 {
      %get3A_55 = arith.constant 0 : index
      %get3A_56 = arith.constant 0 : index
      %get3A_57 = vector.load %arg6[%get3A_55, %get3A_56] : memref<1x64xf32, #tpu.memory_space<vmem>>, vector<1x64xf32>
      %div3A = arith.constant 1.000000e+04 : f32
      %div3A_58 = vector.broadcast %div3A : f32 to vector<1x64xf32>
      %div3A_59 = arith.divf %get3A_57, %div3A_58 : vector<1x64xf32>
      %swap3A_60 = arith.constant 0 : index
      %swap3A_61 = arith.constant 0 : index
      %swap3A_62 = vector.load %arg6[%swap3A_60, %swap3A_61] : memref<1x64xf32, #tpu.memory_space<vmem>>, vector<1x64xf32>
      tpu.vector_store %arg6[%swap3A_60, %swap3A_61], %div3A_59 {strides = array<i32>} : memref<1x64xf32, #tpu.memory_space<vmem>>, vector<1x64xf32>,
      %get3A_63 = arith.constant 0 : index
      %get3A_64 = arith.constant 0 : index
      %get3A_65 = vector.load %arg7[%get3A_63, %get3A_64] : memref<1x64xf32, #tpu.memory_space<vmem>>, vector<1x64xf32>
      %div3A_66 = arith.constant 1.000000e+04 : f32
      %div3A_67 = vector.broadcast %div3A_66 : f32 to vector<1x64xf32>
      %div3A_68 = arith.divf %get3A_65, %div3A_67 : vector<1x64xf32>
      %mul3A_69 = arith.mulf %div3A_59, %div3A_59 : vector<1x64xf32>
      %sub3A = arith.subf %div3A_68, %mul3A_69 : vector<1x64xf32>
      %swap3A_70 = arith.constant 0 : index
      %swap3A_71 = arith.constant 0 : index
      %swap3A_72 = vector.load %arg7[%swap3A_70, %swap3A_71] : memref<1x64xf32, #tpu.memory_space<vmem>>, vector<1x64xf32>
      tpu.vector_store %arg7[%swap3A_70, %swap3A_71], %sub3A {strides = array<i32>} : memref<1x64xf32, #tpu.memory_space<vmem>>, vector<1x64xf32>,
    } else {
    }
    return
  }
  func.func @transform_0(%arg0: i32) -> (i32, i32) {
    %c0_i32 = arith.constant 0 : i32
    %c0_i32_0 = arith.constant 0 : i32
    return %arg0, %c0_i32 : i32, i32
  }
  func.func @transform_1(%arg0: i32) -> (i32, i32) {
    %c0_i32 = arith.constant 0 : i32
    %c0_i32_0 = arith.constant 0 : i32
    return %arg0, %c0_i32 : i32, i32
  }
  func.func @transform_2(%arg0: i32) -> (i32, i32) {
    %c0_i32 = arith.constant 0 : i32
    %c0_i32_0 = arith.constant 0 : i32
    return %arg0, %c0_i32 : i32, i32
  }
  func.func @transform_3(%arg0: i32) -> (i32, i32) {
    %c0_i32 = arith.constant 0 : i32
    %c0_i32_0 = arith.constant 0 : i32
    %c0_i32_1 = arith.constant 0 : i32
    return %c0_i32, %c0_i32_0 : i32, i32
  }
  func.func @transform_4(%arg0: i32) -> (i32, i32) {
    %c0_i32 = arith.constant 0 : i32
    %c0_i32_0 = arith.constant 0 : i32
    return %arg0, %c0_i32 : i32, i32
  }
  func.func @transform_5(%arg0: i32) -> (i32, i32) {
    %c0_i32 = arith.constant 0 : i32
    %c0_i32_0 = arith.constant 0 : i32
    %c0_i32_1 = arith.constant 0 : i32
    return %c0_i32, %c0_i32_0 : i32, i32
  }
  func.func @transform_6(%arg0: i32) -> (i32, i32) {
    %c0_i32 = arith.constant 0 : i32
    %c0_i32_0 = arith.constant 0 : i32
    %c0_i32_1 = arith.constant 0 : i32
    return %c0_i32, %c0_i32_0 : i32, i32
  }
}

module attributes {stable_mosaic.version = 14 : i64} {
  func.func @_norm_body(%arg0: i32, %arg1: memref<2528x64xf32, #tpu.memory_space<vmem>>, %arg2: memref<1x64xf32, #tpu.memory_space<vmem>>, %arg3: memref<1x64xf32, #tpu.memory_space<vmem>>, %arg4: memref<1x64xf32, #tpu.memory_space<vmem>>, %arg5: memref<1x64xf32, #tpu.memory_space<vmem>>, %arg6: memref<64x64xf32, #tpu.memory_space<vmem>>, %arg7: memref<2528x1xf32, #tpu.memory_space<vmem>>, %arg8: memref<2528x128xf32, #tpu.memory_space<vmem>>) attributes {dimension_semantics = [#tpu.dimension_semantics<arbitrary>], iteration_bounds = array<i64: 4>, scalar_prefetch = 0 : i64, scratch_operands = 0 : i64, tpu.core_type = #tpu.core_type<tc>, window_params = [{transform_indices = @transform_0, window_bounds = array<i64: 2528, 64>}, {pipeline_mode = #tpu.pipeline_mode<synchronous>, transform_indices = @transform_1, window_bounds = array<i64: 1, 64>}, {pipeline_mode = #tpu.pipeline_mode<synchronous>, transform_indices = @transform_2, window_bounds = array<i64: 1, 64>}, {pipeline_mode = #tpu.pipeline_mode<synchronous>, transform_indices = @transform_3, window_bounds = array<i64: 1, 64>}, {pipeline_mode = #tpu.pipeline_mode<synchronous>, transform_indices = @transform_4, window_bounds = array<i64: 1, 64>}, {pipeline_mode = #tpu.pipeline_mode<synchronous>, transform_indices = @transform_5, window_bounds = array<i64: 64, 64>}, {transform_indices = @transform_6, window_bounds = array<i64: 2528, 1>}, {transform_indices = @transform_7, window_bounds = array<i64: 2528, 128>}]} {
    %get3A = arith.constant 0 : index
    %get3A_0 = arith.constant 0 : index
    %get3A_1 = vector.load %arg1[%get3A, %get3A_0] : memref<2528x64xf32, #tpu.memory_space<vmem>>, vector<2528x64xf32>
    %get3A_2 = arith.constant 0 : index
    %get3A_3 = arith.constant 0 : index
    %get3A_4 = vector.load %arg2[%get3A_2, %get3A_3] : memref<1x64xf32, #tpu.memory_space<vmem>>, vector<1x64xf32>
    %sub3A = vector.broadcast %get3A_4 : vector<1x64xf32> to vector<2528x64xf32>
    %sub3A_5 = arith.subf %get3A_1, %sub3A : vector<2528x64xf32>
    %get3A_6 = arith.constant 0 : index
    %get3A_7 = arith.constant 0 : index
    %get3A_8 = vector.load %arg3[%get3A_6, %get3A_7] : memref<1x64xf32, #tpu.memory_space<vmem>>, vector<1x64xf32>
    %add3A = arith.constant 9.99999974E-6 : f32
    %add3A_9 = vector.broadcast %add3A : f32 to vector<1x64xf32>
    %add3A_10 = arith.addf %get3A_8, %add3A_9 : vector<1x64xf32>
    %sqrt3A = math.sqrt %add3A_10 : vector<1x64xf32>
    %div3A = vector.broadcast %sqrt3A : vector<1x64xf32> to vector<2528x64xf32>
    %div3A_11 = arith.divf %sub3A_5, %div3A : vector<2528x64xf32>
    %get3A_12 = arith.constant 0 : index
    %get3A_13 = arith.constant 0 : index
    %get3A_14 = vector.load %arg4[%get3A_12, %get3A_13] : memref<1x64xf32, #tpu.memory_space<vmem>>, vector<1x64xf32>
    %mul3A = vector.broadcast %get3A_14 : vector<1x64xf32> to vector<2528x64xf32>
    %mul3A_15 = arith.mulf %div3A_11, %mul3A : vector<2528x64xf32>
    %get3A_16 = arith.constant 0 : index
    %get3A_17 = arith.constant 0 : index
    %get3A_18 = vector.load %arg5[%get3A_16, %get3A_17] : memref<1x64xf32, #tpu.memory_space<vmem>>, vector<1x64xf32>
    %add3A_19 = vector.broadcast %get3A_18 : vector<1x64xf32> to vector<2528x64xf32>
    %add3A_20 = arith.addf %mul3A_15, %add3A_19 : vector<2528x64xf32>
    %max3A = arith.constant 0.000000e+00 : f32
    %max3A_21 = vector.broadcast %max3A : f32 to vector<2528x64xf32>
    %max3A_22 = arith.maximumf %add3A_20, %max3A_21 : vector<2528x64xf32>
    %get3A_23 = arith.constant 0 : index
    %get3A_24 = arith.constant 0 : index
    %get3A_25 = vector.load %arg6[%get3A_23, %get3A_24] : memref<64x64xf32, #tpu.memory_space<vmem>>, vector<64x64xf32>
    %dot_general3A = arith.constant dense<0.000000e+00> : vector<2528x64xf32>
    %dot_general3A_26 = tpu.matmul %max3A_22, %get3A_25, %dot_general3A {dimension_numbers = #tpu.dot_dimension_numbers<[1], [0], [0], [1], [0, 0, 1, 1], [], []>, precision = #tpu.contract_precision<fp32>, transpose_lhs_hint = false} : vector<2528x64xf32>, vector<64x64xf32>, vector<2528x64xf32> -> vector<2528x64xf32>
    %get3A_27 = arith.constant 0 : index
    %get3A_28 = arith.constant 0 : index
    %get3A_29 = vector.load %arg7[%get3A_27, %get3A_28] : memref<2528x1xf32, #tpu.memory_space<vmem>>, vector<2528x1xf32>
    %mul3A_30 = vector.broadcast %get3A_29 : vector<2528x1xf32> to vector<2528x64xf32>
    %mul3A_31 = arith.mulf %mul3A_30, %dot_general3A_26 : vector<2528x64xf32>
    %concatenate3A = tpu.concatenate %mul3A_31, %max3A_22 in 1 : vector<2528x64xf32>, vector<2528x64xf32> -> vector<2528x128xf32>
    %swap3A = arith.constant 0 : index
    %swap3A_32 = arith.constant 0 : index
    %swap3A_33 = vector.load %arg8[%swap3A, %swap3A_32] : memref<2528x128xf32, #tpu.memory_space<vmem>>, vector<2528x128xf32>
    tpu.vector_store %arg8[%swap3A, %swap3A_32], %concatenate3A {strides = array<i32>} : memref<2528x128xf32, #tpu.memory_space<vmem>>, vector<2528x128xf32>,
    return
  }
  func.func @transform_0(%arg0: i32) -> (i32, i32) {
    %c0_i32 = arith.constant 0 : i32
    %c0_i32_0 = arith.constant 0 : i32
    return %arg0, %c0_i32 : i32, i32
  }
  func.func @transform_1(%arg0: i32) -> (i32, i32) {
    %c0_i32 = arith.constant 0 : i32
    %c0_i32_0 = arith.constant 0 : i32
    %c0_i32_1 = arith.constant 0 : i32
    return %c0_i32, %c0_i32_0 : i32, i32
  }
  func.func @transform_2(%arg0: i32) -> (i32, i32) {
    %c0_i32 = arith.constant 0 : i32
    %c0_i32_0 = arith.constant 0 : i32
    %c0_i32_1 = arith.constant 0 : i32
    return %c0_i32, %c0_i32_0 : i32, i32
  }
  func.func @transform_3(%arg0: i32) -> (i32, i32) {
    %c0_i32 = arith.constant 0 : i32
    %c0_i32_0 = arith.constant 0 : i32
    %c0_i32_1 = arith.constant 0 : i32
    return %c0_i32, %c0_i32_0 : i32, i32
  }
  func.func @transform_4(%arg0: i32) -> (i32, i32) {
    %c0_i32 = arith.constant 0 : i32
    %c0_i32_0 = arith.constant 0 : i32
    %c0_i32_1 = arith.constant 0 : i32
    return %c0_i32, %c0_i32_0 : i32, i32
  }
  func.func @transform_5(%arg0: i32) -> (i32, i32) {
    %c0_i32 = arith.constant 0 : i32
    %c0_i32_0 = arith.constant 0 : i32
    %c0_i32_1 = arith.constant 0 : i32
    return %c0_i32, %c0_i32_0 : i32, i32
  }
  func.func @transform_6(%arg0: i32) -> (i32, i32) {
    %c0_i32 = arith.constant 0 : i32
    %c0_i32_0 = arith.constant 0 : i32
    return %arg0, %c0_i32 : i32, i32
  }
  func.func @transform_7(%arg0: i32) -> (i32, i32) {
    %c0_i32 = arith.constant 0 : i32
    %c0_i32_0 = arith.constant 0 : i32
    return %arg0, %c0_i32 : i32, i32
  }
}

module attributes {stable_mosaic.version = 14 : i64} {
  func.func @_norm_body(%arg0: i32, %arg1: memref<2528x64xf32, #tpu.memory_space<vmem>>, %arg2: memref<1x64xf32, #tpu.memory_space<vmem>>, %arg3: memref<1x64xf32, #tpu.memory_space<vmem>>, %arg4: memref<1x64xf32, #tpu.memory_space<vmem>>, %arg5: memref<1x64xf32, #tpu.memory_space<vmem>>, %arg6: memref<2528x128xf32, #tpu.memory_space<vmem>>, %arg7: memref<64x64xf32, #tpu.memory_space<vmem>>, %arg8: memref<2528x1xf32, #tpu.memory_space<vmem>>, %arg9: memref<2528x128xf32, #tpu.memory_space<vmem>>) attributes {dimension_semantics = [#tpu.dimension_semantics<arbitrary>], iteration_bounds = array<i64: 4>, scalar_prefetch = 0 : i64, scratch_operands = 0 : i64, tpu.core_type = #tpu.core_type<tc>, window_params = [{transform_indices = @transform_0, window_bounds = array<i64: 2528, 64>}, {pipeline_mode = #tpu.pipeline_mode<synchronous>, transform_indices = @transform_1, window_bounds = array<i64: 1, 64>}, {pipeline_mode = #tpu.pipeline_mode<synchronous>, transform_indices = @transform_2, window_bounds = array<i64: 1, 64>}, {pipeline_mode = #tpu.pipeline_mode<synchronous>, transform_indices = @transform_3, window_bounds = array<i64: 1, 64>}, {pipeline_mode = #tpu.pipeline_mode<synchronous>, transform_indices = @transform_4, window_bounds = array<i64: 1, 64>}, {transform_indices = @transform_5, window_bounds = array<i64: 2528, 128>}, {pipeline_mode = #tpu.pipeline_mode<synchronous>, transform_indices = @transform_6, window_bounds = array<i64: 64, 64>}, {transform_indices = @transform_7, window_bounds = array<i64: 2528, 1>}, {transform_indices = @transform_8, window_bounds = array<i64: 2528, 128>}]} {
    %get3A = arith.constant 0 : index
    %get3A_0 = arith.constant 0 : index
    %get3A_1 = vector.load %arg1[%get3A, %get3A_0] : memref<2528x64xf32, #tpu.memory_space<vmem>>, vector<2528x64xf32>
    %get3A_2 = arith.constant 0 : index
    %get3A_3 = arith.constant 0 : index
    %get3A_4 = vector.load %arg2[%get3A_2, %get3A_3] : memref<1x64xf32, #tpu.memory_space<vmem>>, vector<1x64xf32>
    %sub3A = vector.broadcast %get3A_4 : vector<1x64xf32> to vector<2528x64xf32>
    %sub3A_5 = arith.subf %get3A_1, %sub3A : vector<2528x64xf32>
    %get3A_6 = arith.constant 0 : index
    %get3A_7 = arith.constant 0 : index
    %get3A_8 = vector.load %arg3[%get3A_6, %get3A_7] : memref<1x64xf32, #tpu.memory_space<vmem>>, vector<1x64xf32>
    %add3A = arith.constant 9.99999974E-6 : f32
    %add3A_9 = vector.broadcast %add3A : f32 to vector<1x64xf32>
    %add3A_10 = arith.addf %get3A_8, %add3A_9 : vector<1x64xf32>
    %sqrt3A = math.sqrt %add3A_10 : vector<1x64xf32>
    %div3A = vector.broadcast %sqrt3A : vector<1x64xf32> to vector<2528x64xf32>
    %div3A_11 = arith.divf %sub3A_5, %div3A : vector<2528x64xf32>
    %get3A_12 = arith.constant 0 : index
    %get3A_13 = arith.constant 0 : index
    %get3A_14 = vector.load %arg4[%get3A_12, %get3A_13] : memref<1x64xf32, #tpu.memory_space<vmem>>, vector<1x64xf32>
    %mul3A = vector.broadcast %get3A_14 : vector<1x64xf32> to vector<2528x64xf32>
    %mul3A_15 = arith.mulf %div3A_11, %mul3A : vector<2528x64xf32>
    %get3A_16 = arith.constant 0 : index
    %get3A_17 = arith.constant 0 : index
    %get3A_18 = vector.load %arg5[%get3A_16, %get3A_17] : memref<1x64xf32, #tpu.memory_space<vmem>>, vector<1x64xf32>
    %add3A_19 = vector.broadcast %get3A_18 : vector<1x64xf32> to vector<2528x64xf32>
    %add3A_20 = arith.addf %mul3A_15, %add3A_19 : vector<2528x64xf32>
    %get3A_21 = arith.constant 0 : index
    %get3A_22 = arith.constant 64 : index
    %get3A_23 = vector.load %arg6[%get3A_21, %get3A_22] : memref<2528x128xf32, #tpu.memory_space<vmem>>, vector<2528x64xf32>
    %add3A_24 = arith.addf %add3A_20, %get3A_23 : vector<2528x64xf32>
    %max3A = arith.constant 0.000000e+00 : f32
    %max3A_25 = vector.broadcast %max3A : f32 to vector<2528x64xf32>
    %max3A_26 = arith.maximumf %add3A_24, %max3A_25 : vector<2528x64xf32>
    %get3A_27 = arith.constant 0 : index
    %get3A_28 = arith.constant 0 : index
    %get3A_29 = vector.load %arg7[%get3A_27, %get3A_28] : memref<64x64xf32, #tpu.memory_space<vmem>>, vector<64x64xf32>
    %dot_general3A = arith.constant dense<0.000000e+00> : vector<2528x64xf32>
    %dot_general3A_30 = tpu.matmul %max3A_26, %get3A_29, %dot_general3A {dimension_numbers = #tpu.dot_dimension_numbers<[1], [0], [0], [1], [0, 0, 1, 1], [], []>, precision = #tpu.contract_precision<fp32>, transpose_lhs_hint = false} : vector<2528x64xf32>, vector<64x64xf32>, vector<2528x64xf32> -> vector<2528x64xf32>
    %get3A_31 = arith.constant 0 : index
    %get3A_32 = arith.constant 0 : index
    %get3A_33 = vector.load %arg8[%get3A_31, %get3A_32] : memref<2528x1xf32, #tpu.memory_space<vmem>>, vector<2528x1xf32>
    %mul3A_34 = vector.broadcast %get3A_33 : vector<2528x1xf32> to vector<2528x64xf32>
    %mul3A_35 = arith.mulf %mul3A_34, %dot_general3A_30 : vector<2528x64xf32>
    %concatenate3A = tpu.concatenate %mul3A_35, %max3A_26 in 1 : vector<2528x64xf32>, vector<2528x64xf32> -> vector<2528x128xf32>
    %swap3A = arith.constant 0 : index
    %swap3A_36 = arith.constant 0 : index
    %swap3A_37 = vector.load %arg9[%swap3A, %swap3A_36] : memref<2528x128xf32, #tpu.memory_space<vmem>>, vector<2528x128xf32>
    tpu.vector_store %arg9[%swap3A, %swap3A_36], %concatenate3A {strides = array<i32>} : memref<2528x128xf32, #tpu.memory_space<vmem>>, vector<2528x128xf32>,
    return
  }
  func.func @transform_0(%arg0: i32) -> (i32, i32) {
    %c0_i32 = arith.constant 0 : i32
    %c0_i32_0 = arith.constant 0 : i32
    return %arg0, %c0_i32 : i32, i32
  }
  func.func @transform_1(%arg0: i32) -> (i32, i32) {
    %c0_i32 = arith.constant 0 : i32
    %c0_i32_0 = arith.constant 0 : i32
    %c0_i32_1 = arith.constant 0 : i32
    return %c0_i32, %c0_i32_0 : i32, i32
  }
  func.func @transform_2(%arg0: i32) -> (i32, i32) {
    %c0_i32 = arith.constant 0 : i32
    %c0_i32_0 = arith.constant 0 : i32
    %c0_i32_1 = arith.constant 0 : i32
    return %c0_i32, %c0_i32_0 : i32, i32
  }
  func.func @transform_3(%arg0: i32) -> (i32, i32) {
    %c0_i32 = arith.constant 0 : i32
    %c0_i32_0 = arith.constant 0 : i32
    %c0_i32_1 = arith.constant 0 : i32
    return %c0_i32, %c0_i32_0 : i32, i32
  }
  func.func @transform_4(%arg0: i32) -> (i32, i32) {
    %c0_i32 = arith.constant 0 : i32
    %c0_i32_0 = arith.constant 0 : i32
    %c0_i32_1 = arith.constant 0 : i32
    return %c0_i32, %c0_i32_0 : i32, i32
  }
  func.func @transform_5(%arg0: i32) -> (i32, i32) {
    %c0_i32 = arith.constant 0 : i32
    %c0_i32_0 = arith.constant 0 : i32
    return %arg0, %c0_i32 : i32, i32
  }
  func.func @transform_6(%arg0: i32) -> (i32, i32) {
    %c0_i32 = arith.constant 0 : i32
    %c0_i32_0 = arith.constant 0 : i32
    %c0_i32_1 = arith.constant 0 : i32
    return %c0_i32, %c0_i32_0 : i32, i32
  }
  func.func @transform_7(%arg0: i32) -> (i32, i32) {
    %c0_i32 = arith.constant 0 : i32
    %c0_i32_0 = arith.constant 0 : i32
    return %arg0, %c0_i32 : i32, i32
  }
  func.func @transform_8(%arg0: i32) -> (i32, i32) {
    %c0_i32 = arith.constant 0 : i32
    %c0_i32_0 = arith.constant 0 : i32
    return %arg0, %c0_i32 : i32, i32
  }
}

module attributes {stable_mosaic.version = 14 : i64} {
  func.func @_pool_body(%arg0: memref<10000x64xf32, #tpu.memory_space<vmem>>, %arg1: memref<1x64xf32, #tpu.memory_space<vmem>>, %arg2: memref<1x64xf32, #tpu.memory_space<vmem>>, %arg3: memref<1x64xf32, #tpu.memory_space<vmem>>, %arg4: memref<1x64xf32, #tpu.memory_space<vmem>>, %arg5: memref<1x10000xi32, #tpu.memory_space<vmem>>, %arg6: memref<64x1xf32, #tpu.memory_space<vmem>>, %arg7: memref<1x1xf32, #tpu.memory_space<vmem>>, %arg8: memref<64x1xf32, #tpu.memory_space<vmem>>) attributes {dimension_semantics = [], scalar_prefetch = 0 : i64, scratch_operands = 0 : i64, tpu.core_type = #tpu.core_type<tc>} {
    %get3A = arith.constant 0 : index
    %get3A_0 = arith.constant 0 : index
    %get3A_1 = vector.load %arg0[%get3A, %get3A_0] : memref<10000x64xf32, #tpu.memory_space<vmem>>, vector<10000x64xf32>
    %get3A_2 = arith.constant 0 : index
    %get3A_3 = arith.constant 0 : index
    %get3A_4 = vector.load %arg1[%get3A_2, %get3A_3] : memref<1x64xf32, #tpu.memory_space<vmem>>, vector<1x64xf32>
    %sub3A = vector.broadcast %get3A_4 : vector<1x64xf32> to vector<10000x64xf32>
    %sub3A_5 = arith.subf %get3A_1, %sub3A : vector<10000x64xf32>
    %get3A_6 = arith.constant 0 : index
    %get3A_7 = arith.constant 0 : index
    %get3A_8 = vector.load %arg2[%get3A_6, %get3A_7] : memref<1x64xf32, #tpu.memory_space<vmem>>, vector<1x64xf32>
    %add3A = arith.constant 9.99999974E-6 : f32
    %add3A_9 = vector.broadcast %add3A : f32 to vector<1x64xf32>
    %add3A_10 = arith.addf %get3A_8, %add3A_9 : vector<1x64xf32>
    %sqrt3A = math.sqrt %add3A_10 : vector<1x64xf32>
    %div3A = vector.broadcast %sqrt3A : vector<1x64xf32> to vector<10000x64xf32>
    %div3A_11 = arith.divf %sub3A_5, %div3A : vector<10000x64xf32>
    %get3A_12 = arith.constant 0 : index
    %get3A_13 = arith.constant 0 : index
    %get3A_14 = vector.load %arg3[%get3A_12, %get3A_13] : memref<1x64xf32, #tpu.memory_space<vmem>>, vector<1x64xf32>
    %mul3A = vector.broadcast %get3A_14 : vector<1x64xf32> to vector<10000x64xf32>
    %mul3A_15 = arith.mulf %div3A_11, %mul3A : vector<10000x64xf32>
    %get3A_16 = arith.constant 0 : index
    %get3A_17 = arith.constant 0 : index
    %get3A_18 = vector.load %arg4[%get3A_16, %get3A_17] : memref<1x64xf32, #tpu.memory_space<vmem>>, vector<1x64xf32>
    %add3A_19 = vector.broadcast %get3A_18 : vector<1x64xf32> to vector<10000x64xf32>
    %add3A_20 = arith.addf %mul3A_15, %add3A_19 : vector<10000x64xf32>
    %max3A = arith.constant 0.000000e+00 : f32
    %max3A_21 = vector.broadcast %max3A : f32 to vector<10000x64xf32>
    %max3A_22 = arith.maximumf %add3A_20, %max3A_21 : vector<10000x64xf32>
    %iota3A = tpu.iota {dimensions = array<i32: 0>} : vector<64x10000xi32>
    %get3A_23 = arith.constant 0 : index
    %get3A_24 = arith.constant 0 : index
    %get3A_25 = vector.load %arg5[%get3A_23, %get3A_24] : memref<1x10000xi32, #tpu.memory_space<vmem>>, vector<1x10000xi32>
    %eq3A = vector.broadcast %get3A_25 : vector<1x10000xi32> to vector<64x10000xi32>
    %eq3A_26 = arith.cmpi eq, %iota3A, %eq3A : vector<64x10000xi32>
    %convert_element_type3A = arith.extui %eq3A_26 : vector<64x10000xi1> to vector<64x10000xi32>
    %convert_element_type3A_27 = arith.sitofp %convert_element_type3A : vector<64x10000xi32> to vector<64x10000xf32>
    %reduce_sum3A = arith.constant dense<0.000000e+00> : vector<64xf32>
    %reduce_sum3A_28 = vector.multi_reduction <add>, %convert_element_type3A_27, %reduce_sum3A [1] : vector<64x10000xf32> to vector<64xf32>
    %broadcast_in_dim3A = vector.shape_cast %reduce_sum3A_28 : vector<64xf32> to vector<64x1xf32>
    %dot_general3A = arith.constant dense<0.000000e+00> : vector<64x64xf32>
    %dot_general3A_29 = tpu.matmul %convert_element_type3A_27, %max3A_22, %dot_general3A {dimension_numbers = #tpu.dot_dimension_numbers<[1], [0], [0], [1], [0, 0, 1, 1], [], []>, precision = #tpu.contract_precision<fp32>, transpose_lhs_hint = false} : vector<64x10000xf32>, vector<10000x64xf32>, vector<64x64xf32> -> vector<64x64xf32>
    %max3A_30 = arith.constant 1.000000e+00 : f32
    %max3A_31 = vector.broadcast %max3A_30 : f32 to vector<64x1xf32>
    %max3A_32 = arith.maximumf %broadcast_in_dim3A, %max3A_31 : vector<64x1xf32>
    %div3A_33 = vector.broadcast %max3A_32 : vector<64x1xf32> to vector<64x64xf32>
    %div3A_34 = arith.divf %dot_general3A_29, %div3A_33 : vector<64x64xf32>
    %get3A_35 = arith.constant 0 : index
    %get3A_36 = arith.constant 0 : index
    %get3A_37 = vector.load %arg6[%get3A_35, %get3A_36] : memref<64x1xf32, #tpu.memory_space<vmem>>, vector<64x1xf32>
    %dot_general3A_38 = arith.constant dense<0.000000e+00> : vector<64x1xf32>
    %dot_general3A_39 = tpu.matmul %div3A_34, %get3A_37, %dot_general3A_38 {dimension_numbers = #tpu.dot_dimension_numbers<[1], [0], [0], [1], [0, 0, 1, 1], [], []>, precision = #tpu.contract_precision<fp32>, transpose_lhs_hint = false} : vector<64x64xf32>, vector<64x1xf32>, vector<64x1xf32> -> vector<64x1xf32>
    %get3A_40 = arith.constant 0 : index
    %get3A_41 = arith.constant 0 : index
    %get3A_42 = vector.load %arg7[%get3A_40, %get3A_41] : memref<1x1xf32, #tpu.memory_space<vmem>>, vector<1x1xf32>
    %add3A_43 = vector.broadcast %get3A_42 : vector<1x1xf32> to vector<64x1xf32>
    %add3A_44 = arith.addf %dot_general3A_39, %add3A_43 : vector<64x1xf32>
    %swap3A = arith.constant 0 : index
    %swap3A_45 = arith.constant 0 : index
    %swap3A_46 = vector.load %arg8[%swap3A, %swap3A_45] : memref<64x1xf32, #tpu.memory_space<vmem>>, vector<64x1xf32>
    tpu.vector_store %arg8[%swap3A, %swap3A_45], %add3A_44 {strides = array<i32>} : memref<64x1xf32, #tpu.memory_space<vmem>>, vector<64x1xf32>,
    return
  }
}

</mosaic_0001>

<sc_bundles>
// kernel: kernel.14.cloned.1.call-start
scs
__scs_entry_jumppad:
0x0: {  	(pc) =	sbr.rel $0x88, $3  }
0x1: {  	(tag) =	ssettag $0x0;
	lr =	simm.s32 $0x1  }
0x2: {  	[smem:$0x3F90] =	sst lr;
	_ =	strace $0xD0000000  }
0x3: {  	_ = 	snop  }
0x4: {  	_ = 	snop  }
0x5: {  	_ = 	snop  }
0x6: {  	_ = 	snop  }
0x7: {  	_ = 	snop  }
__scs_overlays_trampoline_lowered:
0x8: {  	[smem:$0x3F9F] =	sst s0  }
0x9: {  	[smem:$0x3FA0] =	sst s1  }
0xa: {  	[smem:$0x3FA1] =	sst s2  }
0xb: {  	[smem:$0x3FA2] =	sst s3  }
0xc: {  	[smem:$0x3FA3] =	sst s4  }
0xd: {  	[smem:$0x3FA4] =	sst s5  }
0xe: {  	[smem:$0x3FA5] =	sst s6  }
0xf: {  	[smem:$0x3FA6] =	sst s7  }
0x10: {  	[smem:$0x3FA7] =	sst s8  }
0x11: {  	[smem:$0x3FA8] =	sst s9;
	s0 =	simm.s32 @!p0 $0x0  }
0x12: {  	s1 =	sld [smem:$0x3F8E];
	s0 =	simm.s32 @p0 $0x1  }
0x13: {  	[smem:$0x3FA9] =	sst s0;
	s0 =	simm.s32 @!p1 $0x0  }
0x14: {  	s2 =	sld [smem:$0x3F8D];
	s0 =	simm.s32 @p1 $0x1  }
0x15: {  	[smem:$0x3FAA] =	sst s0;
	s0 =	simm.s32 @!p2 $0x0  }
0x16: {  	s3 =	sld [smem:$0x3FDB];
	s0 =	simm.s32 @p2 $0x1  }
0x17: {  	s4 =	simm.s32 $0x1BF5;
	[smem:$0x3FAC] =	sst s0  }
0x18: {  	s0 =	sld [smem:$0x3F8F];
	_ =	swait.ge [sflag:s4], $0x0  }
0x19: {  	s7 =	sld [smem:$0x3F90]  }
0x1a: {  	s8 =	sadd.s32 $0xFFFFE003, lr  }
0x1b: {  	s9 =	sadd.s32 $0xFFFFFEF7, lr;
	s5 =	simm.s32 $0xFFFFFFFF;
	p2 =	slt.u32 s8, $0xFFFFF086  }
0x1c: {  	p1 =	slt.u32 s9, $0xF7A;
	s5 =	simm.s32 @!p2 $0x0  }
0x1d: {  	s5 =	simm.s32 @p1 $0x1;
	p0 =	seq.s32 s7, s2  }
0x1e: {  	s7 =	smul.u32 @!p0 $0xF7A, s2;
	p2 =	seq.s32 @!p0 s5, $0x0  }
0x1f: {  	s9 =	smul.u32 $0xF7A, s1;
	s8 =	simm.s32 @!p0 $0x1BF5;
	p2 =	por !p2, p0  }
0x20: {  	[sflag:s8] =	ssyncset.s32 @!p0 $0xFFFFF086;
	s6 =	sadd.s32 @!p0 s3, s7;
	s7 =	simm.s32 @!p0 $0x108  }
0x21: {  	s3 =	sadd.s32 s3, s9;
	s6 =	sadd.s32 @!p0 $0x88, s6;
	s7 =	simm.s32 @p2 $0x1082  }
0x22: {  	[simem:s7], [sflag:s8] =	dma.local @!p0 [hbm:s6], $0xF7A  }
0x23: {  	s9 =	sor.u32 $0xD0000000, s2;
	s6 =	simm.s32 $0x108;
	_ =	swait.ge @!p0 [sflag:s8], $0x0  }
0x24: {  	s3 =	sadd.s32 $0x88, s3;
	s6 =	simm.s32 @!p1 $0x1082;
	[sflag:s4] =	ssyncset.s32 $0xFFFFF086  }
0x25: {  	[simem:s6], [sflag:s4] =	dma.local [hbm:s3], $0xF7A  }
0x26: {  	[smem:$0x3F90] =	sst s1;
	(tag) =	ssettag s2;
	_ =	strace s9  }
0x27: {  	s1 =	sld [smem:$0x3FA0]  }
0x28: {  	s2 =	sld [smem:$0x3FA1]  }
0x29: {  	s4 =	sld [smem:$0x3FA3]  }
0x2a: {  	p0 =	seq.s32 s5, $0x0;
	s5 =	sld [smem:$0x3FA4]  }
0x2b: {  	s6 =	sld [smem:$0x3FA5]  }
0x2c: {  	s7 =	sld [smem:$0x3FA6]  }
0x2d: {  	s3 =	simm.s32 $0x108;
	s8 =	sld [smem:$0x3FA7]  }
0x2e: {  	s3 =	simm.s32 @!p0 $0x1082;
	s9 =	sld [smem:$0x3FA8]  }
0x2f: {  	lr =	sadd.s32 s0, s3;
	s0 =	sld [smem:$0x3F9F]  }
0x30: {  	s3 =	sld [smem:$0x3FA2]  }
0x31: {  	[smem:$0x3FAB] =	sst s10  }
0x32: {  	s10 =	sld [smem:$0x3FA9];
	_ =	sdelay $0x3  }
0x33: {  	p0 =	seq.s32 s10, $0x1;
	s10 =	sld [smem:$0x3FAB];
	_ =	sdelay $0x3  }
0x34: {  	[smem:$0x3FAB] =	sst s10  }
0x35: {  	s10 =	sld [smem:$0x3FAA];
	_ =	sdelay $0x3  }
0x36: {  	p1 =	seq.s32 s10, $0x1;
	s10 =	sld [smem:$0x3FAB];
	_ =	sdelay $0x3  }
0x37: {  	[smem:$0x3FAB] =	sst s10  }
0x38: {  	s10 =	sld [smem:$0x3FAC]  }
0x39: {  	_ = 	snop;
	(pc) =	sbr.ind lr, $3  }
0x3a: {  	_ = 	snop  }
0x3b: {  	_ = 	snop  }
0x3c: {  	p2 =	seq.s32 s10, $0x1;
	s10 =	sld [smem:$0x3FAB]  }
0x3d: {  	_ =	shalt  }
0x3e: {  	_ =	shalt  }
0x3f: {  	_ =	shalt  }
0x40: {  	_ =	shalt  }
0x41: {  	_ =	shalt  }
0x42: {  	_ =	shalt  }
0x43: {  	_ =	shalt  }
0x44: {  	_ =	shalt  }
0x45: {  	_ =	shalt  }
0x46: {  	_ =	shalt  }
0x47: {  	_ =	shalt  }
0x48: {  	_ =	shalt  }
0x49: {  	_ =	shalt  }
0x4a: {  	_ =	shalt  }
0x4b: {  	_ =	shalt  }
0x4c: {  	_ =	shalt  }
0x4d: {  	_ =	shalt  }
0x4e: {  	_ =	shalt  }
0x4f: {  	_ =	shalt  }
0x50: {  	_ =	shalt  }
0x51: {  	_ =	shalt  }
0x52: {  	_ =	shalt  }
0x53: {  	_ =	shalt  }
0x54: {  	_ =	shalt  }
0x55: {  	_ =	shalt  }
0x56: {  	_ =	shalt  }
0x57: {  	_ =	shalt  }
0x58: {  	_ =	shalt  }
0x59: {  	_ =	shalt  }
0x5a: {  	_ =	shalt  }
0x5b: {  	_ =	shalt  }
0x5c: {  	_ =	shalt  }
0x5d: {  	_ =	shalt  }
0x5e: {  	_ =	shalt  }
0x5f: {  	_ =	shalt  }
0x60: {  	_ =	shalt  }
0x61: {  	_ =	shalt  }
0x62: {  	_ =	shalt  }
0x63: {  	_ =	shalt  }
0x64: {  	_ =	shalt  }
0x65: {  	_ =	shalt  }
0x66: {  	_ =	shalt  }
0x67: {  	_ =	shalt  }
0x68: {  	_ =	shalt  }
0x69: {  	_ =	shalt  }
0x6a: {  	_ =	shalt  }
0x6b: {  	_ =	shalt  }
0x6c: {  	_ =	shalt  }
0x6d: {  	_ =	shalt  }
0x6e: {  	_ =	shalt  }
0x6f: {  	_ =	shalt  }
0x70: {  	_ =	shalt  }
0x71: {  	_ =	shalt  }
0x72: {  	_ =	shalt  }
0x73: {  	_ =	shalt  }
0x74: {  	_ =	shalt  }
0x75: {  	_ =	shalt  }
0x76: {  	_ =	shalt  }
0x77: {  	_ =	shalt  }
0x78: {  	_ =	shalt  }
0x79: {  	_ =	shalt  }
0x7a: {  	_ =	shalt  }
0x7b: {  	_ =	shalt  }
0x7c: {  	_ =	shalt  }
0x7d: {  	_ =	shalt  }
0x7e: {  	_ =	shalt  }
0x7f: {  	_ =	shalt  }
0x80: {  	_ =	shalt  }
0x81: {  	_ =	shalt  }
0x82: {  	_ =	shalt  }
0x83: {  	_ =	shalt  }
0x84: {  	_ =	shalt  }
0x85: {  	_ =	shalt  }
0x86: {  	_ =	shalt  }
0x87: {  	_ =	shalt  }
.Lfunc_end0:
.L_simem_size_0:
called_computation_lowered:
.L_overlay_start_0:
0x88: {  	s2 =	sld [smem:$0x3FD9]  }
0x89: {  	s3 =	sld [smem:$0x3FFE];
	_ =	sdelay $0x1  }
0x8a: {  	s1 =	srdreg.scid  }
0x8b: {  	s0 =	sand.u32 $0x1, s1  }
0x8c: {  	s16 =	sshll.u32 s0, $0xA;
	s2 =	sadd.s32 s3, s2  }
0x8d: {  	s2 =	sadd.s32 s2, s16  }
0x8e: {  	[smem:$0x3FB7] =	sst s2  }
0x8f: {  	_ = 	snop  }
0x90: {  	(tm) =	ssettm $0x1  }
0x91: {  	s17 =	sld [smem:$0x3FFB];
	_ =	sdelay $0x3  }
0x92: {  	_ =	strace s17  }
0x93: {  	s2 =	sld [smem:$0x3FFC];
	_ =	sdelay $0x3  }
0x94: {  	_ =	strace s2  }
0x95: {  	s2 =	sld [smem:$0x3FFD];
	_ =	sdelay $0x3  }
0x96: {  	_ =	strace s2  }
0x97: {  	_ =	strace $0x8FFFFFFF  }
0x98: {  	s18 =	sld [smem:$0x3FDB];
	_ =	sdelay $0x1  }
0x99: {  	s19 =	simm.s32 $_scs_section_size  }
0x9a: {  	s4 =	simm.s32 $_size__tile_overlayer_lowered;
	s5 =	simm.s32 $_tile_overlayer_lowered  }
0x9b: {  	s22 =	simm.s32 $0x1BFF;
	s21 =	sshll.u32 s5, $0x1;
	s2 =	sadd.s32 s19, s18  }
0x9c: {  	s6 =	simm.s32 $0x0;
	s20 =	sshll.u32 s4, $0x1;
	s4 =	sadd.s32 s21, s2  }
0x9d: {  	[timem:s6], [sflag:s22] =	dma.local [hbm:s4], s20  }
0x9e: {  	_ =	swait.ge [sflag:s22], s20  }
0x9f: {  	s3 =	ssub.s32 $0x0, s20;
	[sflag:s22] =	ssyncset.done $0x0  }
0xa0: {  	[sflag:s22] =	ssyncadd.s32 s3;
	_ =	sdelay $0x1  }
0xa1: {  	s23 =	simm.s32 $0x1B8B  }
0xa2: {  	_ =	swait.ge [sflag:s23], $0x1  }
0xa3: {  	[sflag:s23] =	ssyncset.done $0x0  }
0xa4: {  	s25 =	simm.s32 $0x1B8E;
	s24 =	sld [smem:$0x3FFE];
	[sflag:s23] =	ssyncadd.s32 $0xFFFFFFFF  }
0xa5: {  	s26 =	simm.s32 $execute0_lowered;
	[smem:$0x3FD2] =	sst s25  }
0xa6: {  	s4 =	sshll.u32 s26, $0x1;
	_ =	strace $0x80000046;
	[dreg:$0x1] =	wrdreg $0xFFFFFFFF  }
0xa7: {  	s28 =	simm.s32 $_size_execute0_lowered;
	s2 =	sadd.s32 s2, s4;
	[dreg:$0x0] =	wrdreg $0x0  }
0xa8: {  	s4 =	sshll.u32 s28, $0x1;
	[dreg:$0x2] =	wrdreg s2  }
0xa9: {  	[dreg:$0x3] =	wrdreg s4  }
0xaa: {  	[dreg:$0x4] =	wrdreg $0xC0  }
0xab: {  	_ =	task [dreg:s6], $0x5FFFF  }
0xac: {  	[dreg:$0x1] =	wrdreg $0xFFFFFFFF  }
0xad: {  	[dreg:$0x0] =	wrdreg $0x60  }
0xae: {  	[dreg:$0x2] =	wrdreg s24  }
0xaf: {  	[dreg:$0x3] =	wrdreg $0x2B800  }
0xb0: {  	[dreg:$0x4] =	wrdreg $0x9  }
0xb1: {  	_ =	task.clear_ibuf [dreg:s6], $0x5FFFF;
	_ =	strace $0x90000046  }
0xb2: {  	s29 =	simm.s32 $0x9;
	_ =	strace $0x80000048  }
0xb3: {  	_ =	swait.ge [sflag:s29], $0x1  }
0xb4: {  	[sflag:s29] =	ssyncadd.s32 $0xFFFFFFFF  }
0xb5: {  	_ =	strace $0x90000048  }
0xb6: {  	_ =	sfence  }
0xb7: {  	s30 =	sld [smem:$0x0];
	_ =	sdelay $0x2  }
0xb8: {  	s31 =	sshll.u32 s1, $0xD;
	s1 =	sshrl.u32 s1, $0x2  }
0xb9: {  	s3 =	sand.u32 $0x4000, s31;
	s1 =	sadd.s32 s1, s30  }
0xba: {  	s0 =	sor.u32 s3, s0;
	s1 =	sshll.u32 s1, $0x11  }
0xbb: {  	s0 =	sor.u32 s1, s0  }
0xbc: {  	s0 =	sadd.s32 $0x8F2B, s0  }
0xbd: {  	[sflag:s0] =	ssyncadd.remote.s32 $0x1  }
0xbe: {  	_ =	sfence.sel $0xFFFF  }
0xbf: {  	[dreg:$0x0] =	wrdreg $0xFFFFFFFF;
	(pc) =	sbr.abs _section_cstart, $3  }
0xc0: {  	[dreg:$0x1] =	wrdreg $0xFFFFFFFF  }
0xc1: {  	_ =	task.clear_ibuf [dreg:s6], $0x2FFFF;
	_ =	strace $0x9FFFFFFF  }
0xc2: {  	(tm) =	ssettm $0x7FFFFFFF  }
0xc3: {  	_ =	shalt  }
tec
execute0_lowered:
.L_overlay_start_1:
0x0: {  	(tag) =	ssettag $0x1  }
0x1: {  	s6 =	rddreg [dreg:$0x0]  }
0x2: {  	s0 =	srdreg.scid;
	s2 =	rddreg [dreg:$0x1]  }
0x3: {  	s3 =	simm.s32 $0x0;
	s5 =	sand.u32 $0x1, s0;
	s0 =	stileid.u32  }
0x4: {  	s14 =	simm.s32 $0x80;
	s15 =	simm.s32 $0x0;
	s29 =	smul.u32 $0x13C0, s0  }
0x5: {  	[smem:$0x7FF] =	sst s3;
	s1 =	sshll.u32 s5, $0x4;
	s8 =	smul.u32 $0x13C00, s5  }
0x6: {  	s10 =	ssub.s32 $0x2, s5;
	s5 =	sadd.s32 $0x17600, s6;
	s30 =	sshll.u32 s0, $0x6  }
0x7: {  	s11 =	sor.u32 s0, s1;
	s1 =	rddreg [dreg:$0x2];
	_ =	strace $0x80000047  }
0x8: {  	s12 =	sshrl.u32 s10, $0x1;
	s4 =	smul.u32 $0x4E, s11;
	s7 =	smin.u32 s11, $0x4  }
0x9: {  	s8 =	sadd.s32 s29, s8;
	s10 =	ssub.s32 s10, s12;
	s31 =	sadd.s32 s29, s2  }
0xa: {  	p0 =	sgt.u32 s11, $0x3;
	s12 =	simm.s32 $0x1;
	s4 =	sadd.s32 s7, s4  }
0xb: {  	s8 =	sshrl.u32 s8, $0x3;
	s10 =	smax.u32 s10, $0x1;
	s4 =	sshll.u32 s4, $0x4  }
0xc: {  	s11 =	sshrl.u32 s31, $0x3;
	s13 =	sadd.s32 s8, s6;
	s9 =	sadd.s32 s4, s6  }
0xd: {  	s4 =	sadd.s32 $0x17A00, s6;
	s6 =	sor.u32 $0x1C01, s30;
	s7 =	sadd.s32 $0xD800, s9  }
0xe: {  	s8 =	sadd.s32 $0xDCE0, s9;
	s9 =	sadd.s32 $0x17C00, s13;
	s13 =	simm.s32 $0x2780  }
.LBB2_1:
0xf: {  	[spmem:s11], [sflag:s6] =	dma.local [hbm:s5], $0x278  }
0x10: {  	_ =	swait.ge [sflag:s12], $0x278  }
0x11: {  	[sflag:s12] =	ssyncset.done $0x0  }
0x12: {  	[sflag:s12] =	ssyncadd.s32 $0xFFFFFD88  }
0x13: {  	[tilespmem:s13], [sflag:$0x1] =	stream.linear.gather [hbm4b:s4+s3], $0x400, $0x38;
	[tilespmem:$0x3F40] =	vst v63  }
0x14: {  	_ =	swait.ge [sflag:s12], $0x400  }
0x15: {  	[sflag:s12] =	ssyncset.done $0x0  }
0x16: {  	[sflag:s12] =	ssyncadd.s32 $0xFFFFFC00  }
0x17: {  	[tilespmem:s3], [sflag:$0x1] =	stream.linear.gather [hbm4b:s7+s3], $0x2700, $0x38;
	[tilespmem:$0x3F40] =	vst v63  }
0x18: {  	_ =	swait.ge [sflag:s12], $0x2700  }
0x19: {  	[sflag:s12] =	ssyncset.done $0x0  }
0x1a: {  	s16 =	simm.s32 @!p0 $0x0;
	s17 =	simm.s32 @!p0 $0x2700;
	[sflag:s12] =	ssyncadd.s32 $0xFFFFD900  }
0x1b: {  	[tilespmem:s17], [sflag:$0x1] =	stream.linear.gather @!p0 [hbm4b:s8+s16], $0x80, $0x38;
	[tilespmem:$0x3F40] =	vst v63  }
0x1c: {  	s16 =	simm.s32 @!p0 $0x1  }
0x1d: {  	_ =	swait.ge @!p0 [sflag:s16], $0x80  }
0x1e: {  	[sflag:s16] =	ssyncset.done @!p0 $0x0  }
0x1f: {  	[sflag:s16] =	ssyncadd.s32 @!p0 $0xFFFFFF80;
	s16 =	simm.s32 @!p0 $0x4F  }
0x20: {  	s16 =	simm.s32 @p0 $0x4E  }
0x21: {  	p1 =	sne.s32 s16, $0x1  }
.Ltmp0:
0x22: {  	_ = 	snop;
	(pc) =	sbr.rel @!p1 .LBB2_3-.Ltmp0, $4  }
0x23: {  	[bflag:$0x0] =	sbarrier.arrive $0xFFFF  }
0x24: {  	[spmem:s2] =	stream.indirect.scatter.add.f32 [tilespmem:s13], [sflag:$0x1], $0x8, s3, s14, $0xb8;
	[tilespmem:$0x3F40] =	vst v63  }
0x25: {  	_ =	swait.ge [sflag:s12], $0x400  }
0x26: {  	s17 =	simm.s32 $0x0;
	s16 =	sadd.s32 $0xFFFFFFFF, s16;
	[sflag:s12] =	ssyncset.done $0x0  }
.LBB2_2:
0x27: {  	p1 =	sne.s32 s16, $0x1;
	[sflag:s12] =	ssyncadd.s32 $0xFFFFFC00;
	s17 =	sadd.s32 $0x80, s17  }
.Ltmp1:
0x28: {  	s16 =	sadd.s32 $0xFFFFFFFF, s16;
	(pc) =	sbr.rel @p1 .LBB2_2-.Ltmp1, $4  }
0x29: {  	_ = 	snop  }
0x2a: {  	[spmem:s2] =	stream.indirect.scatter.add.f32 [tilespmem:s13], [sflag:$0x1], $0x8, s17, s14, $0xb8;
	[tilespmem:$0x3F40] =	vst v63  }
0x2b: {  	_ =	swait.ge [sflag:s12], $0x400  }
0x2c: {  	[sflag:s12] =	ssyncset.done $0x0  }
.LBB2_3:
0x2d: {  	s15 =	sadd.s32 $0x1, s15  }
0x2e: {  	[sflag:s12] =	ssyncadd.s32 $0xFFFFFC00;
	p1 =	sne.s32 s15, s10  }
.Ltmp2:
0x2f: {  	[bflag:$0x0] =	sbarrier.arrive $0xFFFF;
	(pc) =	sbr.rel @p1 .LBB2_1-.Ltmp2, $4  }
0x30: {  	[hbm:s9], [sflag:s6] =	dma.local [spmem:s11], $0x278  }
0x31: {  	_ =	swait.ge [sflag:s12], $0x278  }
0x32: {  	[sflag:s12] =	ssyncset.done $0x0  }
0x33: {  	[sflag:s12] =	ssyncadd.s32 $0xFFFFFD88  }
0x34: {  	_ =	sfence.sel $0x180000  }
0x35: {  	[bflag:$0x0] =	sbarrier.arrive $0xFFFF  }
0x36: {  	p0 =	sne.s32 s0, $0x0;
	_ =	strace $0x90000047  }
0x37: {  	s0 =	sadd.s32 @!p0 $0x100000, s1;
	[bflag:$0x2] =	sbarrier.arrive $0xFFFF  }
0x38: {  	[sflag:s0] =	ssyncadd.tile.s32 @!p0 $0x1;
	_ =	shalt  }
.Lfunc_end2:
_tile_overlayer_lowered:
.L_overlay_start_2:
0x39: {  	(tag) =	ssettag $0x2  }
0x3a: {  	s0 =	rddreg [dreg:$0x0];
	s2 =	stileid.u32  }
0x3b: {  	s1 =	rddreg [dreg:$0x1];
	p0 =	sne.s32 s2, $0x0  }
0x3c: {  	s3 =	rddreg [dreg:$0x2];
	[bflag:$0x3] =	sbarrier.arrive $0xFFFF;
	s2 =	simm.s32 @!p0 $0x1C01  }
0x3d: {  	[timem:s3], [sflag:s2] =	dma.local @!p0 [hbm:s0], s1  }
0x3e: {  	s0 =	simm.s32 @!p0 $0x1  }
0x3f: {  	_ =	swait.ge @!p0 [sflag:s0], s1  }
0x40: {  	s1 =	ssub.s32 @!p0 $0x0, s1;
	[sflag:s0] =	ssyncset.done @!p0 $0x0  }
0x41: {  	[sflag:s0] =	ssyncadd.s32 @!p0 s1  }
0x42: {  	[bflag:$0x3] =	sbarrier.arrive $0xFFFF  }
0x43: {  	_ =	shalt  }

// kernel: kernel.17.cloned.1.call-start
scs
__scs_entry_jumppad:
0x0: {  	(pc) =	sbr.rel $0x88, $3  }
0x1: {  	(tag) =	ssettag $0x0;
	lr =	simm.s32 $0x1  }
0x2: {  	[smem:$0x3F90] =	sst lr;
	_ =	strace $0xD0000000  }
0x3: {  	_ = 	snop  }
0x4: {  	_ = 	snop  }
0x5: {  	_ = 	snop  }
0x6: {  	_ = 	snop  }
0x7: {  	_ = 	snop  }
__scs_overlays_trampoline_lowered:
0x8: {  	[smem:$0x3F9F] =	sst s0  }
0x9: {  	[smem:$0x3FA0] =	sst s1  }
0xa: {  	[smem:$0x3FA1] =	sst s2  }
0xb: {  	[smem:$0x3FA2] =	sst s3  }
0xc: {  	[smem:$0x3FA3] =	sst s4  }
0xd: {  	[smem:$0x3FA4] =	sst s5  }
0xe: {  	[smem:$0x3FA5] =	sst s6  }
0xf: {  	[smem:$0x3FA6] =	sst s7  }
0x10: {  	[smem:$0x3FA7] =	sst s8  }
0x11: {  	[smem:$0x3FA8] =	sst s9;
	s0 =	simm.s32 @!p0 $0x0  }
0x12: {  	s1 =	sld [smem:$0x3F8E];
	s0 =	simm.s32 @p0 $0x1  }
0x13: {  	[smem:$0x3FA9] =	sst s0;
	s0 =	simm.s32 @!p1 $0x0  }
0x14: {  	s2 =	sld [smem:$0x3F8D];
	s0 =	simm.s32 @p1 $0x1  }
0x15: {  	[smem:$0x3FAA] =	sst s0;
	s0 =	simm.s32 @!p2 $0x0  }
0x16: {  	s3 =	sld [smem:$0x3FDB];
	s0 =	simm.s32 @p2 $0x1  }
0x17: {  	s4 =	simm.s32 $0x1BF5;
	[smem:$0x3FAC] =	sst s0  }
0x18: {  	s0 =	sld [smem:$0x3F8F];
	_ =	swait.ge [sflag:s4], $0x0  }
0x19: {  	s7 =	sld [smem:$0x3F90]  }
0x1a: {  	s8 =	sadd.s32 $0xFFFFE003, lr  }
0x1b: {  	s9 =	sadd.s32 $0xFFFFFEF7, lr;
	s5 =	simm.s32 $0xFFFFFFFF;
	p2 =	slt.u32 s8, $0xFFFFF086  }
0x1c: {  	p1 =	slt.u32 s9, $0xF7A;
	s5 =	simm.s32 @!p2 $0x0  }
0x1d: {  	s5 =	simm.s32 @p1 $0x1;
	p0 =	seq.s32 s7, s2  }
0x1e: {  	s7 =	smul.u32 @!p0 $0xF7A, s2;
	p2 =	seq.s32 @!p0 s5, $0x0  }
0x1f: {  	s9 =	smul.u32 $0xF7A, s1;
	s8 =	simm.s32 @!p0 $0x1BF5;
	p2 =	por !p2, p0  }
0x20: {  	[sflag:s8] =	ssyncset.s32 @!p0 $0xFFFFF086;
	s6 =	sadd.s32 @!p0 s3, s7;
	s7 =	simm.s32 @!p0 $0x108  }
0x21: {  	s3 =	sadd.s32 s3, s9;
	s6 =	sadd.s32 @!p0 $0x88, s6;
	s7 =	simm.s32 @p2 $0x1082  }
0x22: {  	[simem:s7], [sflag:s8] =	dma.local @!p0 [hbm:s6], $0xF7A  }
0x23: {  	s9 =	sor.u32 $0xD0000000, s2;
	s6 =	simm.s32 $0x108;
	_ =	swait.ge @!p0 [sflag:s8], $0x0  }
0x24: {  	s3 =	sadd.s32 $0x88, s3;
	s6 =	simm.s32 @!p1 $0x1082;
	[sflag:s4] =	ssyncset.s32 $0xFFFFF086  }
0x25: {  	[simem:s6], [sflag:s4] =	dma.local [hbm:s3], $0xF7A  }
0x26: {  	[smem:$0x3F90] =	sst s1;
	(tag) =	ssettag s2;
	_ =	strace s9  }
0x27: {  	s1 =	sld [smem:$0x3FA0]  }
0x28: {  	s2 =	sld [smem:$0x3FA1]  }
0x29: {  	s4 =	sld [smem:$0x3FA3]  }
0x2a: {  	p0 =	seq.s32 s5, $0x0;
	s5 =	sld [smem:$0x3FA4]  }
0x2b: {  	s6 =	sld [smem:$0x3FA5]  }
0x2c: {  	s7 =	sld [smem:$0x3FA6]  }
0x2d: {  	s3 =	simm.s32 $0x108;
	s8 =	sld [smem:$0x3FA7]  }
0x2e: {  	s3 =	simm.s32 @!p0 $0x1082;
	s9 =	sld [smem:$0x3FA8]  }
0x2f: {  	lr =	sadd.s32 s0, s3;
	s0 =	sld [smem:$0x3F9F]  }
0x30: {  	s3 =	sld [smem:$0x3FA2]  }
0x31: {  	[smem:$0x3FAB] =	sst s10  }
0x32: {  	s10 =	sld [smem:$0x3FA9];
	_ =	sdelay $0x3  }
0x33: {  	p0 =	seq.s32 s10, $0x1;
	s10 =	sld [smem:$0x3FAB];
	_ =	sdelay $0x3  }
0x34: {  	[smem:$0x3FAB] =	sst s10  }
0x35: {  	s10 =	sld [smem:$0x3FAA];
	_ =	sdelay $0x3  }
0x36: {  	p1 =	seq.s32 s10, $0x1;
	s10 =	sld [smem:$0x3FAB];
	_ =	sdelay $0x3  }
0x37: {  	[smem:$0x3FAB] =	sst s10  }
0x38: {  	s10 =	sld [smem:$0x3FAC]  }
0x39: {  	_ = 	snop;
	(pc) =	sbr.ind lr, $3  }
0x3a: {  	_ = 	snop  }
0x3b: {  	_ = 	snop  }
0x3c: {  	p2 =	seq.s32 s10, $0x1;
	s10 =	sld [smem:$0x3FAB]  }
0x3d: {  	_ =	shalt  }
0x3e: {  	_ =	shalt  }
0x3f: {  	_ =	shalt  }
0x40: {  	_ =	shalt  }
0x41: {  	_ =	shalt  }
0x42: {  	_ =	shalt  }
0x43: {  	_ =	shalt  }
0x44: {  	_ =	shalt  }
0x45: {  	_ =	shalt  }
0x46: {  	_ =	shalt  }
0x47: {  	_ =	shalt  }
0x48: {  	_ =	shalt  }
0x49: {  	_ =	shalt  }
0x4a: {  	_ =	shalt  }
0x4b: {  	_ =	shalt  }
0x4c: {  	_ =	shalt  }
0x4d: {  	_ =	shalt  }
0x4e: {  	_ =	shalt  }
0x4f: {  	_ =	shalt  }
0x50: {  	_ =	shalt  }
0x51: {  	_ =	shalt  }
0x52: {  	_ =	shalt  }
0x53: {  	_ =	shalt  }
0x54: {  	_ =	shalt  }
0x55: {  	_ =	shalt  }
0x56: {  	_ =	shalt  }
0x57: {  	_ =	shalt  }
0x58: {  	_ =	shalt  }
0x59: {  	_ =	shalt  }
0x5a: {  	_ =	shalt  }
0x5b: {  	_ =	shalt  }
0x5c: {  	_ =	shalt  }
0x5d: {  	_ =	shalt  }
0x5e: {  	_ =	shalt  }
0x5f: {  	_ =	shalt  }
0x60: {  	_ =	shalt  }
0x61: {  	_ =	shalt  }
0x62: {  	_ =	shalt  }
0x63: {  	_ =	shalt  }
0x64: {  	_ =	shalt  }
0x65: {  	_ =	shalt  }
0x66: {  	_ =	shalt  }
0x67: {  	_ =	shalt  }
0x68: {  	_ =	shalt  }
0x69: {  	_ =	shalt  }
0x6a: {  	_ =	shalt  }
0x6b: {  	_ =	shalt  }
0x6c: {  	_ =	shalt  }
0x6d: {  	_ =	shalt  }
0x6e: {  	_ =	shalt  }
0x6f: {  	_ =	shalt  }
0x70: {  	_ =	shalt  }
0x71: {  	_ =	shalt  }
0x72: {  	_ =	shalt  }
0x73: {  	_ =	shalt  }
0x74: {  	_ =	shalt  }
0x75: {  	_ =	shalt  }
0x76: {  	_ =	shalt  }
0x77: {  	_ =	shalt  }
0x78: {  	_ =	shalt  }
0x79: {  	_ =	shalt  }
0x7a: {  	_ =	shalt  }
0x7b: {  	_ =	shalt  }
0x7c: {  	_ =	shalt  }
0x7d: {  	_ =	shalt  }
0x7e: {  	_ =	shalt  }
0x7f: {  	_ =	shalt  }
0x80: {  	_ =	shalt  }
0x81: {  	_ =	shalt  }
0x82: {  	_ =	shalt  }
0x83: {  	_ =	shalt  }
0x84: {  	_ =	shalt  }
0x85: {  	_ =	shalt  }
0x86: {  	_ =	shalt  }
0x87: {  	_ =	shalt  }
.Lfunc_end0:
.L_simem_size_0:
called_computation.1_lowered:
.L_overlay_start_0:
0x88: {  	s2 =	sld [smem:$0x3FD9]  }
0x89: {  	s3 =	sld [smem:$0x3FFE];
	_ =	sdelay $0x1  }
0x8a: {  	s1 =	srdreg.scid  }
0x8b: {  	s0 =	sand.u32 $0x1, s1  }
0x8c: {  	s16 =	sshll.u32 s0, $0xA;
	s2 =	sadd.s32 s3, s2  }
0x8d: {  	s2 =	sadd.s32 s2, s16  }
0x8e: {  	[smem:$0x3FB7] =	sst s2  }
0x8f: {  	_ = 	snop  }
0x90: {  	(tm) =	ssettm $0x1  }
0x91: {  	s17 =	sld [smem:$0x3FFB];
	_ =	sdelay $0x3  }
0x92: {  	_ =	strace s17  }
0x93: {  	s2 =	sld [smem:$0x3FFC];
	_ =	sdelay $0x3  }
0x94: {  	_ =	strace s2  }
0x95: {  	s2 =	sld [smem:$0x3FFD];
	_ =	sdelay $0x3  }
0x96: {  	_ =	strace s2  }
0x97: {  	_ =	strace $0x8FFFFFFF  }
0x98: {  	s18 =	sld [smem:$0x3FDB];
	_ =	sdelay $0x1  }
0x99: {  	s19 =	simm.s32 $_scs_section_size  }
0x9a: {  	s4 =	simm.s32 $_size__tile_overlayer_lowered;
	s5 =	simm.s32 $_tile_overlayer_lowered  }
0x9b: {  	s22 =	simm.s32 $0x1BFF;
	s21 =	sshll.u32 s5, $0x1;
	s2 =	sadd.s32 s19, s18  }
0x9c: {  	s6 =	simm.s32 $0x0;
	s20 =	sshll.u32 s4, $0x1;
	s4 =	sadd.s32 s21, s2  }
0x9d: {  	[timem:s6], [sflag:s22] =	dma.local [hbm:s4], s20  }
0x9e: {  	_ =	swait.ge [sflag:s22], s20  }
0x9f: {  	s3 =	ssub.s32 $0x0, s20;
	[sflag:s22] =	ssyncset.done $0x0  }
0xa0: {  	[sflag:s22] =	ssyncadd.s32 s3;
	_ =	sdelay $0x1  }
0xa1: {  	s23 =	simm.s32 $0x1B8B  }
0xa2: {  	_ =	swait.ge [sflag:s23], $0x1  }
0xa3: {  	[sflag:s23] =	ssyncset.done $0x0  }
0xa4: {  	s25 =	simm.s32 $0x1B8E;
	s24 =	sld [smem:$0x3FFE];
	[sflag:s23] =	ssyncadd.s32 $0xFFFFFFFF  }
0xa5: {  	s26 =	simm.s32 $execute0_lowered;
	[smem:$0x3FD2] =	sst s25  }
0xa6: {  	s4 =	sshll.u32 s26, $0x1;
	_ =	strace $0x80000049;
	[dreg:$0x1] =	wrdreg $0xFFFFFFFF  }
0xa7: {  	s28 =	simm.s32 $_size_execute0_lowered;
	s2 =	sadd.s32 s2, s4;
	[dreg:$0x0] =	wrdreg $0x0  }
0xa8: {  	s4 =	sshll.u32 s28, $0x1;
	[dreg:$0x2] =	wrdreg s2  }
0xa9: {  	[dreg:$0x3] =	wrdreg s4  }
0xaa: {  	[dreg:$0x4] =	wrdreg $0xC0  }
0xab: {  	_ =	task [dreg:s6], $0x5FFFF  }
0xac: {  	[dreg:$0x1] =	wrdreg $0xFFFFFFFF  }
0xad: {  	[dreg:$0x0] =	wrdreg $0x60  }
0xae: {  	[dreg:$0x2] =	wrdreg s24  }
0xaf: {  	[dreg:$0x3] =	wrdreg $0x8F000  }
0xb0: {  	[dreg:$0x4] =	wrdreg $0x12D000  }
0xb1: {  	[dreg:$0x5] =	wrdreg $0x9  }
0xb2: {  	_ =	task.clear_ibuf [dreg:s6], $0x6FFFF;
	_ =	strace $0x90000049  }
0xb3: {  	s29 =	simm.s32 $0x9;
	_ =	strace $0x8000004B  }
0xb4: {  	_ =	swait.ge [sflag:s29], $0x1  }
0xb5: {  	[sflag:s29] =	ssyncadd.s32 $0xFFFFFFFF  }
0xb6: {  	_ =	strace $0x9000004B  }
0xb7: {  	_ =	sfence  }
0xb8: {  	s30 =	sld [smem:$0x0];
	_ =	sdelay $0x2  }
0xb9: {  	s31 =	sshll.u32 s1, $0xD;
	s1 =	sshrl.u32 s1, $0x2  }
0xba: {  	s3 =	sand.u32 $0x4000, s31;
	s1 =	sadd.s32 s1, s30  }
0xbb: {  	s0 =	sor.u32 s3, s0;
	s1 =	sshll.u32 s1, $0x11  }
0xbc: {  	s0 =	sor.u32 s1, s0  }
0xbd: {  	s0 =	sadd.s32 $0x8F2B, s0  }
0xbe: {  	[sflag:s0] =	ssyncadd.remote.s32 $0x1  }
0xbf: {  	_ =	sfence.sel $0xFFFF  }
0xc0: {  	[dreg:$0x0] =	wrdreg $0xFFFFFFFF;
	(pc) =	sbr.abs _section_cstart, $3  }
0xc1: {  	[dreg:$0x1] =	wrdreg $0xFFFFFFFF  }
0xc2: {  	_ =	task.clear_ibuf [dreg:s6], $0x2FFFF;
	_ =	strace $0x9FFFFFFF  }
0xc3: {  	(tm) =	ssettm $0x7FFFFFFF  }
tec
execute0_lowered:
.L_overlay_start_1:
0x0: {  	(tag) =	ssettag $0x1  }
0x1: {  	s6 =	rddreg [dreg:$0x0]  }
0x2: {  	s2 =	rddreg [dreg:$0x1]  }
0x3: {  	s0 =	stileid.u32;
	s3 =	rddreg [dreg:$0x2];
	s4 =	simm.s32 $0x0  }
0x4: {  	s8 =	srdreg.scid;
	s19 =	simm.s32 $0x10;
	s21 =	simm.s32 $0x80  }
0x5: {  	s22 =	simm.s32 $0x4F00;
	s23 =	simm.s32 $0x6F00;
	s28 =	simm.s32 $0x4E00  }
0x6: {  	s29 =	simm.s32 $0x0;
	s7 =	smul.u32 $0x13C00, s0;
	[smem:$0x7FF] =	sst s4  }
0x7: {  	s8 =	sand.u32 $0x1, s8;
	s10 =	sadd.s32 $0x3A00, s6;
	s11 =	sadd.s32 $0xD800, s6  }
0x8: {  	s15 =	smul.u32 $0x9E00, s0;
	s30 =	sshll.u32 s0, $0x6;
	_ =	strace $0x8000004A  }
0x9: {  	s12 =	sshll.u32 s8, $0x4;
	s13 =	sshll.u32 s8, $0x6;
	s8 =	ssub.s32 $0x2, s8  }
0xa: {  	s5 =	sshrl.u32 s7, $0x3;
	s14 =	sor.u32 s0, s12;
	s7 =	sor.u32 s13, s7  }
0xb: {  	s24 =	sshrl.u32 s8, $0x1;
	s17 =	sadd.s32 s15, s2;
	s18 =	sadd.s32 s15, s3  }
0xc: {  	s15 =	simm.s32 $0x3;
	s9 =	sadd.s32 s5, s6;
	s5 =	sadd.s32 $0x3EE00, s6  }
0xd: {  	s12 =	smul.u32 $0x4E, s14;
	s7 =	sshrl.u32 s7, $0x3;
	s13 =	ssub.s32 s8, s24  }
0xe: {  	s25 =	smin.u32 s14, $0x4;
	p0 =	sgt.u32 s14, $0x3;
	s14 =	sshrl.u32 s17, $0x3  }
0xf: {  	s17 =	simm.s32 $0x1;
	s24 =	simm.s32 $0x2;
	s16 =	sadd.s32 s7, s6  }
0x10: {  	s6 =	sor.u32 $0x1C03, s30;
	s7 =	sadd.s32 $0x17600, s9;
	s26 =	sadd.s32 s25, s12  }
0x11: {  	s13 =	smax.u32 s13, $0x1;
	s25 =	simm.s32 $0x2680;
	s12 =	sshll.u32 s26, $0x4  }
0x12: {  	s26 =	simm.s32 $0x4D80;
	s8 =	sadd.s32 s10, s12;
	s31 =	sadd.s32 $0x4E0, s12  }
0x13: {  	s9 =	sadd.s32 s11, s12;
	s12 =	sadd.s32 $0x40200, s16;
	s16 =	sshrl.u32 s18, $0x3  }
0x14: {  	s18 =	simm.s32 $0x8;
	s10 =	sadd.s32 s10, s31;
	s11 =	sadd.s32 s11, s31  }
.LBB2_1:
0x15: {  	[spmem:s14], [sflag:s6] =	dma.local [hbm:s5], $0x13C0  }
0x16: {  	_ =	swait.ge [sflag:s15], $0x13C0  }
0x17: {  	[sflag:s15] =	ssyncset.done $0x0  }
0x18: {  	[sflag:s15] =	ssyncadd.s32 $0xFFFFEC40  }
0x19: {  	[spmem:s16@s18], [sflag:s6] =	dma.strided [hbm:s7@s19], $0x13C0, s17, $0x8   }
0x1a: {  	_ =	swait.ge [sflag:s15], $0x13C0  }
0x1b: {  	[sflag:s15] =	ssyncset.done $0x0  }
0x1c: {  	[sflag:s15] =	ssyncadd.s32 $0xFFFFEC40  }
0x1d: {  	[tilespmem:s4], [sflag:$0x3] =	stream.linear.gather [hbm4b:s8+s4], $0x2700, $0x38;
	[tilespmem:$0x1CB00] =	vst v63  }
0x1e: {  	_ =	swait.ge [sflag:s15], $0x2700  }
0x1f: {  	[sflag:s15] =	ssyncset.done $0x0  }
0x20: {  	s0 =	simm.s32 $0x2780;
	[sflag:s15] =	ssyncadd.s32 $0xFFFFD900  }
0x21: {  	[tilespmem:s0], [sflag:$0x3] =	stream.linear.gather [hbm4b:s9+s4], $0x2700, $0x38;
	[tilespmem:$0x1CB00] =	vst v63  }
0x22: {  	_ =	swait.ge [sflag:s15], $0x2700  }
0x23: {  	[sflag:s15] =	ssyncset.done $0x0  }
0x24: {  	s30 =	simm.s32 @!p0 $0x0;
	s31 =	simm.s32 @!p0 $0x2700;
	[sflag:s15] =	ssyncadd.s32 $0xFFFFD900  }
0x25: {  	[tilespmem:s31], [sflag:$0x3] =	stream.linear.gather @!p0 [hbm4b:s10+s30], $0x80, $0x38;
	[tilespmem:$0x1CB00] =	vst v63  }
0x26: {  	s31 =	simm.s32 @!p0 $0x3  }
0x27: {  	_ =	swait.ge @!p0 [sflag:s31], $0x80  }
0x28: {  	[sflag:s31] =	ssyncset.done @!p0 $0x0  }
0x29: {  	s1 =	simm.s32 @!p0 $0x4E80;
	[sflag:s31] =	ssyncadd.s32 @!p0 $0xFFFFFF80  }
0x2a: {  	[tilespmem:s1], [sflag:$0x3] =	stream.linear.gather @!p0 [hbm4b:s11+s30], $0x80, $0x38;
	[tilespmem:$0x1CB00] =	vst v63  }
0x2b: {  	_ =	swait.ge @!p0 [sflag:s31], $0x80  }
0x2c: {  	[sflag:s31] =	ssyncset.done @!p0 $0x0  }
0x2d: {  	[sflag:s31] =	ssyncadd.s32 @!p0 $0xFFFFFF80  }
0x2e: {  	[bflag:$0x0] =	sbarrier.arrive $0xFFFF  }
0x2f: {  	[tilespmem:s22], [sflag:$0x1] =	stream.indirect.gather [spmem:s3], $0x40, s4, s21, $0xb8;
	[tilespmem:$0x1CB00] =	vst v63  }
0x30: {  	s0 =	simm.s32 $0x80  }
0x31: {  	[tilespmem:s23], [sflag:$0x2] =	stream.indirect.gather [spmem:s3], $0x40, s0, s21, $0xb8;
	[tilespmem:$0x1CB00] =	vst v63  }
0x32: {  	_ =	swait.ge [sflag:s17], $0x2000  }
0x33: {  	[sflag:s17] =	ssyncset.done $0x0  }
0x34: {  	s20 =	simm.s32 $0x2780;
	[sflag:s17] =	ssyncadd.s32 $0xFFFFE000  }
0x35: {  	[spmem:s2] =	stream.indirect.scatter.add.f32 [tilespmem:s22], [sflag:$0x3], $0x40, s20, s21, $0xb8;
	[tilespmem:$0x1CB00] =	vst v63  }
0x36: {  	_ =	swait.ge [sflag:s15], $0x2000  }
0x37: {  	[sflag:s15] =	ssyncset.done $0x0  }
0x38: {  	s0 =	simm.s32 $0x100;
	[sflag:s15] =	ssyncadd.s32 $0xFFFFE000  }
0x39: {  	[tilespmem:s22], [sflag:$0x1] =	stream.indirect.gather [spmem:s3], $0x40, s0, s21, $0xb8;
	[tilespmem:$0x1CB00] =	vst v63  }
0x3a: {  	_ =	swait.ge [sflag:s24], $0x2000  }
0x3b: {  	[sflag:s24] =	ssyncset.done $0x0  }
0x3c: {  	s20 =	simm.s32 $0x2800;
	[sflag:s24] =	ssyncadd.s32 $0xFFFFE000  }
0x3d: {  	[spmem:s2] =	stream.indirect.scatter.add.f32 [tilespmem:s23], [sflag:$0x3], $0x40, s20, s21, $0xb8;
	[tilespmem:$0x1CB00] =	vst v63  }
0x3e: {  	_ =	swait.ge [sflag:s15], $0x2000  }
0x3f: {  	s30 =	simm.s32 $0x100;
	s31 =	simm.s32 $0x800;
	[sflag:s15] =	ssyncset.done $0x0  }
.LBB2_2:
0x40: {  	s1 =	sadd.s32 $0x80, s30  }
0x41: {  	[sflag:s15] =	ssyncadd.s32 $0xFFFFE000;
	s0 =	smov.u32 s31;
	s20 =	sadd.s32 $0x400, s31  }
0x42: {  	[tilespmem:s23], [sflag:$0x2] =	stream.indirect.gather [spmem:s3], $0x40, s1, s21, $0xb8;
	[tilespmem:$0x1CB00] =	vst v63  }
0x43: {  	p1 =	sne.s32 s31, $0x9400;
	_ =	swait.ge [sflag:s17], $0x2000  }
0x44: {  	[sflag:s17] =	ssyncset.done $0x0  }
0x45: {  	s1 =	sadd.s32 $0x2780, s30;
	[sflag:s17] =	ssyncadd.s32 $0xFFFFE000  }
0x46: {  	[spmem:s2] =	stream.indirect.scatter.add.f32 [tilespmem:s22], [sflag:$0x3], $0x40, s1, s21, $0xb8;
	[tilespmem:$0x1CB00] =	vst v63  }
0x47: {  	_ =	swait.ge [sflag:s15], $0x2000  }
0x48: {  	[sflag:s15] =	ssyncset.done $0x0  }
0x49: {  	s1 =	sadd.s32 $0x100, s30;
	[sflag:s15] =	ssyncadd.s32 $0xFFFFE000  }
0x4a: {  	[tilespmem:s22], [sflag:$0x1] =	stream.indirect.gather [spmem:s3], $0x40, s1, s21, $0xb8;
	[tilespmem:$0x1CB00] =	vst v63  }
0x4b: {  	_ =	swait.ge [sflag:s24], $0x2000  }
.Ltmp0:
0x4c: {  	[sflag:s24] =	ssyncset.done $0x0;
	(pc) =	sbr.rel @p1 .LBB2_2-.Ltmp0, $4  }
0x4d: {  	s1 =	sadd.s32 $0x2800, s30;
	[sflag:s24] =	ssyncadd.s32 $0xFFFFE000  }
0x4e: {  	[spmem:s2] =	stream.indirect.scatter.add.f32 [tilespmem:s23], [sflag:$0x3], $0x40, s1, s21, $0xb8;
	[tilespmem:$0x1CB00] =	vst v63  }
0x4f: {  	_ =	swait.ge [sflag:s15], $0x2000  }
0x50: {  	s31 =	smov.u32 s20;
	s30 =	sshra.s32 s0, $0x2;
	[sflag:s15] =	ssyncset.done $0x0  }
0x51: {  	s0 =	sadd.s32 $0x80, s30;
	[sflag:s15] =	ssyncadd.s32 $0xFFFFE000  }
0x52: {  	[tilespmem:s23], [sflag:$0x2] =	stream.indirect.gather [spmem:s3], $0x40, s0, s21, $0xb8;
	[tilespmem:$0x1CB00] =	vst v63  }
0x53: {  	_ =	swait.ge [sflag:s17], $0x2000  }
0x54: {  	[sflag:s17] =	ssyncset.done $0x0  }
0x55: {  	s1 =	sadd.s32 $0x2780, s30;
	[sflag:s17] =	ssyncadd.s32 $0xFFFFE000  }
0x56: {  	[spmem:s2] =	stream.indirect.scatter.add.f32 [tilespmem:s22], [sflag:$0x3], $0x40, s1, s21, $0xb8;
	[tilespmem:$0x1CB00] =	vst v63  }
0x57: {  	_ =	swait.ge [sflag:s15], $0x2000  }
0x58: {  	[sflag:s15] =	ssyncset.done $0x0  }
0x59: {  	s20 =	sadd.s32 $0x100, s30;
	[sflag:s15] =	ssyncadd.s32 $0xFFFFE000  }
0x5a: {  	[tilespmem:s22], [sflag:$0x1] =	stream.indirect.gather [spmem:s3], $0x40, s20, s21, $0xb8;
	[tilespmem:$0x1CB00] =	vst v63  }
0x5b: {  	_ =	swait.ge [sflag:s24], $0x2000  }
0x5c: {  	[sflag:s24] =	ssyncset.done $0x0  }
0x5d: {  	s31 =	sadd.s32 $0x2800, s30;
	[sflag:s24] =	ssyncadd.s32 $0xFFFFE000  }
0x5e: {  	[spmem:s2] =	stream.indirect.scatter.add.f32 [tilespmem:s23], [sflag:$0x3], $0x40, s31, s21, $0xb8;
	[tilespmem:$0x1CB00] =	vst v63  }
0x5f: {  	_ =	swait.ge [sflag:s15], $0x2000  }
0x60: {  	[sflag:s15] =	ssyncset.done $0x0  }
0x61: {  	[sflag:s15] =	ssyncadd.s32 $0xFFFFE000  }
0x62: {  	[tilespmem:s23], [sflag:$0x2] =	stream.indirect.gather [spmem:s3], $0x40, s25, s21, $0xb8;
	[tilespmem:$0x1CB00] =	vst v63  }
0x63: {  	_ =	swait.ge [sflag:s17], $0x2000  }
0x64: {  	[sflag:s17] =	ssyncset.done $0x0  }
0x65: {  	[sflag:s17] =	ssyncadd.s32 $0xFFFFE000  }
0x66: {  	[spmem:s2] =	stream.indirect.scatter.add.f32 [tilespmem:s22], [sflag:$0x3], $0x40, s26, s21, $0xb8;
	[tilespmem:$0x1CB00] =	vst v63  }
0x67: {  	_ =	swait.ge [sflag:s15], $0x2000  }
0x68: {  	[sflag:s15] =	ssyncset.done $0x0  }
0x69: {  	[sflag:s15] =	ssyncadd.s32 $0xFFFFE000  }
0x6a: {  	_ =	swait.ge [sflag:s24], $0x2000  }
0x6b: {  	[sflag:s24] =	ssyncset.done $0x0  }
0x6c: {  	[sflag:s24] =	ssyncadd.s32 $0xFFFFE000  }
0x6d: {  	[spmem:s2] =	stream.indirect.scatter.add.f32 [tilespmem:s23], [sflag:$0x3], $0x40, s28, s21, $0xb8;
	[tilespmem:$0x1CB00] =	vst v63  }
0x6e: {  	_ =	swait.ge [sflag:s15], $0x2000  }
0x6f: {  	s0 =	simm.s32 @!p0 $0x80;
	[sflag:s15] =	ssyncset.done $0x0  }
0x70: {  	s1 =	simm.s32 @!p0 $0x2700;
	s20 =	simm.s32 @!p0 $0x4F00;
	[sflag:s15] =	ssyncadd.s32 $0xFFFFE000  }
0x71: {  	[tilespmem:s20], [sflag:$0x3] =	stream.indirect.gather @!p0 [spmem:s3], $0x40, s1, s0, $0xb8;
	[tilespmem:$0x1CB00] =	vst v63  }
0x72: {  	s1 =	simm.s32 @!p0 $0x3  }
0x73: {  	_ =	swait.ge @!p0 [sflag:s1], $0x2000  }
0x74: {  	[sflag:s1] =	ssyncset.done @!p0 $0x0  }
0x75: {  	s30 =	simm.s32 @!p0 $0x4E80;
	[sflag:s1] =	ssyncadd.s32 @!p0 $0xFFFFE000  }
0x76: {  	[spmem:s2] =	stream.indirect.scatter.add.f32 @!p0 [tilespmem:s20], [sflag:$0x3], $0x40, s30, s0, $0xb8;
	[tilespmem:$0x1CB00] =	vst v63  }
0x77: {  	_ =	swait.ge @!p0 [sflag:s1], $0x2000  }
0x78: {  	s29 =	sadd.s32 $0x1, s29;
	[sflag:s1] =	ssyncset.done @!p0 $0x0  }
0x79: {  	p1 =	sne.s32 s29, s13;
	[sflag:s1] =	ssyncadd.s32 @!p0 $0xFFFFE000  }
.Ltmp1:
0x7a: {  	[bflag:$0x0] =	sbarrier.arrive $0xFFFF;
	(pc) =	sbr.rel @p1 .LBB2_1-.Ltmp1, $4  }
0x7b: {  	[hbm:s12@s19], [sflag:s6] =	dma.strided [spmem:s14@s18], $0x13C0, s17, $0x8   }
0x7c: {  	_ =	swait.ge [sflag:s15], $0x13C0  }
0x7d: {  	[sflag:s15] =	ssyncset.done $0x0  }
0x7e: {  	[sflag:s15] =	ssyncadd.s32 $0xFFFFEC40  }
0x7f: {  	_ =	sfence.sel $0x180000  }
0x80: {  	[bflag:$0x0] =	sbarrier.arrive $0xFFFF  }
0x81: {  	_ =	strace $0x9000004A  }
0x82: {  	s0 =	stileid.u32;
	[bflag:$0x2] =	sbarrier.arrive $0xFFFF  }
0x83: {  	p0 =	sne.s32 s0, $0x0;
	s0 =	rddreg [dreg:$0x3]  }
0x84: {  	s0 =	sadd.s32 @!p0 $0x100000, s0  }
0x85: {  	[sflag:s0] =	ssyncadd.tile.s32 @!p0 $0x1;
	_ =	shalt  }
.Lfunc_end2:
_tile_overlayer_lowered:
.L_overlay_start_2:
0x86: {  	(tag) =	ssettag $0x2  }
0x87: {  	s0 =	rddreg [dreg:$0x0];
	s2 =	stileid.u32  }
0x88: {  	s1 =	rddreg [dreg:$0x1];
	p0 =	sne.s32 s2, $0x0  }
0x89: {  	s3 =	rddreg [dreg:$0x2];
	[bflag:$0x3] =	sbarrier.arrive $0xFFFF;
	s2 =	simm.s32 @!p0 $0x1C03  }
0x8a: {  	[timem:s3], [sflag:s2] =	dma.local @!p0 [hbm:s0], s1  }
0x8b: {  	s0 =	simm.s32 @!p0 $0x3  }
0x8c: {  	_ =	swait.ge @!p0 [sflag:s0], s1  }
0x8d: {  	s1 =	ssub.s32 @!p0 $0x0, s1;
	[sflag:s0] =	ssyncset.done @!p0 $0x0  }
0x8e: {  	[sflag:s0] =	ssyncadd.s32 @!p0 s1  }
0x8f: {  	[bflag:$0x3] =	sbarrier.arrive $0xFFFF  }
0x90: {  	_ =	shalt  }

// kernel: kernel.20.cloned.1.call-start
scs
__scs_entry_jumppad:
0x0: {  	(pc) =	sbr.rel $0x88, $3  }
0x1: {  	(tag) =	ssettag $0x0;
	lr =	simm.s32 $0x1  }
0x2: {  	[smem:$0x3F90] =	sst lr;
	_ =	strace $0xD0000000  }
0x3: {  	_ = 	snop  }
0x4: {  	_ = 	snop  }
0x5: {  	_ = 	snop  }
0x6: {  	_ = 	snop  }
0x7: {  	_ = 	snop  }
__scs_overlays_trampoline_lowered:
0x8: {  	[smem:$0x3F9F] =	sst s0  }
0x9: {  	[smem:$0x3FA0] =	sst s1  }
0xa: {  	[smem:$0x3FA1] =	sst s2  }
0xb: {  	[smem:$0x3FA2] =	sst s3  }
0xc: {  	[smem:$0x3FA3] =	sst s4  }
0xd: {  	[smem:$0x3FA4] =	sst s5  }
0xe: {  	[smem:$0x3FA5] =	sst s6  }
0xf: {  	[smem:$0x3FA6] =	sst s7  }
0x10: {  	[smem:$0x3FA7] =	sst s8  }
0x11: {  	[smem:$0x3FA8] =	sst s9;
	s0 =	simm.s32 @!p0 $0x0  }
0x12: {  	s1 =	sld [smem:$0x3F8E];
	s0 =	simm.s32 @p0 $0x1  }
0x13: {  	[smem:$0x3FA9] =	sst s0;
	s0 =	simm.s32 @!p1 $0x0  }
0x14: {  	s2 =	sld [smem:$0x3F8D];
	s0 =	simm.s32 @p1 $0x1  }
0x15: {  	[smem:$0x3FAA] =	sst s0;
	s0 =	simm.s32 @!p2 $0x0  }
0x16: {  	s3 =	sld [smem:$0x3FDB];
	s0 =	simm.s32 @p2 $0x1  }
0x17: {  	s4 =	simm.s32 $0x1BF5;
	[smem:$0x3FAC] =	sst s0  }
0x18: {  	s0 =	sld [smem:$0x3F8F];
	_ =	swait.ge [sflag:s4], $0x0  }
0x19: {  	s7 =	sld [smem:$0x3F90]  }
0x1a: {  	s8 =	sadd.s32 $0xFFFFE003, lr  }
0x1b: {  	s9 =	sadd.s32 $0xFFFFFEF7, lr;
	s5 =	simm.s32 $0xFFFFFFFF;
	p2 =	slt.u32 s8, $0xFFFFF086  }
0x1c: {  	p1 =	slt.u32 s9, $0xF7A;
	s5 =	simm.s32 @!p2 $0x0  }
0x1d: {  	s5 =	simm.s32 @p1 $0x1;
	p0 =	seq.s32 s7, s2  }
0x1e: {  	s7 =	smul.u32 @!p0 $0xF7A, s2;
	p2 =	seq.s32 @!p0 s5, $0x0  }
0x1f: {  	s9 =	smul.u32 $0xF7A, s1;
	s8 =	simm.s32 @!p0 $0x1BF5;
	p2 =	por !p2, p0  }
0x20: {  	[sflag:s8] =	ssyncset.s32 @!p0 $0xFFFFF086;
	s6 =	sadd.s32 @!p0 s3, s7;
	s7 =	simm.s32 @!p0 $0x108  }
0x21: {  	s3 =	sadd.s32 s3, s9;
	s6 =	sadd.s32 @!p0 $0x88, s6;
	s7 =	simm.s32 @p2 $0x1082  }
0x22: {  	[simem:s7], [sflag:s8] =	dma.local @!p0 [hbm:s6], $0xF7A  }
0x23: {  	s9 =	sor.u32 $0xD0000000, s2;
	s6 =	simm.s32 $0x108;
	_ =	swait.ge @!p0 [sflag:s8], $0x0  }
0x24: {  	s3 =	sadd.s32 $0x88, s3;
	s6 =	simm.s32 @!p1 $0x1082;
	[sflag:s4] =	ssyncset.s32 $0xFFFFF086  }
0x25: {  	[simem:s6], [sflag:s4] =	dma.local [hbm:s3], $0xF7A  }
0x26: {  	[smem:$0x3F90] =	sst s1;
	(tag) =	ssettag s2;
	_ =	strace s9  }
0x27: {  	s1 =	sld [smem:$0x3FA0]  }
0x28: {  	s2 =	sld [smem:$0x3FA1]  }
0x29: {  	s4 =	sld [smem:$0x3FA3]  }
0x2a: {  	p0 =	seq.s32 s5, $0x0;
	s5 =	sld [smem:$0x3FA4]  }
0x2b: {  	s6 =	sld [smem:$0x3FA5]  }
0x2c: {  	s7 =	sld [smem:$0x3FA6]  }
0x2d: {  	s3 =	simm.s32 $0x108;
	s8 =	sld [smem:$0x3FA7]  }
0x2e: {  	s3 =	simm.s32 @!p0 $0x1082;
	s9 =	sld [smem:$0x3FA8]  }
0x2f: {  	lr =	sadd.s32 s0, s3;
	s0 =	sld [smem:$0x3F9F]  }
0x30: {  	s3 =	sld [smem:$0x3FA2]  }
0x31: {  	[smem:$0x3FAB] =	sst s10  }
0x32: {  	s10 =	sld [smem:$0x3FA9];
	_ =	sdelay $0x3  }
0x33: {  	p0 =	seq.s32 s10, $0x1;
	s10 =	sld [smem:$0x3FAB];
	_ =	sdelay $0x3  }
0x34: {  	[smem:$0x3FAB] =	sst s10  }
0x35: {  	s10 =	sld [smem:$0x3FAA];
	_ =	sdelay $0x3  }
0x36: {  	p1 =	seq.s32 s10, $0x1;
	s10 =	sld [smem:$0x3FAB];
	_ =	sdelay $0x3  }
0x37: {  	[smem:$0x3FAB] =	sst s10  }
0x38: {  	s10 =	sld [smem:$0x3FAC]  }
0x39: {  	_ = 	snop;
	(pc) =	sbr.ind lr, $3  }
0x3a: {  	_ = 	snop  }
0x3b: {  	_ = 	snop  }
0x3c: {  	p2 =	seq.s32 s10, $0x1;
	s10 =	sld [smem:$0x3FAB]  }
0x3d: {  	_ =	shalt  }
0x3e: {  	_ =	shalt  }
0x3f: {  	_ =	shalt  }
0x40: {  	_ =	shalt  }
0x41: {  	_ =	shalt  }
0x42: {  	_ =	shalt  }
0x43: {  	_ =	shalt  }
0x44: {  	_ =	shalt  }
0x45: {  	_ =	shalt  }
0x46: {  	_ =	shalt  }
0x47: {  	_ =	shalt  }
0x48: {  	_ =	shalt  }
0x49: {  	_ =	shalt  }
0x4a: {  	_ =	shalt  }
0x4b: {  	_ =	shalt  }
0x4c: {  	_ =	shalt  }
0x4d: {  	_ =	shalt  }
0x4e: {  	_ =	shalt  }
0x4f: {  	_ =	shalt  }
0x50: {  	_ =	shalt  }
0x51: {  	_ =	shalt  }
0x52: {  	_ =	shalt  }
0x53: {  	_ =	shalt  }
0x54: {  	_ =	shalt  }
0x55: {  	_ =	shalt  }
0x56: {  	_ =	shalt  }
0x57: {  	_ =	shalt  }
0x58: {  	_ =	shalt  }
0x59: {  	_ =	shalt  }
0x5a: {  	_ =	shalt  }
0x5b: {  	_ =	shalt  }
0x5c: {  	_ =	shalt  }
0x5d: {  	_ =	shalt  }
0x5e: {  	_ =	shalt  }
0x5f: {  	_ =	shalt  }
0x60: {  	_ =	shalt  }
0x61: {  	_ =	shalt  }
0x62: {  	_ =	shalt  }
0x63: {  	_ =	shalt  }
0x64: {  	_ =	shalt  }
0x65: {  	_ =	shalt  }
0x66: {  	_ =	shalt  }
0x67: {  	_ =	shalt  }
0x68: {  	_ =	shalt  }
0x69: {  	_ =	shalt  }
0x6a: {  	_ =	shalt  }
0x6b: {  	_ =	shalt  }
0x6c: {  	_ =	shalt  }
0x6d: {  	_ =	shalt  }
0x6e: {  	_ =	shalt  }
0x6f: {  	_ =	shalt  }
0x70: {  	_ =	shalt  }
0x71: {  	_ =	shalt  }
0x72: {  	_ =	shalt  }
0x73: {  	_ =	shalt  }
0x74: {  	_ =	shalt  }
0x75: {  	_ =	shalt  }
0x76: {  	_ =	shalt  }
0x77: {  	_ =	shalt  }
0x78: {  	_ =	shalt  }
0x79: {  	_ =	shalt  }
0x7a: {  	_ =	shalt  }
0x7b: {  	_ =	shalt  }
0x7c: {  	_ =	shalt  }
0x7d: {  	_ =	shalt  }
0x7e: {  	_ =	shalt  }
0x7f: {  	_ =	shalt  }
0x80: {  	_ =	shalt  }
0x81: {  	_ =	shalt  }
0x82: {  	_ =	shalt  }
0x83: {  	_ =	shalt  }
0x84: {  	_ =	shalt  }
0x85: {  	_ =	shalt  }
0x86: {  	_ =	shalt  }
0x87: {  	_ =	shalt  }
.Lfunc_end0:
.L_simem_size_0:
called_computation.2_lowered:
.L_overlay_start_0:
0x88: {  	s2 =	sld [smem:$0x3FD9]  }
0x89: {  	s3 =	sld [smem:$0x3FFE];
	_ =	sdelay $0x1  }
0x8a: {  	s1 =	srdreg.scid  }
0x8b: {  	s0 =	sand.u32 $0x1, s1  }
0x8c: {  	s16 =	sshll.u32 s0, $0xA;
	s2 =	sadd.s32 s3, s2  }
0x8d: {  	s2 =	sadd.s32 s2, s16  }
0x8e: {  	[smem:$0x3FB7] =	sst s2  }
0x8f: {  	_ = 	snop  }
0x90: {  	(tm) =	ssettm $0x1  }
0x91: {  	s17 =	sld [smem:$0x3FFB];
	_ =	sdelay $0x3  }
0x92: {  	_ =	strace s17  }
0x93: {  	s2 =	sld [smem:$0x3FFC];
	_ =	sdelay $0x3  }
0x94: {  	_ =	strace s2  }
0x95: {  	s2 =	sld [smem:$0x3FFD];
	_ =	sdelay $0x3  }
0x96: {  	_ =	strace s2  }
0x97: {  	_ =	strace $0x8FFFFFFF  }
0x98: {  	s18 =	sld [smem:$0x3FDB];
	_ =	sdelay $0x1  }
0x99: {  	s19 =	simm.s32 $_scs_section_size  }
0x9a: {  	s4 =	simm.s32 $_size__tile_overlayer_lowered;
	s5 =	simm.s32 $_tile_overlayer_lowered  }
0x9b: {  	s22 =	simm.s32 $0x1BFF;
	s21 =	sshll.u32 s5, $0x1;
	s2 =	sadd.s32 s19, s18  }
0x9c: {  	s6 =	simm.s32 $0x0;
	s20 =	sshll.u32 s4, $0x1;
	s4 =	sadd.s32 s21, s2  }
0x9d: {  	[timem:s6], [sflag:s22] =	dma.local [hbm:s4], s20  }
0x9e: {  	_ =	swait.ge [sflag:s22], s20  }
0x9f: {  	s3 =	ssub.s32 $0x0, s20;
	[sflag:s22] =	ssyncset.done $0x0  }
0xa0: {  	[sflag:s22] =	ssyncadd.s32 s3;
	_ =	sdelay $0x1  }
0xa1: {  	s23 =	simm.s32 $0x1B8B  }
0xa2: {  	_ =	swait.ge [sflag:s23], $0x1  }
0xa3: {  	[sflag:s23] =	ssyncset.done $0x0  }
0xa4: {  	s25 =	simm.s32 $0x1B8E;
	s24 =	sld [smem:$0x3FFE];
	[sflag:s23] =	ssyncadd.s32 $0xFFFFFFFF  }
0xa5: {  	s26 =	simm.s32 $execute0_lowered;
	[smem:$0x3FD2] =	sst s25  }
0xa6: {  	s4 =	sshll.u32 s26, $0x1;
	_ =	strace $0x8000004C;
	[dreg:$0x1] =	wrdreg $0xFFFFFFFF  }
0xa7: {  	s28 =	simm.s32 $_size_execute0_lowered;
	s2 =	sadd.s32 s2, s4;
	[dreg:$0x0] =	wrdreg $0x0  }
0xa8: {  	s4 =	sshll.u32 s28, $0x1;
	[dreg:$0x2] =	wrdreg s2  }
0xa9: {  	[dreg:$0x3] =	wrdreg s4  }
0xaa: {  	[dreg:$0x4] =	wrdreg $0xC0  }
0xab: {  	_ =	task [dreg:s6], $0x5FFFF  }
0xac: {  	[dreg:$0x1] =	wrdreg $0xFFFFFFFF  }
0xad: {  	[dreg:$0x0] =	wrdreg $0x60  }
0xae: {  	[dreg:$0x2] =	wrdreg s24  }
0xaf: {  	[dreg:$0x3] =	wrdreg $0x8F000  }
0xb0: {  	[dreg:$0x4] =	wrdreg $0x12D000  }
0xb1: {  	[dreg:$0x5] =	wrdreg $0x9  }
0xb2: {  	_ =	task.clear_ibuf [dreg:s6], $0x6FFFF;
	_ =	strace $0x9000004C  }
0xb3: {  	s29 =	simm.s32 $0x9;
	_ =	strace $0x8000004E  }
0xb4: {  	_ =	swait.ge [sflag:s29], $0x1  }
0xb5: {  	[sflag:s29] =	ssyncadd.s32 $0xFFFFFFFF  }
0xb6: {  	_ =	strace $0x9000004E  }
0xb7: {  	_ =	sfence  }
0xb8: {  	s30 =	sld [smem:$0x0];
	_ =	sdelay $0x2  }
0xb9: {  	s31 =	sshll.u32 s1, $0xD;
	s1 =	sshrl.u32 s1, $0x2  }
0xba: {  	s3 =	sand.u32 $0x4000, s31;
	s1 =	sadd.s32 s1, s30  }
0xbb: {  	s0 =	sor.u32 s3, s0;
	s1 =	sshll.u32 s1, $0x11  }
0xbc: {  	s0 =	sor.u32 s1, s0  }
0xbd: {  	s0 =	sadd.s32 $0x8F2B, s0  }
0xbe: {  	[sflag:s0] =	ssyncadd.remote.s32 $0x1  }
0xbf: {  	_ =	sfence.sel $0xFFFF  }
0xc0: {  	[dreg:$0x0] =	wrdreg $0xFFFFFFFF;
	(pc) =	sbr.abs _section_cstart, $3  }
0xc1: {  	[dreg:$0x1] =	wrdreg $0xFFFFFFFF  }
0xc2: {  	_ =	task.clear_ibuf [dreg:s6], $0x2FFFF;
	_ =	strace $0x9FFFFFFF  }
0xc3: {  	(tm) =	ssettm $0x7FFFFFFF  }
tec
execute0_lowered:
.L_overlay_start_1:
0x0: {  	(tag) =	ssettag $0x1  }
0x1: {  	s6 =	rddreg [dreg:$0x0]  }
0x2: {  	s2 =	rddreg [dreg:$0x1]  }
0x3: {  	s0 =	stileid.u32;
	s3 =	rddreg [dreg:$0x2];
	s4 =	simm.s32 $0x0  }
0x4: {  	s8 =	srdreg.scid;
	s19 =	simm.s32 $0x10;
	s21 =	simm.s32 $0x80  }
0x5: {  	s22 =	simm.s32 $0x4F00;
	s23 =	simm.s32 $0x6F00;
	s28 =	simm.s32 $0x4E00  }
0x6: {  	s29 =	simm.s32 $0x0;
	s7 =	smul.u32 $0x13C00, s0;
	[smem:$0x7FF] =	sst s4  }
0x7: {  	s8 =	sand.u32 $0x1, s8;
	s10 =	sadd.s32 $0x3A00, s6;
	s11 =	sadd.s32 $0xD800, s6  }
0x8: {  	s15 =	smul.u32 $0x9E00, s0;
	s30 =	sshll.u32 s0, $0x6;
	_ =	strace $0x8000004D  }
0x9: {  	s12 =	sshll.u32 s8, $0x4;
	s13 =	sshll.u32 s8, $0x6;
	s8 =	ssub.s32 $0x2, s8  }
0xa: {  	s5 =	sshrl.u32 s7, $0x3;
	s14 =	sor.u32 s0, s12;
	s7 =	sor.u32 s13, s7  }
0xb: {  	s24 =	sshrl.u32 s8, $0x1;
	s17 =	sadd.s32 s15, s2;
	s18 =	sadd.s32 s15, s3  }
0xc: {  	s15 =	simm.s32 $0x3;
	s9 =	sadd.s32 s5, s6;
	s5 =	sadd.s32 $0x3EE00, s6  }
0xd: {  	s12 =	smul.u32 $0x4E, s14;
	s7 =	sshrl.u32 s7, $0x3;
	s13 =	ssub.s32 s8, s24  }
0xe: {  	s25 =	smin.u32 s14, $0x4;
	p0 =	sgt.u32 s14, $0x3;
	s14 =	sshrl.u32 s17, $0x3  }
0xf: {  	s17 =	simm.s32 $0x1;
	s24 =	simm.s32 $0x2;
	s16 =	sadd.s32 s7, s6  }
0x10: {  	s6 =	sor.u32 $0x1C03, s30;
	s7 =	sadd.s32 $0x17600, s9;
	s26 =	sadd.s32 s25, s12  }
0x11: {  	s13 =	smax.u32 s13, $0x1;
	s25 =	simm.s32 $0x2680;
	s12 =	sshll.u32 s26, $0x4  }
0x12: {  	s26 =	simm.s32 $0x4D80;
	s8 =	sadd.s32 s10, s12;
	s31 =	sadd.s32 $0x4E0, s12  }
0x13: {  	s9 =	sadd.s32 s11, s12;
	s12 =	sadd.s32 $0x40200, s16;
	s16 =	sshrl.u32 s18, $0x3  }
0x14: {  	s18 =	simm.s32 $0x8;
	s10 =	sadd.s32 s10, s31;
	s11 =	sadd.s32 s11, s31  }
.LBB2_1:
0x15: {  	[spmem:s14], [sflag:s6] =	dma.local [hbm:s5], $0x13C0  }
0x16: {  	_ =	swait.ge [sflag:s15], $0x13C0  }
0x17: {  	[sflag:s15] =	ssyncset.done $0x0  }
0x18: {  	[sflag:s15] =	ssyncadd.s32 $0xFFFFEC40  }
0x19: {  	[spmem:s16@s18], [sflag:s6] =	dma.strided [hbm:s7@s19], $0x13C0, s17, $0x8   }
0x1a: {  	_ =	swait.ge [sflag:s15], $0x13C0  }
0x1b: {  	[sflag:s15] =	ssyncset.done $0x0  }
0x1c: {  	[sflag:s15] =	ssyncadd.s32 $0xFFFFEC40  }
0x1d: {  	[tilespmem:s4], [sflag:$0x3] =	stream.linear.gather [hbm4b:s8+s4], $0x2700, $0x38;
	[tilespmem:$0x1CB00] =	vst v63  }
0x1e: {  	_ =	swait.ge [sflag:s15], $0x2700  }
0x1f: {  	[sflag:s15] =	ssyncset.done $0x0  }
0x20: {  	s0 =	simm.s32 $0x2780;
	[sflag:s15] =	ssyncadd.s32 $0xFFFFD900  }
0x21: {  	[tilespmem:s0], [sflag:$0x3] =	stream.linear.gather [hbm4b:s9+s4], $0x2700, $0x38;
	[tilespmem:$0x1CB00] =	vst v63  }
0x22: {  	_ =	swait.ge [sflag:s15], $0x2700  }
0x23: {  	[sflag:s15] =	ssyncset.done $0x0  }
0x24: {  	s30 =	simm.s32 @!p0 $0x0;
	s31 =	simm.s32 @!p0 $0x2700;
	[sflag:s15] =	ssyncadd.s32 $0xFFFFD900  }
0x25: {  	[tilespmem:s31], [sflag:$0x3] =	stream.linear.gather @!p0 [hbm4b:s10+s30], $0x80, $0x38;
	[tilespmem:$0x1CB00] =	vst v63  }
0x26: {  	s31 =	simm.s32 @!p0 $0x3  }
0x27: {  	_ =	swait.ge @!p0 [sflag:s31], $0x80  }
0x28: {  	[sflag:s31] =	ssyncset.done @!p0 $0x0  }
0x29: {  	s1 =	simm.s32 @!p0 $0x4E80;
	[sflag:s31] =	ssyncadd.s32 @!p0 $0xFFFFFF80  }
0x2a: {  	[tilespmem:s1], [sflag:$0x3] =	stream.linear.gather @!p0 [hbm4b:s11+s30], $0x80, $0x38;
	[tilespmem:$0x1CB00] =	vst v63  }
0x2b: {  	_ =	swait.ge @!p0 [sflag:s31], $0x80  }
0x2c: {  	[sflag:s31] =	ssyncset.done @!p0 $0x0  }
0x2d: {  	[sflag:s31] =	ssyncadd.s32 @!p0 $0xFFFFFF80  }
0x2e: {  	[bflag:$0x0] =	sbarrier.arrive $0xFFFF  }
0x2f: {  	[tilespmem:s22], [sflag:$0x1] =	stream.indirect.gather [spmem:s3], $0x40, s4, s21, $0xb8;
	[tilespmem:$0x1CB00] =	vst v63  }
0x30: {  	s0 =	simm.s32 $0x80  }
0x31: {  	[tilespmem:s23], [sflag:$0x2] =	stream.indirect.gather [spmem:s3], $0x40, s0, s21, $0xb8;
	[tilespmem:$0x1CB00] =	vst v63  }
0x32: {  	_ =	swait.ge [sflag:s17], $0x2000  }
0x33: {  	[sflag:s17] =	ssyncset.done $0x0  }
0x34: {  	s20 =	simm.s32 $0x2780;
	[sflag:s17] =	ssyncadd.s32 $0xFFFFE000  }
0x35: {  	[spmem:s2] =	stream.indirect.scatter.add.f32 [tilespmem:s22], [sflag:$0x3], $0x40, s20, s21, $0xb8;
	[tilespmem:$0x1CB00] =	vst v63  }
0x36: {  	_ =	swait.ge [sflag:s15], $0x2000  }
0x37: {  	[sflag:s15] =	ssyncset.done $0x0  }
0x38: {  	s0 =	simm.s32 $0x100;
	[sflag:s15] =	ssyncadd.s32 $0xFFFFE000  }
0x39: {  	[tilespmem:s22], [sflag:$0x1] =	stream.indirect.gather [spmem:s3], $0x40, s0, s21, $0xb8;
	[tilespmem:$0x1CB00] =	vst v63  }
0x3a: {  	_ =	swait.ge [sflag:s24], $0x2000  }
0x3b: {  	[sflag:s24] =	ssyncset.done $0x0  }
0x3c: {  	s20 =	simm.s32 $0x2800;
	[sflag:s24] =	ssyncadd.s32 $0xFFFFE000  }
0x3d: {  	[spmem:s2] =	stream.indirect.scatter.add.f32 [tilespmem:s23], [sflag:$0x3], $0x40, s20, s21, $0xb8;
	[tilespmem:$0x1CB00] =	vst v63  }
0x3e: {  	_ =	swait.ge [sflag:s15], $0x2000  }
0x3f: {  	s30 =	simm.s32 $0x100;
	s31 =	simm.s32 $0x800;
	[sflag:s15] =	ssyncset.done $0x0  }
.LBB2_2:
0x40: {  	s1 =	sadd.s32 $0x80, s30  }
0x41: {  	[sflag:s15] =	ssyncadd.s32 $0xFFFFE000;
	s0 =	smov.u32 s31;
	s20 =	sadd.s32 $0x400, s31  }
0x42: {  	[tilespmem:s23], [sflag:$0x2] =	stream.indirect.gather [spmem:s3], $0x40, s1, s21, $0xb8;
	[tilespmem:$0x1CB00] =	vst v63  }
0x43: {  	p1 =	sne.s32 s31, $0x9400;
	_ =	swait.ge [sflag:s17], $0x2000  }
0x44: {  	[sflag:s17] =	ssyncset.done $0x0  }
0x45: {  	s1 =	sadd.s32 $0x2780, s30;
	[sflag:s17] =	ssyncadd.s32 $0xFFFFE000  }
0x46: {  	[spmem:s2] =	stream.indirect.scatter.add.f32 [tilespmem:s22], [sflag:$0x3], $0x40, s1, s21, $0xb8;
	[tilespmem:$0x1CB00] =	vst v63  }
0x47: {  	_ =	swait.ge [sflag:s15], $0x2000  }
0x48: {  	[sflag:s15] =	ssyncset.done $0x0  }
0x49: {  	s1 =	sadd.s32 $0x100, s30;
	[sflag:s15] =	ssyncadd.s32 $0xFFFFE000  }
0x4a: {  	[tilespmem:s22], [sflag:$0x1] =	stream.indirect.gather [spmem:s3], $0x40, s1, s21, $0xb8;
	[tilespmem:$0x1CB00] =	vst v63  }
0x4b: {  	_ =	swait.ge [sflag:s24], $0x2000  }
.Ltmp0:
0x4c: {  	[sflag:s24] =	ssyncset.done $0x0;
	(pc) =	sbr.rel @p1 .LBB2_2-.Ltmp0, $4  }
0x4d: {  	s1 =	sadd.s32 $0x2800, s30;
	[sflag:s24] =	ssyncadd.s32 $0xFFFFE000  }
0x4e: {  	[spmem:s2] =	stream.indirect.scatter.add.f32 [tilespmem:s23], [sflag:$0x3], $0x40, s1, s21, $0xb8;
	[tilespmem:$0x1CB00] =	vst v63  }
0x4f: {  	_ =	swait.ge [sflag:s15], $0x2000  }
0x50: {  	s31 =	smov.u32 s20;
	s30 =	sshra.s32 s0, $0x2;
	[sflag:s15] =	ssyncset.done $0x0  }
0x51: {  	s0 =	sadd.s32 $0x80, s30;
	[sflag:s15] =	ssyncadd.s32 $0xFFFFE000  }
0x52: {  	[tilespmem:s23], [sflag:$0x2] =	stream.indirect.gather [spmem:s3], $0x40, s0, s21, $0xb8;
	[tilespmem:$0x1CB00] =	vst v63  }
0x53: {  	_ =	swait.ge [sflag:s17], $0x2000  }
0x54: {  	[sflag:s17] =	ssyncset.done $0x0  }
0x55: {  	s1 =	sadd.s32 $0x2780, s30;
	[sflag:s17] =	ssyncadd.s32 $0xFFFFE000  }
0x56: {  	[spmem:s2] =	stream.indirect.scatter.add.f32 [tilespmem:s22], [sflag:$0x3], $0x40, s1, s21, $0xb8;
	[tilespmem:$0x1CB00] =	vst v63  }
0x57: {  	_ =	swait.ge [sflag:s15], $0x2000  }
0x58: {  	[sflag:s15] =	ssyncset.done $0x0  }
0x59: {  	s20 =	sadd.s32 $0x100, s30;
	[sflag:s15] =	ssyncadd.s32 $0xFFFFE000  }
0x5a: {  	[tilespmem:s22], [sflag:$0x1] =	stream.indirect.gather [spmem:s3], $0x40, s20, s21, $0xb8;
	[tilespmem:$0x1CB00] =	vst v63  }
0x5b: {  	_ =	swait.ge [sflag:s24], $0x2000  }
0x5c: {  	[sflag:s24] =	ssyncset.done $0x0  }
0x5d: {  	s31 =	sadd.s32 $0x2800, s30;
	[sflag:s24] =	ssyncadd.s32 $0xFFFFE000  }
0x5e: {  	[spmem:s2] =	stream.indirect.scatter.add.f32 [tilespmem:s23], [sflag:$0x3], $0x40, s31, s21, $0xb8;
	[tilespmem:$0x1CB00] =	vst v63  }
0x5f: {  	_ =	swait.ge [sflag:s15], $0x2000  }
0x60: {  	[sflag:s15] =	ssyncset.done $0x0  }
0x61: {  	[sflag:s15] =	ssyncadd.s32 $0xFFFFE000  }
0x62: {  	[tilespmem:s23], [sflag:$0x2] =	stream.indirect.gather [spmem:s3], $0x40, s25, s21, $0xb8;
	[tilespmem:$0x1CB00] =	vst v63  }
0x63: {  	_ =	swait.ge [sflag:s17], $0x2000  }
0x64: {  	[sflag:s17] =	ssyncset.done $0x0  }
0x65: {  	[sflag:s17] =	ssyncadd.s32 $0xFFFFE000  }
0x66: {  	[spmem:s2] =	stream.indirect.scatter.add.f32 [tilespmem:s22], [sflag:$0x3], $0x40, s26, s21, $0xb8;
	[tilespmem:$0x1CB00] =	vst v63  }
0x67: {  	_ =	swait.ge [sflag:s15], $0x2000  }
0x68: {  	[sflag:s15] =	ssyncset.done $0x0  }
0x69: {  	[sflag:s15] =	ssyncadd.s32 $0xFFFFE000  }
0x6a: {  	_ =	swait.ge [sflag:s24], $0x2000  }
0x6b: {  	[sflag:s24] =	ssyncset.done $0x0  }
0x6c: {  	[sflag:s24] =	ssyncadd.s32 $0xFFFFE000  }
0x6d: {  	[spmem:s2] =	stream.indirect.scatter.add.f32 [tilespmem:s23], [sflag:$0x3], $0x40, s28, s21, $0xb8;
	[tilespmem:$0x1CB00] =	vst v63  }
0x6e: {  	_ =	swait.ge [sflag:s15], $0x2000  }
0x6f: {  	s0 =	simm.s32 @!p0 $0x80;
	[sflag:s15] =	ssyncset.done $0x0  }
0x70: {  	s1 =	simm.s32 @!p0 $0x2700;
	s20 =	simm.s32 @!p0 $0x4F00;
	[sflag:s15] =	ssyncadd.s32 $0xFFFFE000  }
0x71: {  	[tilespmem:s20], [sflag:$0x3] =	stream.indirect.gather @!p0 [spmem:s3], $0x40, s1, s0, $0xb8;
	[tilespmem:$0x1CB00] =	vst v63  }
0x72: {  	s1 =	simm.s32 @!p0 $0x3  }
0x73: {  	_ =	swait.ge @!p0 [sflag:s1], $0x2000  }
0x74: {  	[sflag:s1] =	ssyncset.done @!p0 $0x0  }
0x75: {  	s30 =	simm.s32 @!p0 $0x4E80;
	[sflag:s1] =	ssyncadd.s32 @!p0 $0xFFFFE000  }
0x76: {  	[spmem:s2] =	stream.indirect.scatter.add.f32 @!p0 [tilespmem:s20], [sflag:$0x3], $0x40, s30, s0, $0xb8;
	[tilespmem:$0x1CB00] =	vst v63  }
0x77: {  	_ =	swait.ge @!p0 [sflag:s1], $0x2000  }
0x78: {  	s29 =	sadd.s32 $0x1, s29;
	[sflag:s1] =	ssyncset.done @!p0 $0x0  }
0x79: {  	p1 =	sne.s32 s29, s13;
	[sflag:s1] =	ssyncadd.s32 @!p0 $0xFFFFE000  }
.Ltmp1:
0x7a: {  	[bflag:$0x0] =	sbarrier.arrive $0xFFFF;
	(pc) =	sbr.rel @p1 .LBB2_1-.Ltmp1, $4  }
0x7b: {  	[hbm:s12@s19], [sflag:s6] =	dma.strided [spmem:s14@s18], $0x13C0, s17, $0x8   }
0x7c: {  	_ =	swait.ge [sflag:s15], $0x13C0  }
0x7d: {  	[sflag:s15] =	ssyncset.done $0x0  }
0x7e: {  	[sflag:s15] =	ssyncadd.s32 $0xFFFFEC40  }
0x7f: {  	_ =	sfence.sel $0x180000  }
0x80: {  	[bflag:$0x0] =	sbarrier.arrive $0xFFFF  }
0x81: {  	_ =	strace $0x9000004D  }
0x82: {  	s0 =	stileid.u32;
	[bflag:$0x2] =	sbarrier.arrive $0xFFFF  }
0x83: {  	p0 =	sne.s32 s0, $0x0;
	s0 =	rddreg [dreg:$0x3]  }
0x84: {  	s0 =	sadd.s32 @!p0 $0x100000, s0  }
0x85: {  	[sflag:s0] =	ssyncadd.tile.s32 @!p0 $0x1;
	_ =	shalt  }
.Lfunc_end2:
_tile_overlayer_lowered:
.L_overlay_start_2:
0x86: {  	(tag) =	ssettag $0x2  }
0x87: {  	s0 =	rddreg [dreg:$0x0];
	s2 =	stileid.u32  }
0x88: {  	s1 =	rddreg [dreg:$0x1];
	p0 =	sne.s32 s2, $0x0  }
0x89: {  	s3 =	rddreg [dreg:$0x2];
	[bflag:$0x3] =	sbarrier.arrive $0xFFFF;
	s2 =	simm.s32 @!p0 $0x1C03  }
0x8a: {  	[timem:s3], [sflag:s2] =	dma.local @!p0 [hbm:s0], s1  }
0x8b: {  	s0 =	simm.s32 @!p0 $0x3  }
0x8c: {  	_ =	swait.ge @!p0 [sflag:s0], s1  }
0x8d: {  	s1 =	ssub.s32 @!p0 $0x0, s1;
	[sflag:s0] =	ssyncset.done @!p0 $0x0  }
0x8e: {  	[sflag:s0] =	ssyncadd.s32 @!p0 s1  }
0x8f: {  	[bflag:$0x3] =	sbarrier.arrive $0xFFFF  }
0x90: {  	_ =	shalt  }

// kernel: kernel.23.cloned.1.call-start
scs
__scs_entry_jumppad:
0x0: {  	(pc) =	sbr.rel $0x88, $3  }
0x1: {  	(tag) =	ssettag $0x0;
	lr =	simm.s32 $0x1  }
0x2: {  	[smem:$0x3F90] =	sst lr;
	_ =	strace $0xD0000000  }
0x3: {  	_ = 	snop  }
0x4: {  	_ = 	snop  }
0x5: {  	_ = 	snop  }
0x6: {  	_ = 	snop  }
0x7: {  	_ = 	snop  }
__scs_overlays_trampoline_lowered:
0x8: {  	[smem:$0x3F9F] =	sst s0  }
0x9: {  	[smem:$0x3FA0] =	sst s1  }
0xa: {  	[smem:$0x3FA1] =	sst s2  }
0xb: {  	[smem:$0x3FA2] =	sst s3  }
0xc: {  	[smem:$0x3FA3] =	sst s4  }
0xd: {  	[smem:$0x3FA4] =	sst s5  }
0xe: {  	[smem:$0x3FA5] =	sst s6  }
0xf: {  	[smem:$0x3FA6] =	sst s7  }
0x10: {  	[smem:$0x3FA7] =	sst s8  }
0x11: {  	[smem:$0x3FA8] =	sst s9;
	s0 =	simm.s32 @!p0 $0x0  }
0x12: {  	s1 =	sld [smem:$0x3F8E];
	s0 =	simm.s32 @p0 $0x1  }
0x13: {  	[smem:$0x3FA9] =	sst s0;
	s0 =	simm.s32 @!p1 $0x0  }
0x14: {  	s2 =	sld [smem:$0x3F8D];
	s0 =	simm.s32 @p1 $0x1  }
0x15: {  	[smem:$0x3FAA] =	sst s0;
	s0 =	simm.s32 @!p2 $0x0  }
0x16: {  	s3 =	sld [smem:$0x3FDB];
	s0 =	simm.s32 @p2 $0x1  }
0x17: {  	s4 =	simm.s32 $0x1BF5;
	[smem:$0x3FAC] =	sst s0  }
0x18: {  	s0 =	sld [smem:$0x3F8F];
	_ =	swait.ge [sflag:s4], $0x0  }
0x19: {  	s7 =	sld [smem:$0x3F90]  }
0x1a: {  	s8 =	sadd.s32 $0xFFFFE003, lr  }
0x1b: {  	s9 =	sadd.s32 $0xFFFFFEF7, lr;
	s5 =	simm.s32 $0xFFFFFFFF;
	p2 =	slt.u32 s8, $0xFFFFF086  }
0x1c: {  	p1 =	slt.u32 s9, $0xF7A;
	s5 =	simm.s32 @!p2 $0x0  }
0x1d: {  	s5 =	simm.s32 @p1 $0x1;
	p0 =	seq.s32 s7, s2  }
0x1e: {  	s7 =	smul.u32 @!p0 $0xF7A, s2;
	p2 =	seq.s32 @!p0 s5, $0x0  }
0x1f: {  	s9 =	smul.u32 $0xF7A, s1;
	s8 =	simm.s32 @!p0 $0x1BF5;
	p2 =	por !p2, p0  }
0x20: {  	[sflag:s8] =	ssyncset.s32 @!p0 $0xFFFFF086;
	s6 =	sadd.s32 @!p0 s3, s7;
	s7 =	simm.s32 @!p0 $0x108  }
0x21: {  	s3 =	sadd.s32 s3, s9;
	s6 =	sadd.s32 @!p0 $0x88, s6;
	s7 =	simm.s32 @p2 $0x1082  }
0x22: {  	[simem:s7], [sflag:s8] =	dma.local @!p0 [hbm:s6], $0xF7A  }
0x23: {  	s9 =	sor.u32 $0xD0000000, s2;
	s6 =	simm.s32 $0x108;
	_ =	swait.ge @!p0 [sflag:s8], $0x0  }
0x24: {  	s3 =	sadd.s32 $0x88, s3;
	s6 =	simm.s32 @!p1 $0x1082;
	[sflag:s4] =	ssyncset.s32 $0xFFFFF086  }
0x25: {  	[simem:s6], [sflag:s4] =	dma.local [hbm:s3], $0xF7A  }
0x26: {  	[smem:$0x3F90] =	sst s1;
	(tag) =	ssettag s2;
	_ =	strace s9  }
0x27: {  	s1 =	sld [smem:$0x3FA0]  }
0x28: {  	s2 =	sld [smem:$0x3FA1]  }
0x29: {  	s4 =	sld [smem:$0x3FA3]  }
0x2a: {  	p0 =	seq.s32 s5, $0x0;
	s5 =	sld [smem:$0x3FA4]  }
0x2b: {  	s6 =	sld [smem:$0x3FA5]  }
0x2c: {  	s7 =	sld [smem:$0x3FA6]  }
0x2d: {  	s3 =	simm.s32 $0x108;
	s8 =	sld [smem:$0x3FA7]  }
0x2e: {  	s3 =	simm.s32 @!p0 $0x1082;
	s9 =	sld [smem:$0x3FA8]  }
0x2f: {  	lr =	sadd.s32 s0, s3;
	s0 =	sld [smem:$0x3F9F]  }
0x30: {  	s3 =	sld [smem:$0x3FA2]  }
0x31: {  	[smem:$0x3FAB] =	sst s10  }
0x32: {  	s10 =	sld [smem:$0x3FA9];
	_ =	sdelay $0x3  }
0x33: {  	p0 =	seq.s32 s10, $0x1;
	s10 =	sld [smem:$0x3FAB];
	_ =	sdelay $0x3  }
0x34: {  	[smem:$0x3FAB] =	sst s10  }
0x35: {  	s10 =	sld [smem:$0x3FAA];
	_ =	sdelay $0x3  }
0x36: {  	p1 =	seq.s32 s10, $0x1;
	s10 =	sld [smem:$0x3FAB];
	_ =	sdelay $0x3  }
0x37: {  	[smem:$0x3FAB] =	sst s10  }
0x38: {  	s10 =	sld [smem:$0x3FAC]  }
0x39: {  	_ = 	snop;
	(pc) =	sbr.ind lr, $3  }
0x3a: {  	_ = 	snop  }
0x3b: {  	_ = 	snop  }
0x3c: {  	p2 =	seq.s32 s10, $0x1;
	s10 =	sld [smem:$0x3FAB]  }
0x3d: {  	_ =	shalt  }
0x3e: {  	_ =	shalt  }
0x3f: {  	_ =	shalt  }
0x40: {  	_ =	shalt  }
0x41: {  	_ =	shalt  }
0x42: {  	_ =	shalt  }
0x43: {  	_ =	shalt  }
0x44: {  	_ =	shalt  }
0x45: {  	_ =	shalt  }
0x46: {  	_ =	shalt  }
0x47: {  	_ =	shalt  }
0x48: {  	_ =	shalt  }
0x49: {  	_ =	shalt  }
0x4a: {  	_ =	shalt  }
0x4b: {  	_ =	shalt  }
0x4c: {  	_ =	shalt  }
0x4d: {  	_ =	shalt  }
0x4e: {  	_ =	shalt  }
0x4f: {  	_ =	shalt  }
0x50: {  	_ =	shalt  }
0x51: {  	_ =	shalt  }
0x52: {  	_ =	shalt  }
0x53: {  	_ =	shalt  }
0x54: {  	_ =	shalt  }
0x55: {  	_ =	shalt  }
0x56: {  	_ =	shalt  }
0x57: {  	_ =	shalt  }
0x58: {  	_ =	shalt  }
0x59: {  	_ =	shalt  }
0x5a: {  	_ =	shalt  }
0x5b: {  	_ =	shalt  }
0x5c: {  	_ =	shalt  }
0x5d: {  	_ =	shalt  }
0x5e: {  	_ =	shalt  }
0x5f: {  	_ =	shalt  }
0x60: {  	_ =	shalt  }
0x61: {  	_ =	shalt  }
0x62: {  	_ =	shalt  }
0x63: {  	_ =	shalt  }
0x64: {  	_ =	shalt  }
0x65: {  	_ =	shalt  }
0x66: {  	_ =	shalt  }
0x67: {  	_ =	shalt  }
0x68: {  	_ =	shalt  }
0x69: {  	_ =	shalt  }
0x6a: {  	_ =	shalt  }
0x6b: {  	_ =	shalt  }
0x6c: {  	_ =	shalt  }
0x6d: {  	_ =	shalt  }
0x6e: {  	_ =	shalt  }
0x6f: {  	_ =	shalt  }
0x70: {  	_ =	shalt  }
0x71: {  	_ =	shalt  }
0x72: {  	_ =	shalt  }
0x73: {  	_ =	shalt  }
0x74: {  	_ =	shalt  }
0x75: {  	_ =	shalt  }
0x76: {  	_ =	shalt  }
0x77: {  	_ =	shalt  }
0x78: {  	_ =	shalt  }
0x79: {  	_ =	shalt  }
0x7a: {  	_ =	shalt  }
0x7b: {  	_ =	shalt  }
0x7c: {  	_ =	shalt  }
0x7d: {  	_ =	shalt  }
0x7e: {  	_ =	shalt  }
0x7f: {  	_ =	shalt  }
0x80: {  	_ =	shalt  }
0x81: {  	_ =	shalt  }
0x82: {  	_ =	shalt  }
0x83: {  	_ =	shalt  }
0x84: {  	_ =	shalt  }
0x85: {  	_ =	shalt  }
0x86: {  	_ =	shalt  }
0x87: {  	_ =	shalt  }
.Lfunc_end0:
.L_simem_size_0:
called_computation.3_lowered:
.L_overlay_start_0:
0x88: {  	s2 =	sld [smem:$0x3FD9]  }
0x89: {  	s3 =	sld [smem:$0x3FFE];
	_ =	sdelay $0x1  }
0x8a: {  	s1 =	srdreg.scid  }
0x8b: {  	s0 =	sand.u32 $0x1, s1  }
0x8c: {  	s16 =	sshll.u32 s0, $0xA;
	s2 =	sadd.s32 s3, s2  }
0x8d: {  	s2 =	sadd.s32 s2, s16  }
0x8e: {  	[smem:$0x3FB7] =	sst s2  }
0x8f: {  	_ = 	snop  }
0x90: {  	(tm) =	ssettm $0x1  }
0x91: {  	s17 =	sld [smem:$0x3FFB];
	_ =	sdelay $0x3  }
0x92: {  	_ =	strace s17  }
0x93: {  	s2 =	sld [smem:$0x3FFC];
	_ =	sdelay $0x3  }
0x94: {  	_ =	strace s2  }
0x95: {  	s2 =	sld [smem:$0x3FFD];
	_ =	sdelay $0x3  }
0x96: {  	_ =	strace s2  }
0x97: {  	_ =	strace $0x8FFFFFFF  }
0x98: {  	s18 =	sld [smem:$0x3FDB];
	_ =	sdelay $0x1  }
0x99: {  	s19 =	simm.s32 $_scs_section_size  }
0x9a: {  	s4 =	simm.s32 $_size__tile_overlayer_lowered;
	s5 =	simm.s32 $_tile_overlayer_lowered  }
0x9b: {  	s22 =	simm.s32 $0x1BFF;
	s21 =	sshll.u32 s5, $0x1;
	s2 =	sadd.s32 s19, s18  }
0x9c: {  	s6 =	simm.s32 $0x0;
	s20 =	sshll.u32 s4, $0x1;
	s4 =	sadd.s32 s21, s2  }
0x9d: {  	[timem:s6], [sflag:s22] =	dma.local [hbm:s4], s20  }
0x9e: {  	_ =	swait.ge [sflag:s22], s20  }
0x9f: {  	s3 =	ssub.s32 $0x0, s20;
	[sflag:s22] =	ssyncset.done $0x0  }
0xa0: {  	[sflag:s22] =	ssyncadd.s32 s3;
	_ =	sdelay $0x1  }
0xa1: {  	s23 =	simm.s32 $0x1B8B  }
0xa2: {  	_ =	swait.ge [sflag:s23], $0x1  }
0xa3: {  	[sflag:s23] =	ssyncset.done $0x0  }
0xa4: {  	s25 =	simm.s32 $0x1B8E;
	s24 =	sld [smem:$0x3FFE];
	[sflag:s23] =	ssyncadd.s32 $0xFFFFFFFF  }
0xa5: {  	s26 =	simm.s32 $execute0_lowered;
	[smem:$0x3FD2] =	sst s25  }
0xa6: {  	s4 =	sshll.u32 s26, $0x1;
	_ =	strace $0x8000004F;
	[dreg:$0x1] =	wrdreg $0xFFFFFFFF  }
0xa7: {  	s28 =	simm.s32 $_size_execute0_lowered;
	s2 =	sadd.s32 s2, s4;
	[dreg:$0x0] =	wrdreg $0x0  }
0xa8: {  	s4 =	sshll.u32 s28, $0x1;
	[dreg:$0x2] =	wrdreg s2  }
0xa9: {  	[dreg:$0x3] =	wrdreg s4  }
0xaa: {  	[dreg:$0x4] =	wrdreg $0xC0  }
0xab: {  	_ =	task [dreg:s6], $0x5FFFF  }
0xac: {  	[dreg:$0x1] =	wrdreg $0xFFFFFFFF  }
0xad: {  	[dreg:$0x0] =	wrdreg $0x60  }
0xae: {  	[dreg:$0x2] =	wrdreg s24  }
0xaf: {  	[dreg:$0x3] =	wrdreg $0x8F000  }
0xb0: {  	[dreg:$0x4] =	wrdreg $0x12D000  }
0xb1: {  	[dreg:$0x5] =	wrdreg $0x9  }
0xb2: {  	_ =	task.clear_ibuf [dreg:s6], $0x6FFFF;
	_ =	strace $0x9000004F  }
0xb3: {  	s29 =	simm.s32 $0x9;
	_ =	strace $0x80000051  }
0xb4: {  	_ =	swait.ge [sflag:s29], $0x1  }
0xb5: {  	[sflag:s29] =	ssyncadd.s32 $0xFFFFFFFF  }
0xb6: {  	_ =	strace $0x90000051  }
0xb7: {  	_ =	sfence  }
0xb8: {  	s30 =	sld [smem:$0x0];
	_ =	sdelay $0x2  }
0xb9: {  	s31 =	sshll.u32 s1, $0xD;
	s1 =	sshrl.u32 s1, $0x2  }
0xba: {  	s3 =	sand.u32 $0x4000, s31;
	s1 =	sadd.s32 s1, s30  }
0xbb: {  	s0 =	sor.u32 s3, s0;
	s1 =	sshll.u32 s1, $0x11  }
0xbc: {  	s0 =	sor.u32 s1, s0  }
0xbd: {  	s0 =	sadd.s32 $0x8F2B, s0  }
0xbe: {  	[sflag:s0] =	ssyncadd.remote.s32 $0x1  }
0xbf: {  	_ =	sfence.sel $0xFFFF  }
0xc0: {  	[dreg:$0x0] =	wrdreg $0xFFFFFFFF;
	(pc) =	sbr.abs _section_cstart, $3  }
0xc1: {  	[dreg:$0x1] =	wrdreg $0xFFFFFFFF  }
0xc2: {  	_ =	task.clear_ibuf [dreg:s6], $0x2FFFF;
	_ =	strace $0x9FFFFFFF  }
0xc3: {  	(tm) =	ssettm $0x7FFFFFFF  }
tec
execute0_lowered:
.L_overlay_start_1:
0x0: {  	(tag) =	ssettag $0x1  }
0x1: {  	s6 =	rddreg [dreg:$0x0]  }
0x2: {  	s2 =	rddreg [dreg:$0x1]  }
0x3: {  	s0 =	stileid.u32;
	s3 =	rddreg [dreg:$0x2];
	s4 =	simm.s32 $0x0  }
0x4: {  	s8 =	srdreg.scid;
	s19 =	simm.s32 $0x10;
	s21 =	simm.s32 $0x80  }
0x5: {  	s22 =	simm.s32 $0x4F00;
	s23 =	simm.s32 $0x6F00;
	s28 =	simm.s32 $0x4E00  }
0x6: {  	s29 =	simm.s32 $0x0;
	s7 =	smul.u32 $0x13C00, s0;
	[smem:$0x7FF] =	sst s4  }
0x7: {  	s8 =	sand.u32 $0x1, s8;
	s10 =	sadd.s32 $0x3A00, s6;
	s11 =	sadd.s32 $0xD800, s6  }
0x8: {  	s15 =	smul.u32 $0x9E00, s0;
	s30 =	sshll.u32 s0, $0x6;
	_ =	strace $0x80000050  }
0x9: {  	s12 =	sshll.u32 s8, $0x4;
	s13 =	sshll.u32 s8, $0x6;
	s8 =	ssub.s32 $0x2, s8  }
0xa: {  	s5 =	sshrl.u32 s7, $0x3;
	s14 =	sor.u32 s0, s12;
	s7 =	sor.u32 s13, s7  }
0xb: {  	s24 =	sshrl.u32 s8, $0x1;
	s17 =	sadd.s32 s15, s2;
	s18 =	sadd.s32 s15, s3  }
0xc: {  	s15 =	simm.s32 $0x3;
	s9 =	sadd.s32 s5, s6;
	s5 =	sadd.s32 $0x3EE00, s6  }
0xd: {  	s12 =	smul.u32 $0x4E, s14;
	s7 =	sshrl.u32 s7, $0x3;
	s13 =	ssub.s32 s8, s24  }
0xe: {  	s25 =	smin.u32 s14, $0x4;
	p0 =	sgt.u32 s14, $0x3;
	s14 =	sshrl.u32 s17, $0x3  }
0xf: {  	s17 =	simm.s32 $0x1;
	s24 =	simm.s32 $0x2;
	s16 =	sadd.s32 s7, s6  }
0x10: {  	s6 =	sor.u32 $0x1C03, s30;
	s7 =	sadd.s32 $0x17600, s9;
	s26 =	sadd.s32 s25, s12  }
0x11: {  	s13 =	smax.u32 s13, $0x1;
	s25 =	simm.s32 $0x2680;
	s12 =	sshll.u32 s26, $0x4  }
0x12: {  	s26 =	simm.s32 $0x4D80;
	s8 =	sadd.s32 s10, s12;
	s31 =	sadd.s32 $0x4E0, s12  }
0x13: {  	s9 =	sadd.s32 s11, s12;
	s12 =	sadd.s32 $0x40200, s16;
	s16 =	sshrl.u32 s18, $0x3  }
0x14: {  	s18 =	simm.s32 $0x8;
	s10 =	sadd.s32 s10, s31;
	s11 =	sadd.s32 s11, s31  }
.LBB2_1:
0x15: {  	[spmem:s14], [sflag:s6] =	dma.local [hbm:s5], $0x13C0  }
0x16: {  	_ =	swait.ge [sflag:s15], $0x13C0  }
0x17: {  	[sflag:s15] =	ssyncset.done $0x0  }
0x18: {  	[sflag:s15] =	ssyncadd.s32 $0xFFFFEC40  }
0x19: {  	[spmem:s16@s18], [sflag:s6] =	dma.strided [hbm:s7@s19], $0x13C0, s17, $0x8   }
0x1a: {  	_ =	swait.ge [sflag:s15], $0x13C0  }
0x1b: {  	[sflag:s15] =	ssyncset.done $0x0  }
0x1c: {  	[sflag:s15] =	ssyncadd.s32 $0xFFFFEC40  }
0x1d: {  	[tilespmem:s4], [sflag:$0x3] =	stream.linear.gather [hbm4b:s8+s4], $0x2700, $0x38;
	[tilespmem:$0x1CB00] =	vst v63  }
0x1e: {  	_ =	swait.ge [sflag:s15], $0x2700  }
0x1f: {  	[sflag:s15] =	ssyncset.done $0x0  }
0x20: {  	s0 =	simm.s32 $0x2780;
	[sflag:s15] =	ssyncadd.s32 $0xFFFFD900  }
0x21: {  	[tilespmem:s0], [sflag:$0x3] =	stream.linear.gather [hbm4b:s9+s4], $0x2700, $0x38;
	[tilespmem:$0x1CB00] =	vst v63  }
0x22: {  	_ =	swait.ge [sflag:s15], $0x2700  }
0x23: {  	[sflag:s15] =	ssyncset.done $0x0  }
0x24: {  	s30 =	simm.s32 @!p0 $0x0;
	s31 =	simm.s32 @!p0 $0x2700;
	[sflag:s15] =	ssyncadd.s32 $0xFFFFD900  }
0x25: {  	[tilespmem:s31], [sflag:$0x3] =	stream.linear.gather @!p0 [hbm4b:s10+s30], $0x80, $0x38;
	[tilespmem:$0x1CB00] =	vst v63  }
0x26: {  	s31 =	simm.s32 @!p0 $0x3  }
0x27: {  	_ =	swait.ge @!p0 [sflag:s31], $0x80  }
0x28: {  	[sflag:s31] =	ssyncset.done @!p0 $0x0  }
0x29: {  	s1 =	simm.s32 @!p0 $0x4E80;
	[sflag:s31] =	ssyncadd.s32 @!p0 $0xFFFFFF80  }
0x2a: {  	[tilespmem:s1], [sflag:$0x3] =	stream.linear.gather @!p0 [hbm4b:s11+s30], $0x80, $0x38;
	[tilespmem:$0x1CB00] =	vst v63  }
0x2b: {  	_ =	swait.ge @!p0 [sflag:s31], $0x80  }
0x2c: {  	[sflag:s31] =	ssyncset.done @!p0 $0x0  }
0x2d: {  	[sflag:s31] =	ssyncadd.s32 @!p0 $0xFFFFFF80  }
0x2e: {  	[bflag:$0x0] =	sbarrier.arrive $0xFFFF  }
0x2f: {  	[tilespmem:s22], [sflag:$0x1] =	stream.indirect.gather [spmem:s3], $0x40, s4, s21, $0xb8;
	[tilespmem:$0x1CB00] =	vst v63  }
0x30: {  	s0 =	simm.s32 $0x80  }
0x31: {  	[tilespmem:s23], [sflag:$0x2] =	stream.indirect.gather [spmem:s3], $0x40, s0, s21, $0xb8;
	[tilespmem:$0x1CB00] =	vst v63  }
0x32: {  	_ =	swait.ge [sflag:s17], $0x2000  }
0x33: {  	[sflag:s17] =	ssyncset.done $0x0  }
0x34: {  	s20 =	simm.s32 $0x2780;
	[sflag:s17] =	ssyncadd.s32 $0xFFFFE000  }
0x35: {  	[spmem:s2] =	stream.indirect.scatter.add.f32 [tilespmem:s22], [sflag:$0x3], $0x40, s20, s21, $0xb8;
	[tilespmem:$0x1CB00] =	vst v63  }
0x36: {  	_ =	swait.ge [sflag:s15], $0x2000  }
0x37: {  	[sflag:s15] =	ssyncset.done $0x0  }
0x38: {  	s0 =	simm.s32 $0x100;
	[sflag:s15] =	ssyncadd.s32 $0xFFFFE000  }
0x39: {  	[tilespmem:s22], [sflag:$0x1] =	stream.indirect.gather [spmem:s3], $0x40, s0, s21, $0xb8;
	[tilespmem:$0x1CB00] =	vst v63  }
0x3a: {  	_ =	swait.ge [sflag:s24], $0x2000  }
0x3b: {  	[sflag:s24] =	ssyncset.done $0x0  }
0x3c: {  	s20 =	simm.s32 $0x2800;
	[sflag:s24] =	ssyncadd.s32 $0xFFFFE000  }
0x3d: {  	[spmem:s2] =	stream.indirect.scatter.add.f32 [tilespmem:s23], [sflag:$0x3], $0x40, s20, s21, $0xb8;
	[tilespmem:$0x1CB00] =	vst v63  }
0x3e: {  	_ =	swait.ge [sflag:s15], $0x2000  }
0x3f: {  	s30 =	simm.s32 $0x100;
	s31 =	simm.s32 $0x800;
	[sflag:s15] =	ssyncset.done $0x0  }
.LBB2_2:
0x40: {  	s1 =	sadd.s32 $0x80, s30  }
0x41: {  	[sflag:s15] =	ssyncadd.s32 $0xFFFFE000;
	s0 =	smov.u32 s31;
	s20 =	sadd.s32 $0x400, s31  }
0x42: {  	[tilespmem:s23], [sflag:$0x2] =	stream.indirect.gather [spmem:s3], $0x40, s1, s21, $0xb8;
	[tilespmem:$0x1CB00] =	vst v63  }
0x43: {  	p1 =	sne.s32 s31, $0x9400;
	_ =	swait.ge [sflag:s17], $0x2000  }
0x44: {  	[sflag:s17] =	ssyncset.done $0x0  }
0x45: {  	s1 =	sadd.s32 $0x2780, s30;
	[sflag:s17] =	ssyncadd.s32 $0xFFFFE000  }
0x46: {  	[spmem:s2] =	stream.indirect.scatter.add.f32 [tilespmem:s22], [sflag:$0x3], $0x40, s1, s21, $0xb8;
	[tilespmem:$0x1CB00] =	vst v63  }
0x47: {  	_ =	swait.ge [sflag:s15], $0x2000  }
0x48: {  	[sflag:s15] =	ssyncset.done $0x0  }
0x49: {  	s1 =	sadd.s32 $0x100, s30;
	[sflag:s15] =	ssyncadd.s32 $0xFFFFE000  }
0x4a: {  	[tilespmem:s22], [sflag:$0x1] =	stream.indirect.gather [spmem:s3], $0x40, s1, s21, $0xb8;
	[tilespmem:$0x1CB00] =	vst v63  }
0x4b: {  	_ =	swait.ge [sflag:s24], $0x2000  }
.Ltmp0:
0x4c: {  	[sflag:s24] =	ssyncset.done $0x0;
	(pc) =	sbr.rel @p1 .LBB2_2-.Ltmp0, $4  }
0x4d: {  	s1 =	sadd.s32 $0x2800, s30;
	[sflag:s24] =	ssyncadd.s32 $0xFFFFE000  }
0x4e: {  	[spmem:s2] =	stream.indirect.scatter.add.f32 [tilespmem:s23], [sflag:$0x3], $0x40, s1, s21, $0xb8;
	[tilespmem:$0x1CB00] =	vst v63  }
0x4f: {  	_ =	swait.ge [sflag:s15], $0x2000  }
0x50: {  	s31 =	smov.u32 s20;
	s30 =	sshra.s32 s0, $0x2;
	[sflag:s15] =	ssyncset.done $0x0  }
0x51: {  	s0 =	sadd.s32 $0x80, s30;
	[sflag:s15] =	ssyncadd.s32 $0xFFFFE000  }
0x52: {  	[tilespmem:s23], [sflag:$0x2] =	stream.indirect.gather [spmem:s3], $0x40, s0, s21, $0xb8;
	[tilespmem:$0x1CB00] =	vst v63  }
0x53: {  	_ =	swait.ge [sflag:s17], $0x2000  }
0x54: {  	[sflag:s17] =	ssyncset.done $0x0  }
0x55: {  	s1 =	sadd.s32 $0x2780, s30;
	[sflag:s17] =	ssyncadd.s32 $0xFFFFE000  }
0x56: {  	[spmem:s2] =	stream.indirect.scatter.add.f32 [tilespmem:s22], [sflag:$0x3], $0x40, s1, s21, $0xb8;
	[tilespmem:$0x1CB00] =	vst v63  }
0x57: {  	_ =	swait.ge [sflag:s15], $0x2000  }
0x58: {  	[sflag:s15] =	ssyncset.done $0x0  }
0x59: {  	s20 =	sadd.s32 $0x100, s30;
	[sflag:s15] =	ssyncadd.s32 $0xFFFFE000  }
0x5a: {  	[tilespmem:s22], [sflag:$0x1] =	stream.indirect.gather [spmem:s3], $0x40, s20, s21, $0xb8;
	[tilespmem:$0x1CB00] =	vst v63  }
0x5b: {  	_ =	swait.ge [sflag:s24], $0x2000  }
0x5c: {  	[sflag:s24] =	ssyncset.done $0x0  }
0x5d: {  	s31 =	sadd.s32 $0x2800, s30;
	[sflag:s24] =	ssyncadd.s32 $0xFFFFE000  }
0x5e: {  	[spmem:s2] =	stream.indirect.scatter.add.f32 [tilespmem:s23], [sflag:$0x3], $0x40, s31, s21, $0xb8;
	[tilespmem:$0x1CB00] =	vst v63  }
0x5f: {  	_ =	swait.ge [sflag:s15], $0x2000  }
0x60: {  	[sflag:s15] =	ssyncset.done $0x0  }
0x61: {  	[sflag:s15] =	ssyncadd.s32 $0xFFFFE000  }
0x62: {  	[tilespmem:s23], [sflag:$0x2] =	stream.indirect.gather [spmem:s3], $0x40, s25, s21, $0xb8;
	[tilespmem:$0x1CB00] =	vst v63  }
0x63: {  	_ =	swait.ge [sflag:s17], $0x2000  }
0x64: {  	[sflag:s17] =	ssyncset.done $0x0  }
0x65: {  	[sflag:s17] =	ssyncadd.s32 $0xFFFFE000  }
0x66: {  	[spmem:s2] =	stream.indirect.scatter.add.f32 [tilespmem:s22], [sflag:$0x3], $0x40, s26, s21, $0xb8;
	[tilespmem:$0x1CB00] =	vst v63  }
0x67: {  	_ =	swait.ge [sflag:s15], $0x2000  }
0x68: {  	[sflag:s15] =	ssyncset.done $0x0  }
0x69: {  	[sflag:s15] =	ssyncadd.s32 $0xFFFFE000  }
0x6a: {  	_ =	swait.ge [sflag:s24], $0x2000  }
0x6b: {  	[sflag:s24] =	ssyncset.done $0x0  }
0x6c: {  	[sflag:s24] =	ssyncadd.s32 $0xFFFFE000  }
0x6d: {  	[spmem:s2] =	stream.indirect.scatter.add.f32 [tilespmem:s23], [sflag:$0x3], $0x40, s28, s21, $0xb8;
	[tilespmem:$0x1CB00] =	vst v63  }
0x6e: {  	_ =	swait.ge [sflag:s15], $0x2000  }
0x6f: {  	s0 =	simm.s32 @!p0 $0x80;
	[sflag:s15] =	ssyncset.done $0x0  }
0x70: {  	s1 =	simm.s32 @!p0 $0x2700;
	s20 =	simm.s32 @!p0 $0x4F00;
	[sflag:s15] =	ssyncadd.s32 $0xFFFFE000  }
0x71: {  	[tilespmem:s20], [sflag:$0x3] =	stream.indirect.gather @!p0 [spmem:s3], $0x40, s1, s0, $0xb8;
	[tilespmem:$0x1CB00] =	vst v63  }
0x72: {  	s1 =	simm.s32 @!p0 $0x3  }
0x73: {  	_ =	swait.ge @!p0 [sflag:s1], $0x2000  }
0x74: {  	[sflag:s1] =	ssyncset.done @!p0 $0x0  }
0x75: {  	s30 =	simm.s32 @!p0 $0x4E80;
	[sflag:s1] =	ssyncadd.s32 @!p0 $0xFFFFE000  }
0x76: {  	[spmem:s2] =	stream.indirect.scatter.add.f32 @!p0 [tilespmem:s20], [sflag:$0x3], $0x40, s30, s0, $0xb8;
	[tilespmem:$0x1CB00] =	vst v63  }
0x77: {  	_ =	swait.ge @!p0 [sflag:s1], $0x2000  }
0x78: {  	s29 =	sadd.s32 $0x1, s29;
	[sflag:s1] =	ssyncset.done @!p0 $0x0  }
0x79: {  	p1 =	sne.s32 s29, s13;
	[sflag:s1] =	ssyncadd.s32 @!p0 $0xFFFFE000  }
.Ltmp1:
0x7a: {  	[bflag:$0x0] =	sbarrier.arrive $0xFFFF;
	(pc) =	sbr.rel @p1 .LBB2_1-.Ltmp1, $4  }
0x7b: {  	[hbm:s12@s19], [sflag:s6] =	dma.strided [spmem:s14@s18], $0x13C0, s17, $0x8   }
0x7c: {  	_ =	swait.ge [sflag:s15], $0x13C0  }
0x7d: {  	[sflag:s15] =	ssyncset.done $0x0  }
0x7e: {  	[sflag:s15] =	ssyncadd.s32 $0xFFFFEC40  }
0x7f: {  	_ =	sfence.sel $0x180000  }
0x80: {  	[bflag:$0x0] =	sbarrier.arrive $0xFFFF  }
0x81: {  	_ =	strace $0x90000050  }
0x82: {  	s0 =	stileid.u32;
	[bflag:$0x2] =	sbarrier.arrive $0xFFFF  }
0x83: {  	p0 =	sne.s32 s0, $0x0;
	s0 =	rddreg [dreg:$0x3]  }
0x84: {  	s0 =	sadd.s32 @!p0 $0x100000, s0  }
0x85: {  	[sflag:s0] =	ssyncadd.tile.s32 @!p0 $0x1;
	_ =	shalt  }
.Lfunc_end2:
_tile_overlayer_lowered:
.L_overlay_start_2:
0x86: {  	(tag) =	ssettag $0x2  }
0x87: {  	s0 =	rddreg [dreg:$0x0];
	s2 =	stileid.u32  }
0x88: {  	s1 =	rddreg [dreg:$0x1];
	p0 =	sne.s32 s2, $0x0  }
0x89: {  	s3 =	rddreg [dreg:$0x2];
	[bflag:$0x3] =	sbarrier.arrive $0xFFFF;
	s2 =	simm.s32 @!p0 $0x1C03  }
0x8a: {  	[timem:s3], [sflag:s2] =	dma.local @!p0 [hbm:s0], s1  }
0x8b: {  	s0 =	simm.s32 @!p0 $0x3  }
0x8c: {  	_ =	swait.ge @!p0 [sflag:s0], s1  }
0x8d: {  	s1 =	ssub.s32 @!p0 $0x0, s1;
	[sflag:s0] =	ssyncset.done @!p0 $0x0  }
0x8e: {  	[sflag:s0] =	ssyncadd.s32 @!p0 s1  }
0x8f: {  	[bflag:$0x3] =	sbarrier.arrive $0xFFFF  }
0x90: {  	_ =	shalt  }

</sc_bundles>
